<compile_context>
chip_gen: v7x
topology: tpu7x:2x2x1
jax: 0.10.2.dev20260603
libtpu: 0.0.44.dev20260713+nightly
codegen_flags: <defaults>
</compile_context>

<pallas_src>
import functools

import jax
import jax.numpy as jnp
from jax import lax
from jax.experimental import pallas as pl
from jax.experimental.pallas import tpu as pltpu
from jax.experimental.pallas import tpu_sc as plsc

_NC = 2
_NS = 16
_NW = _NC * _NS
_CH = 80
_F = 64
_NPAD = 10240


def _relu(v):
    return jnp.maximum(v, 0.0)


def _dot(a, b):
    return jnp.dot(a, b, preferred_element_type=jnp.float32)



def _edge_mlp(hs, hd, e, w1a, w1b, w1c, b1, lin2, lin3, lin4):
    E = e.shape[0]
    br = 4000
    grid = E // br
    wide_spec = pl.BlockSpec((br, 2 * _F), lambda i: (i, 0))
    feat_spec = pl.BlockSpec((br, _F), lambda i: (i, 0))

    def cspec(shape):
        return pl.BlockSpec(shape, lambda i: (0, 0))

    bf = jnp.bfloat16

    def body(hs_ref, hd_ref, e_ref, w1a_ref, w1b_ref, w1c_ref, b1_ref,
             w2_ref, b2_ref, w3_ref, b3_ref, w4_ref, b4_ref, out_ref):
        z = _relu(_dot(hs_ref[...].astype(bf), w1a_ref[...])
                  + _dot(hd_ref[...].astype(bf), w1b_ref[...])
                  + _dot(e_ref[...].astype(bf), w1c_ref[...]) + b1_ref[...])
        z = _relu(_dot(z.astype(bf), w2_ref[...]) + b2_ref[...])
        z = _relu(_dot(z.astype(bf), w3_ref[...]) + b3_ref[...])
        out_ref[...] = _relu(_dot(z.astype(bf), w4_ref[...]) + b4_ref[...])

    (w2, b2), (w3, b3), (w4, b4) = lin2, lin3, lin4
    return pl.pallas_call(
        body,
        grid=(grid,),
        in_specs=[wide_spec, wide_spec, feat_spec,
                  cspec((2 * _F, _F)), cspec((2 * _F, _F)), cspec((_F, _F)),
                  cspec((1, _F)), cspec((_F, _F)), cspec((1, _F)),
                  cspec((_F, _F)), cspec((1, _F)), cspec((_F, _F)),
                  cspec((1, _F))],
        out_specs=feat_spec,
        out_shape=jax.ShapeDtypeStruct((E, _F), jnp.float32),
    )(hs, hd, e, w1a.astype(bf), w1b.astype(bf), w1c.astype(bf), b1[None, :],
      w2.astype(bf), b2[None, :], w3.astype(bf), b3[None, :],
      w4.astype(bf), b4[None, :])


def _node_mlp(aggf, h, v1a, v1b, b1, lin2, lin3, lin4):
    n, dh = h.shape

    def body(aggf_ref, h_ref, va_ref, vb_ref, b1_ref,
             w2_ref, b2_ref, w3_ref, b3_ref, w4_ref, b4_ref, out_ref):
        agg = aggf_ref[0:n, :] + aggf_ref[_NPAD:_NPAD + n, :]
        z = _relu(_dot(agg, va_ref[...]) + _dot(h_ref[...], vb_ref[...])
                  + b1_ref[...])
        z = _relu(_dot(z, w2_ref[...]) + b2_ref[...])
        z = _relu(_dot(z, w3_ref[...]) + b3_ref[...])
        out_ref[...] = _relu(_dot(z, w4_ref[...]) + b4_ref[...])

    (w2, b2), (w3, b3), (w4, b4) = lin2, lin3, lin4
    return pl.pallas_call(
        body,
        out_shape=jax.ShapeDtypeStruct((n, _F), jnp.float32),
    )(aggf, h, v1a, v1b, b1[None, :], w2, b2[None, :],
      w3, b3[None, :], w4, b4[None, :])



def _sc_gather(pa, pb, src, dst):
    E = src.shape[0]
    w = pa.shape[1]
    epw = E // _NW
    nch = epw // _CH
    mesh = plsc.VectorSubcoreMesh(core_axis_name="c", subcore_axis_name="s")

    slot_scratch = [
        pltpu.VMEM((_CH,), jnp.int32),
        pltpu.VMEM((_CH,), jnp.int32),
        pltpu.VMEM((_CH, w), jnp.float32),
        pltpu.VMEM((_CH, w), jnp.float32),
        pltpu.SemaphoreType.DMA,
        pltpu.SemaphoreType.DMA,
    ]

    @functools.partial(
        pl.kernel,
        mesh=mesh,
        out_type=[jax.ShapeDtypeStruct((E, w), jnp.float32)] * 2,
        scratch_types=slot_scratch + slot_scratch,
    )
    def k(pa_h, pb_h, src_h, dst_h, ga_h, gb_h,
          ia0, ib0, ba0, bb0, sa0, sb0, ia1, ib1, ba1, bb1, sa1, sb1):
        wid = lax.axis_index("c") * _NS + lax.axis_index("s")
        base = wid * epw
        slots = ((ia0, ib0, ba0, bb0, sa0, sb0),
                 (ia1, ib1, ba1, bb1, sa1, sb1))

        def prep(i, sl):
            ia, ib, ba, bb, sa, sb = slots[sl]
            off = base + i * _CH
            pltpu.sync_copy(src_h.at[pl.ds(off, _CH)], ia)
            pltpu.sync_copy(dst_h.at[pl.ds(off, _CH)], ib)
            pltpu.async_copy(pa_h.at[ia], ba, sa)
            pltpu.async_copy(pb_h.at[ib], bb, sb)

        def fin(i, sl):
            ia, ib, ba, bb, sa, sb = slots[sl]
            off = base + i * _CH
            pltpu.make_async_copy(pa_h.at[ia], ba, sa).wait()
            pltpu.make_async_copy(pb_h.at[ib], bb, sb).wait()
            pltpu.sync_copy(ba, ga_h.at[pl.ds(off, _CH)])
            pltpu.sync_copy(bb, gb_h.at[pl.ds(off, _CH)])

        prep(0, 0)

        def body(j, carry):
            i0 = 2 * j
            i1 = i0 + 1

            @pl.when(i1 < nch)
            def _p1():
                prep(i1, 1)

            fin(i0, 0)

            @pl.when(i1 + 1 < nch)
            def _p2():
                prep(i1 + 1, 0)

            @pl.when(i1 < nch)
            def _f1():
                fin(i1, 1)

            return carry

        lax.fori_loop(0, (nch + 1) // 2, body, 0)

    return k(pa, pb, src, dst)


def _sc_scatter(ep, dst, zero_ch, rowids):
    E = dst.shape[0]
    epw = E // _NW
    nch = epw // _CH
    rpt = _NPAD // _NS
    mesh = plsc.VectorSubcoreMesh(core_axis_name="c", subcore_axis_name="s")

    @functools.partial(
        pl.kernel,
        mesh=mesh,
        out_type=jax.ShapeDtypeStruct((2 * _NPAD, _F), jnp.float32),
        compiler_params=pltpu.CompilerParams(use_tc_tiling_on_sc=False),
        scratch_types=[
            pltpu.VMEM((_CH,), jnp.int32),
            pltpu.VMEM((_CH, _F), jnp.float32),
            pltpu.SemaphoreType.DMA,
            pltpu.SemaphoreType.DMA,
            pltpu.VMEM((_CH,), jnp.int32),
            pltpu.VMEM((_CH, _F), jnp.float32),
            pltpu.SemaphoreType.DMA,
            pltpu.SemaphoreType.DMA,
            pltpu.VMEM((_CH, _F), jnp.float32),
            pltpu.VMEM_SHARED((_NPAD, _F), jnp.float32),
        ],
    )
    def k(ep_h, dst_h, z_h, id_h, out_h,
          ix0, bf0, sA0, sB0, ix1, bf1, sA1, sB1, zbuf, acc):
        c = lax.axis_index("c")
        s = lax.axis_index("s")
        base = (c * _NS + s) * epw
        slots = ((ix0, bf0, sA0, sB0), (ix1, bf1, sA1, sB1))

        pltpu.sync_copy(z_h, zbuf)

        def zchunk(j, carry):
            pltpu.sync_copy(id_h.at[pl.ds(s * rpt + j * _CH, _CH)], ix0)
            pltpu.sync_copy(zbuf, acc.at[ix0])
            return carry

        lax.fori_loop(0, rpt // _CH, zchunk, 0)
        plsc.subcore_barrier()

        def prep(i, sl):
            idx, buf, sa, sb = slots[sl]
            off = base + i * _CH
            pltpu.async_copy(dst_h.at[pl.ds(off, _CH)], idx, sa)
            pltpu.async_copy(ep_h.at[pl.ds(off, _CH)], buf, sb)

        def fin(i, sl):
            idx, buf, sa, sb = slots[sl]
            off = base + i * _CH
            pltpu.make_async_copy(dst_h.at[pl.ds(off, _CH)], idx, sa).wait()
            pltpu.make_async_copy(ep_h.at[pl.ds(off, _CH)], buf, sb).wait()
            pltpu.sync_copy(buf, acc.at[idx], add=True)

        prep(0, 0)

        def chunk(j, carry):
            i0 = 2 * j
            i1 = i0 + 1

            @pl.when(i1 < nch)
            def _p1():
                prep(i1, 1)

            fin(i0, 0)

            @pl.when(i1 + 1 < nch)
            def _p2():
                prep(i1 + 1, 0)

            @pl.when(i1 < nch)
            def _f1():
                fin(i1, 1)

            return carry

        lax.fori_loop(0, (nch + 1) // 2, chunk, 0)
        plsc.subcore_barrier()

        pltpu.sync_copy(acc.at[pl.ds(s * rpt, rpt)],
                        out_h.at[pl.ds(c * _NPAD + s * rpt, rpt)])

    return k(ep, dst, zero_ch, rowids)



def kernel(x, edge_index, edge_attr, params):
    src = edge_index[0].astype(jnp.int32)
    dst = edge_index[1].astype(jnp.int32)
    h = x
    e = edge_attr
    zero_ch = jnp.zeros((_CH, _F), jnp.float32)
    rowids = jnp.arange(_NPAD, dtype=jnp.int32)
    for layer in params:
        (w1, b1), l2, l3, l4 = layer["edge"]
        dh = h.shape[1]
        w1a, w1b, w1c = w1[:dh], w1[dh:2 * dh], w1[2 * dh:]
        if dh < 2 * _F:
            hw = jnp.pad(h, ((0, 0), (0, 2 * _F - dh)))
            w1a = jnp.pad(w1a, ((0, 2 * _F - dh), (0, 0)))
            w1b = jnp.pad(w1b, ((0, 2 * _F - dh), (0, 0)))
        else:
            hw = h
        hs, hd = _sc_gather(hw, hw, src, dst)
        e = _edge_mlp(hs, hd, e, w1a, w1b, w1c, b1, l2, l3, l4)
        aggf = _sc_scatter(e, dst, zero_ch, rowids)
        (v1, nb1), n2, n3, n4 = layer["node"]
        v1a, v1b = v1[:_F], v1[_F:]
        h = _node_mlp(aggf, h, v1a, v1b, nb1, n2, n3, n4)
    return h

# --- scband reference (transcript-rebuilt; emitter-appended) ---
"""Pipeline reference for scband-graph-neural-network-30605936951830 (READ-ONLY COPY).

The authoritative reference and input builder live on the scoring server;
editing this copy changes nothing except your own understanding.
"""

import jax, jax.numpy as jnp
import numpy as np

N = 10000
E = 320000
D_NODE = 128
D_EDGE = 64
HID = [64, 64, 64]
NUM_LAYER = 2


def _init_mlp(key, in_dim, out_dim):
    dims = [in_dim] + HID + [out_dim]
    ps = []
    for i in range(len(dims) - 1):
        key, k1 = jax.random.split(key)
        W = jax.random.normal(k1, (dims[i], dims[i + 1]), jnp.float32) * (1.0 / np.sqrt(dims[i]))
        b = jnp.zeros((dims[i + 1],), jnp.float32)
        ps.append((W, b))
    return key, ps


def _mlp(x, ps):
    # Original MLP appends ReLU after every Linear, including the last one.
    for W, b in ps:
        x = jax.nn.relu(x @ W + b)
    return x


def setup_inputs(seed: int = 0) -> dict:
    key = jax.random.key(seed)
    key, kx, ke, kei = jax.random.split(key, 4)
    x = jax.random.normal(kx, (N, D_NODE), jnp.float32)
    edge_attr = jax.random.normal(ke, (E, D_EDGE), jnp.float32)
    edge_index = jax.random.randint(kei, (2, E), 0, N)
    params = []
    cur_node, cur_edge = D_NODE, D_EDGE
    for _ in range(NUM_LAYER):
        edge_out = 64
        node_out = 64
        key, eps = _init_mlp(key, 2 * cur_node + cur_edge, edge_out)
        key, nps = _init_mlp(key, cur_node + cur_edge, node_out)
        params.append({"edge": eps, "node": nps})
        cur_edge = edge_out
        cur_node = node_out
    return {"x": x, "edge_index": edge_index, "edge_attr": edge_attr, "params": params}


def reference(x, edge_index, edge_attr, params):
    src = edge_index[0]
    dst = edge_index[1]
    h = x
    e = edge_attr
    for layer in params:
        # edge update: e' = edge_model([h_src, h_dst, e])
        h_src = jnp.take(h, src, axis=0)
        h_dst = jnp.take(h, dst, axis=0)
        e = _mlp(jnp.concatenate([h_src, h_dst, e], axis=-1), layer["edge"])
        # copy_e message + sum aggregation onto dst nodes
        agg = jax.ops.segment_sum(e, dst, num_segments=N)
        # node update: h' = node_model([agg_m, h])
        h = _mlp(jnp.concatenate([agg, h], axis=-1), layer["node"])
    return h

if __name__ == "__main__":
    import jax
    _d = setup_inputs()
    print(jax.jit(kernel)(*tuple(_d.values())))

</pallas_src>

<mosaic_0001>
#map = affine_map<(d0, d1) -> (0, 0)>
#map1 = affine_map<(d0, d1) -> (0)>
module attributes {stable_mosaic.version = 14 : i64} {
  func.func @k(%arg0: i32, %arg1: i32, %arg2: memref<10000x128xf32, #tpu.memory_space<hbm>>, %arg3: memref<10000x128xf32, #tpu.memory_space<hbm>>, %arg4: memref<320000xi32, #tpu.memory_space<hbm>>, %arg5: memref<320000xi32, #tpu.memory_space<hbm>>, %arg6: memref<320000x128xf32, #tpu.memory_space<hbm>>, %arg7: memref<320000x128xf32, #tpu.memory_space<hbm>>, %arg8: memref<80xi32, #tpu.memory_space<vmem>>, %arg9: memref<80xi32, #tpu.memory_space<vmem>>, %arg10: memref<80x128xf32, #tpu.memory_space<vmem>>, %arg11: memref<80x128xf32, #tpu.memory_space<vmem>>, %arg12: memref<!tpu.dma_semaphore, #tpu.memory_space<semaphore_mem>>, %arg13: memref<!tpu.dma_semaphore, #tpu.memory_space<semaphore_mem>>, %arg14: memref<80xi32, #tpu.memory_space<vmem>>, %arg15: memref<80xi32, #tpu.memory_space<vmem>>, %arg16: memref<80x128xf32, #tpu.memory_space<vmem>>, %arg17: memref<80x128xf32, #tpu.memory_space<vmem>>, %arg18: memref<!tpu.dma_semaphore, #tpu.memory_space<semaphore_mem>>, %arg19: memref<!tpu.dma_semaphore, #tpu.memory_space<semaphore_mem>>) attributes {dimension_semantics = [#tpu.dimension_semantics<core_parallel>, #tpu.dimension_semantics<subcore_parallel>], iteration_bounds = array<i64: 2, 16>, scalar_prefetch = 0 : i64, scratch_operands = 12 : i64, tpu.core_type = #tpu.core_type<sc_vector_subcore>, window_params = [{transform_indices = #map}, {transform_indices = #map}, {transform_indices = #map1}, {transform_indices = #map1}, {transform_indices = #map}, {transform_indices = #map}]} {
    %mul3A = arith.constant 16 : i32
    %mul3A_0 = arith.muli %arg0, %mul3A : i32
    %add3A = arith.addi %mul3A_0, %arg1 : i32
    %mul3A_1 = arith.constant 10000 : i32
    %mul3A_2 = arith.muli %add3A, %mul3A_1 : i32
    %add3A_3 = arith.constant 0 : i32
    %add3A_4 = arith.addi %mul3A_2, %add3A_3 : i32
    "tpu.region"() ({
      %run_scoped3A = tpu.sem_alloc : memref<!tpu.dma_semaphore, #tpu.memory_space<semaphore_mem>>
      %dma_start3A_15 = tpu.memref_slice %arg4[%add3A_4] : memref<320000xi32, #tpu.memory_space<hbm>> -> memref<80xi32, #tpu.memory_space<hbm>>
      %dma_start3A_16 = tpu.memref_slice %arg4[%add3A_4] : memref<320000xi32, #tpu.memory_space<hbm>> -> memref<80xi32, #tpu.memory_space<hbm>>
      tpu.enqueue_dma source(%dma_start3A_16 : memref<80xi32, #tpu.memory_space<hbm>>) target(%arg8 : memref<80xi32, #tpu.memory_space<vmem>>) target_semaphore(%run_scoped3A : memref<!tpu.dma_semaphore, #tpu.memory_space<semaphore_mem>>)
      %dma_wait3A = tpu.memref_slice %arg4[%add3A_4] : memref<320000xi32, #tpu.memory_space<hbm>> -> memref<80xi32, #tpu.memory_space<hbm>>
      %dma_wait3A_17 = tpu.memref_slice %arg4[%add3A_4] : memref<320000xi32, #tpu.memory_space<hbm>> -> memref<80xi32, #tpu.memory_space<hbm>>
      tpu.wait_dma2 semaphore(%run_scoped3A : memref<!tpu.dma_semaphore, #tpu.memory_space<semaphore_mem>>) src(%dma_wait3A_17 : memref<80xi32, #tpu.memory_space<hbm>>) dst(%arg8 : memref<80xi32, #tpu.memory_space<vmem>>)
      tpu.yield
    }) : () -> ()
    "tpu.region"() ({
      %run_scoped3A = tpu.sem_alloc : memref<!tpu.dma_semaphore, #tpu.memory_space<semaphore_mem>>
      %dma_start3A_15 = tpu.memref_slice %arg5[%add3A_4] : memref<320000xi32, #tpu.memory_space<hbm>> -> memref<80xi32, #tpu.memory_space<hbm>>
      %dma_start3A_16 = tpu.memref_slice %arg5[%add3A_4] : memref<320000xi32, #tpu.memory_space<hbm>> -> memref<80xi32, #tpu.memory_space<hbm>>
      tpu.enqueue_dma source(%dma_start3A_16 : memref<80xi32, #tpu.memory_space<hbm>>) target(%arg9 : memref<80xi32, #tpu.memory_space<vmem>>) target_semaphore(%run_scoped3A : memref<!tpu.dma_semaphore, #tpu.memory_space<semaphore_mem>>)
      %dma_wait3A = tpu.memref_slice %arg5[%add3A_4] : memref<320000xi32, #tpu.memory_space<hbm>> -> memref<80xi32, #tpu.memory_space<hbm>>
      %dma_wait3A_17 = tpu.memref_slice %arg5[%add3A_4] : memref<320000xi32, #tpu.memory_space<hbm>> -> memref<80xi32, #tpu.memory_space<hbm>>
      tpu.wait_dma2 semaphore(%run_scoped3A : memref<!tpu.dma_semaphore, #tpu.memory_space<semaphore_mem>>) src(%dma_wait3A_17 : memref<80xi32, #tpu.memory_space<hbm>>) dst(%arg9 : memref<80xi32, #tpu.memory_space<vmem>>)
      tpu.yield
    }) : () -> ()
    %dma_start3A = arith.constant 0 : i32
    %dma_start3A_5 = arith.constant 0 : i32
    %dma_start3A_6 = tpu.memref_slice %arg2[%dma_start3A, %dma_start3A_5] : memref<10000x128xf32, #tpu.memory_space<hbm>> -> memref<10000x128xf32, #tpu.memory_space<hbm>>
    tpu.enqueue_indirect_dma source(%dma_start3A_6 : memref<10000x128xf32, #tpu.memory_space<hbm>>) target(%arg10 : memref<80x128xf32, #tpu.memory_space<vmem>>) offsets(%arg8 : memref<80xi32, #tpu.memory_space<vmem>>) semaphore(%arg12 : memref<!tpu.dma_semaphore, #tpu.memory_space<semaphore_mem>>)
    %dma_start3A_7 = arith.constant 0 : i32
    %dma_start3A_8 = arith.constant 0 : i32
    %dma_start3A_9 = tpu.memref_slice %arg3[%dma_start3A_7, %dma_start3A_8] : memref<10000x128xf32, #tpu.memory_space<hbm>> -> memref<10000x128xf32, #tpu.memory_space<hbm>>
    tpu.enqueue_indirect_dma source(%dma_start3A_9 : memref<10000x128xf32, #tpu.memory_space<hbm>>) target(%arg11 : memref<80x128xf32, #tpu.memory_space<vmem>>) offsets(%arg9 : memref<80xi32, #tpu.memory_space<vmem>>) semaphore(%arg13 : memref<!tpu.dma_semaphore, #tpu.memory_space<semaphore_mem>>)
    %scan3A = arith.constant 0 : i32
    %scan3A_10 = arith.constant 0 : i32
    %scan3A_11 = arith.constant 63 : i32
    %scan3A_12 = arith.addi %scan3A_10, %scan3A_11 : i32
    %scan3A_13 = arith.constant 1 : i32
    scf.for %scan3A_15 = %scan3A_10 to %scan3A_12 step %scan3A_13  : i32 {
      %mul3A_16 = arith.constant 2 : i32
      %mul3A_17 = arith.muli %mul3A_16, %scan3A_15 : i32
      %add3A_18 = arith.constant 1 : i32
      %add3A_19 = arith.addi %mul3A_17, %add3A_18 : i32
      %lt3A = arith.constant 125 : i32
      %lt3A_20 = arith.cmpi slt, %add3A_19, %lt3A : i32
      %convert_element_type3A = arith.extui %lt3A_20 : i1 to i32
      %cond3A = arith.constant 0 : i32
      %cond3A_21 = arith.cmpi ne, %convert_element_type3A, %cond3A : i32
      scf.if %cond3A_21 {
        %mul3A_42 = arith.constant 80 : i32
        %mul3A_43 = arith.muli %add3A_19, %mul3A_42 : i32
        %add3A_44 = arith.addi %mul3A_2, %mul3A_43 : i32
        "tpu.region"() ({
          %run_scoped3A = tpu.sem_alloc : memref<!tpu.dma_semaphore, #tpu.memory_space<semaphore_mem>>
          %dma_start3A_51 = tpu.memref_slice %arg4[%add3A_44] : memref<320000xi32, #tpu.memory_space<hbm>> -> memref<80xi32, #tpu.memory_space<hbm>>
          %dma_start3A_52 = tpu.memref_slice %arg4[%add3A_44] : memref<320000xi32, #tpu.memory_space<hbm>> -> memref<80xi32, #tpu.memory_space<hbm>>
          tpu.enqueue_dma source(%dma_start3A_52 : memref<80xi32, #tpu.memory_space<hbm>>) target(%arg14 : memref<80xi32, #tpu.memory_space<vmem>>) target_semaphore(%run_scoped3A : memref<!tpu.dma_semaphore, #tpu.memory_space<semaphore_mem>>)
          %dma_wait3A_53 = tpu.memref_slice %arg4[%add3A_44] : memref<320000xi32, #tpu.memory_space<hbm>> -> memref<80xi32, #tpu.memory_space<hbm>>
          %dma_wait3A_54 = tpu.memref_slice %arg4[%add3A_44] : memref<320000xi32, #tpu.memory_space<hbm>> -> memref<80xi32, #tpu.memory_space<hbm>>
          tpu.wait_dma2 semaphore(%run_scoped3A : memref<!tpu.dma_semaphore, #tpu.memory_space<semaphore_mem>>) src(%dma_wait3A_54 : memref<80xi32, #tpu.memory_space<hbm>>) dst(%arg14 : memref<80xi32, #tpu.memory_space<vmem>>)
          tpu.yield
        }) : () -> ()
        "tpu.region"() ({
          %run_scoped3A = tpu.sem_alloc : memref<!tpu.dma_semaphore, #tpu.memory_space<semaphore_mem>>
          %dma_start3A_51 = tpu.memref_slice %arg5[%add3A_44] : memref<320000xi32, #tpu.memory_space<hbm>> -> memref<80xi32, #tpu.memory_space<hbm>>
          %dma_start3A_52 = tpu.memref_slice %arg5[%add3A_44] : memref<320000xi32, #tpu.memory_space<hbm>> -> memref<80xi32, #tpu.memory_space<hbm>>
          tpu.enqueue_dma source(%dma_start3A_52 : memref<80xi32, #tpu.memory_space<hbm>>) target(%arg15 : memref<80xi32, #tpu.memory_space<vmem>>) target_semaphore(%run_scoped3A : memref<!tpu.dma_semaphore, #tpu.memory_space<semaphore_mem>>)
          %dma_wait3A_53 = tpu.memref_slice %arg5[%add3A_44] : memref<320000xi32, #tpu.memory_space<hbm>> -> memref<80xi32, #tpu.memory_space<hbm>>
          %dma_wait3A_54 = tpu.memref_slice %arg5[%add3A_44] : memref<320000xi32, #tpu.memory_space<hbm>> -> memref<80xi32, #tpu.memory_space<hbm>>
          tpu.wait_dma2 semaphore(%run_scoped3A : memref<!tpu.dma_semaphore, #tpu.memory_space<semaphore_mem>>) src(%dma_wait3A_54 : memref<80xi32, #tpu.memory_space<hbm>>) dst(%arg15 : memref<80xi32, #tpu.memory_space<vmem>>)
          tpu.yield
        }) : () -> ()
        %dma_start3A_45 = arith.constant 0 : i32
        %dma_start3A_46 = arith.constant 0 : i32
        %dma_start3A_47 = tpu.memref_slice %arg2[%dma_start3A_45, %dma_start3A_46] : memref<10000x128xf32, #tpu.memory_space<hbm>> -> memref<10000x128xf32, #tpu.memory_space<hbm>>
        tpu.enqueue_indirect_dma source(%dma_start3A_47 : memref<10000x128xf32, #tpu.memory_space<hbm>>) target(%arg16 : memref<80x128xf32, #tpu.memory_space<vmem>>) offsets(%arg14 : memref<80xi32, #tpu.memory_space<vmem>>) semaphore(%arg18 : memref<!tpu.dma_semaphore, #tpu.memory_space<semaphore_mem>>)
        %dma_start3A_48 = arith.constant 0 : i32
        %dma_start3A_49 = arith.constant 0 : i32
        %dma_start3A_50 = tpu.memref_slice %arg3[%dma_start3A_48, %dma_start3A_49] : memref<10000x128xf32, #tpu.memory_space<hbm>> -> memref<10000x128xf32, #tpu.memory_space<hbm>>
        tpu.enqueue_indirect_dma source(%dma_start3A_50 : memref<10000x128xf32, #tpu.memory_space<hbm>>) target(%arg17 : memref<80x128xf32, #tpu.memory_space<vmem>>) offsets(%arg15 : memref<80xi32, #tpu.memory_space<vmem>>) semaphore(%arg19 : memref<!tpu.dma_semaphore, #tpu.memory_space<semaphore_mem>>)
      } else {
      }
      %mul3A_22 = arith.constant 80 : i32
      %mul3A_23 = arith.muli %mul3A_17, %mul3A_22 : i32
      %add3A_24 = arith.addi %mul3A_2, %mul3A_23 : i32
      %dma_wait3A = arith.constant 0 : i32
      %dma_wait3A_25 = arith.constant 0 : i32
      %dma_wait3A_26 = tpu.memref_slice %arg2[%dma_wait3A, %dma_wait3A_25] : memref<10000x128xf32, #tpu.memory_space<hbm>> -> memref<10000x128xf32, #tpu.memory_space<hbm>>
      tpu.wait_indirect_dma semaphore(%arg12 : memref<!tpu.dma_semaphore, #tpu.memory_space<semaphore_mem>>) src(%dma_wait3A_26 : memref<10000x128xf32, #tpu.memory_space<hbm>>) dst(%arg10 : memref<80x128xf32, #tpu.memory_space<vmem>>)
      %dma_wait3A_27 = arith.constant 0 : i32
      %dma_wait3A_28 = arith.constant 0 : i32
      %dma_wait3A_29 = tpu.memref_slice %arg3[%dma_wait3A_27, %dma_wait3A_28] : memref<10000x128xf32, #tpu.memory_space<hbm>> -> memref<10000x128xf32, #tpu.memory_space<hbm>>
      tpu.wait_indirect_dma semaphore(%arg13 : memref<!tpu.dma_semaphore, #tpu.memory_space<semaphore_mem>>) src(%dma_wait3A_29 : memref<10000x128xf32, #tpu.memory_space<hbm>>) dst(%arg11 : memref<80x128xf32, #tpu.memory_space<vmem>>)
      "tpu.region"() ({
        %run_scoped3A = tpu.sem_alloc : memref<!tpu.dma_semaphore, #tpu.memory_space<semaphore_mem>>
        %dma_start3A_42 = arith.constant 0 : i32
        %dma_start3A_43 = tpu.memref_slice %arg6[%add3A_24, %dma_start3A_42] : memref<320000x128xf32, #tpu.memory_space<hbm>> -> memref<80x128xf32, #tpu.memory_space<hbm>>
        %dma_start3A_44 = arith.constant 0 : i32
        %dma_start3A_45 = tpu.memref_slice %arg6[%add3A_24, %dma_start3A_44] : memref<320000x128xf32, #tpu.memory_space<hbm>> -> memref<80x128xf32, #tpu.memory_space<hbm>>
        tpu.enqueue_dma source(%arg10 : memref<80x128xf32, #tpu.memory_space<vmem>>) target(%dma_start3A_45 : memref<80x128xf32, #tpu.memory_space<hbm>>) target_semaphore(%run_scoped3A : memref<!tpu.dma_semaphore, #tpu.memory_space<semaphore_mem>>)
        %dma_wait3A_46 = arith.constant 0 : i32
        %dma_wait3A_47 = tpu.memref_slice %arg6[%add3A_24, %dma_wait3A_46] : memref<320000x128xf32, #tpu.memory_space<hbm>> -> memref<80x128xf32, #tpu.memory_space<hbm>>
        %dma_wait3A_48 = arith.constant 0 : i32
        %dma_wait3A_49 = tpu.memref_slice %arg6[%add3A_24, %dma_wait3A_48] : memref<320000x128xf32, #tpu.memory_space<hbm>> -> memref<80x128xf32, #tpu.memory_space<hbm>>
        tpu.wait_dma2 semaphore(%run_scoped3A : memref<!tpu.dma_semaphore, #tpu.memory_space<semaphore_mem>>) src(%arg10 : memref<80x128xf32, #tpu.memory_space<vmem>>) dst(%dma_wait3A_49 : memref<80x128xf32, #tpu.memory_space<hbm>>)
        tpu.yield
      }) : () -> ()
      "tpu.region"() ({
        %run_scoped3A = tpu.sem_alloc : memref<!tpu.dma_semaphore, #tpu.memory_space<semaphore_mem>>
        %dma_start3A_42 = arith.constant 0 : i32
        %dma_start3A_43 = tpu.memref_slice %arg7[%add3A_24, %dma_start3A_42] : memref<320000x128xf32, #tpu.memory_space<hbm>> -> memref<80x128xf32, #tpu.memory_space<hbm>>
        %dma_start3A_44 = arith.constant 0 : i32
        %dma_start3A_45 = tpu.memref_slice %arg7[%add3A_24, %dma_start3A_44] : memref<320000x128xf32, #tpu.memory_space<hbm>> -> memref<80x128xf32, #tpu.memory_space<hbm>>
        tpu.enqueue_dma source(%arg11 : memref<80x128xf32, #tpu.memory_space<vmem>>) target(%dma_start3A_45 : memref<80x128xf32, #tpu.memory_space<hbm>>) target_semaphore(%run_scoped3A : memref<!tpu.dma_semaphore, #tpu.memory_space<semaphore_mem>>)
        %dma_wait3A_46 = arith.constant 0 : i32
        %dma_wait3A_47 = tpu.memref_slice %arg7[%add3A_24, %dma_wait3A_46] : memref<320000x128xf32, #tpu.memory_space<hbm>> -> memref<80x128xf32, #tpu.memory_space<hbm>>
        %dma_wait3A_48 = arith.constant 0 : i32
        %dma_wait3A_49 = tpu.memref_slice %arg7[%add3A_24, %dma_wait3A_48] : memref<320000x128xf32, #tpu.memory_space<hbm>> -> memref<80x128xf32, #tpu.memory_space<hbm>>
        tpu.wait_dma2 semaphore(%run_scoped3A : memref<!tpu.dma_semaphore, #tpu.memory_space<semaphore_mem>>) src(%arg11 : memref<80x128xf32, #tpu.memory_space<vmem>>) dst(%dma_wait3A_49 : memref<80x128xf32, #tpu.memory_space<hbm>>)
        tpu.yield
      }) : () -> ()
      %add3A_30 = arith.constant 1 : i32
      %add3A_31 = arith.addi %add3A_19, %add3A_30 : i32
      %lt3A_32 = arith.constant 125 : i32
      %lt3A_33 = arith.cmpi slt, %add3A_31, %lt3A_32 : i32
      %convert_element_type3A_34 = arith.extui %lt3A_33 : i1 to i32
      %cond3A_35 = arith.constant 0 : i32
      %cond3A_36 = arith.cmpi ne, %convert_element_type3A_34, %cond3A_35 : i32
      scf.if %cond3A_36 {
        %add3A_42 = arith.constant 1 : i32
        %add3A_43 = arith.addi %add3A_19, %add3A_42 : i32
        %mul3A_44 = arith.constant 80 : i32
        %mul3A_45 = arith.muli %add3A_43, %mul3A_44 : i32
        %add3A_46 = arith.addi %mul3A_2, %mul3A_45 : i32
        "tpu.region"() ({
          %run_scoped3A = tpu.sem_alloc : memref<!tpu.dma_semaphore, #tpu.memory_space<semaphore_mem>>
          %dma_start3A_53 = tpu.memref_slice %arg4[%add3A_46] : memref<320000xi32, #tpu.memory_space<hbm>> -> memref<80xi32, #tpu.memory_space<hbm>>
          %dma_start3A_54 = tpu.memref_slice %arg4[%add3A_46] : memref<320000xi32, #tpu.memory_space<hbm>> -> memref<80xi32, #tpu.memory_space<hbm>>
          tpu.enqueue_dma source(%dma_start3A_54 : memref<80xi32, #tpu.memory_space<hbm>>) target(%arg8 : memref<80xi32, #tpu.memory_space<vmem>>) target_semaphore(%run_scoped3A : memref<!tpu.dma_semaphore, #tpu.memory_space<semaphore_mem>>)
          %dma_wait3A_55 = tpu.memref_slice %arg4[%add3A_46] : memref<320000xi32, #tpu.memory_space<hbm>> -> memref<80xi32, #tpu.memory_space<hbm>>
          %dma_wait3A_56 = tpu.memref_slice %arg4[%add3A_46] : memref<320000xi32, #tpu.memory_space<hbm>> -> memref<80xi32, #tpu.memory_space<hbm>>
          tpu.wait_dma2 semaphore(%run_scoped3A : memref<!tpu.dma_semaphore, #tpu.memory_space<semaphore_mem>>) src(%dma_wait3A_56 : memref<80xi32, #tpu.memory_space<hbm>>) dst(%arg8 : memref<80xi32, #tpu.memory_space<vmem>>)
          tpu.yield
        }) : () -> ()
        "tpu.region"() ({
          %run_scoped3A = tpu.sem_alloc : memref<!tpu.dma_semaphore, #tpu.memory_space<semaphore_mem>>
          %dma_start3A_53 = tpu.memref_slice %arg5[%add3A_46] : memref<320000xi32, #tpu.memory_space<hbm>> -> memref<80xi32, #tpu.memory_space<hbm>>
          %dma_start3A_54 = tpu.memref_slice %arg5[%add3A_46] : memref<320000xi32, #tpu.memory_space<hbm>> -> memref<80xi32, #tpu.memory_space<hbm>>
          tpu.enqueue_dma source(%dma_start3A_54 : memref<80xi32, #tpu.memory_space<hbm>>) target(%arg9 : memref<80xi32, #tpu.memory_space<vmem>>) target_semaphore(%run_scoped3A : memref<!tpu.dma_semaphore, #tpu.memory_space<semaphore_mem>>)
          %dma_wait3A_55 = tpu.memref_slice %arg5[%add3A_46] : memref<320000xi32, #tpu.memory_space<hbm>> -> memref<80xi32, #tpu.memory_space<hbm>>
          %dma_wait3A_56 = tpu.memref_slice %arg5[%add3A_46] : memref<320000xi32, #tpu.memory_space<hbm>> -> memref<80xi32, #tpu.memory_space<hbm>>
          tpu.wait_dma2 semaphore(%run_scoped3A : memref<!tpu.dma_semaphore, #tpu.memory_space<semaphore_mem>>) src(%dma_wait3A_56 : memref<80xi32, #tpu.memory_space<hbm>>) dst(%arg9 : memref<80xi32, #tpu.memory_space<vmem>>)
          tpu.yield
        }) : () -> ()
        %dma_start3A_47 = arith.constant 0 : i32
        %dma_start3A_48 = arith.constant 0 : i32
        %dma_start3A_49 = tpu.memref_slice %arg2[%dma_start3A_47, %dma_start3A_48] : memref<10000x128xf32, #tpu.memory_space<hbm>> -> memref<10000x128xf32, #tpu.memory_space<hbm>>
        tpu.enqueue_indirect_dma source(%dma_start3A_49 : memref<10000x128xf32, #tpu.memory_space<hbm>>) target(%arg10 : memref<80x128xf32, #tpu.memory_space<vmem>>) offsets(%arg8 : memref<80xi32, #tpu.memory_space<vmem>>) semaphore(%arg12 : memref<!tpu.dma_semaphore, #tpu.memory_space<semaphore_mem>>)
        %dma_start3A_50 = arith.constant 0 : i32
        %dma_start3A_51 = arith.constant 0 : i32
        %dma_start3A_52 = tpu.memref_slice %arg3[%dma_start3A_50, %dma_start3A_51] : memref<10000x128xf32, #tpu.memory_space<hbm>> -> memref<10000x128xf32, #tpu.memory_space<hbm>>
        tpu.enqueue_indirect_dma source(%dma_start3A_52 : memref<10000x128xf32, #tpu.memory_space<hbm>>) target(%arg11 : memref<80x128xf32, #tpu.memory_space<vmem>>) offsets(%arg9 : memref<80xi32, #tpu.memory_space<vmem>>) semaphore(%arg13 : memref<!tpu.dma_semaphore, #tpu.memory_space<semaphore_mem>>)
      } else {
      }
      %lt3A_37 = arith.constant 125 : i32
      %lt3A_38 = arith.cmpi slt, %add3A_19, %lt3A_37 : i32
      %convert_element_type3A_39 = arith.extui %lt3A_38 : i1 to i32
      %cond3A_40 = arith.constant 0 : i32
      %cond3A_41 = arith.cmpi ne, %convert_element_type3A_39, %cond3A_40 : i32
      scf.if %cond3A_41 {
        %mul3A_42 = arith.constant 80 : i32
        %mul3A_43 = arith.muli %add3A_19, %mul3A_42 : i32
        %add3A_44 = arith.addi %mul3A_2, %mul3A_43 : i32
        %dma_wait3A_45 = arith.constant 0 : i32
        %dma_wait3A_46 = arith.constant 0 : i32
        %dma_wait3A_47 = tpu.memref_slice %arg2[%dma_wait3A_45, %dma_wait3A_46] : memref<10000x128xf32, #tpu.memory_space<hbm>> -> memref<10000x128xf32, #tpu.memory_space<hbm>>
        tpu.wait_indirect_dma semaphore(%arg18 : memref<!tpu.dma_semaphore, #tpu.memory_space<semaphore_mem>>) src(%dma_wait3A_47 : memref<10000x128xf32, #tpu.memory_space<hbm>>) dst(%arg16 : memref<80x128xf32, #tpu.memory_space<vmem>>)
        %dma_wait3A_48 = arith.constant 0 : i32
        %dma_wait3A_49 = arith.constant 0 : i32
        %dma_wait3A_50 = tpu.memref_slice %arg3[%dma_wait3A_48, %dma_wait3A_49] : memref<10000x128xf32, #tpu.memory_space<hbm>> -> memref<10000x128xf32, #tpu.memory_space<hbm>>
        tpu.wait_indirect_dma semaphore(%arg19 : memref<!tpu.dma_semaphore, #tpu.memory_space<semaphore_mem>>) src(%dma_wait3A_50 : memref<10000x128xf32, #tpu.memory_space<hbm>>) dst(%arg17 : memref<80x128xf32, #tpu.memory_space<vmem>>)
        "tpu.region"() ({
          %run_scoped3A = tpu.sem_alloc : memref<!tpu.dma_semaphore, #tpu.memory_space<semaphore_mem>>
          %dma_start3A_51 = arith.constant 0 : i32
          %dma_start3A_52 = tpu.memref_slice %arg6[%add3A_44, %dma_start3A_51] : memref<320000x128xf32, #tpu.memory_space<hbm>> -> memref<80x128xf32, #tpu.memory_space<hbm>>
          %dma_start3A_53 = arith.constant 0 : i32
          %dma_start3A_54 = tpu.memref_slice %arg6[%add3A_44, %dma_start3A_53] : memref<320000x128xf32, #tpu.memory_space<hbm>> -> memref<80x128xf32, #tpu.memory_space<hbm>>
          tpu.enqueue_dma source(%arg16 : memref<80x128xf32, #tpu.memory_space<vmem>>) target(%dma_start3A_54 : memref<80x128xf32, #tpu.memory_space<hbm>>) target_semaphore(%run_scoped3A : memref<!tpu.dma_semaphore, #tpu.memory_space<semaphore_mem>>)
          %dma_wait3A_55 = arith.constant 0 : i32
          %dma_wait3A_56 = tpu.memref_slice %arg6[%add3A_44, %dma_wait3A_55] : memref<320000x128xf32, #tpu.memory_space<hbm>> -> memref<80x128xf32, #tpu.memory_space<hbm>>
          %dma_wait3A_57 = arith.constant 0 : i32
          %dma_wait3A_58 = tpu.memref_slice %arg6[%add3A_44, %dma_wait3A_57] : memref<320000x128xf32, #tpu.memory_space<hbm>> -> memref<80x128xf32, #tpu.memory_space<hbm>>
          tpu.wait_dma2 semaphore(%run_scoped3A : memref<!tpu.dma_semaphore, #tpu.memory_space<semaphore_mem>>) src(%arg16 : memref<80x128xf32, #tpu.memory_space<vmem>>) dst(%dma_wait3A_58 : memref<80x128xf32, #tpu.memory_space<hbm>>)
          tpu.yield
        }) : () -> ()
        "tpu.region"() ({
          %run_scoped3A = tpu.sem_alloc : memref<!tpu.dma_semaphore, #tpu.memory_space<semaphore_mem>>
          %dma_start3A_51 = arith.constant 0 : i32
          %dma_start3A_52 = tpu.memref_slice %arg7[%add3A_44, %dma_start3A_51] : memref<320000x128xf32, #tpu.memory_space<hbm>> -> memref<80x128xf32, #tpu.memory_space<hbm>>
          %dma_start3A_53 = arith.constant 0 : i32
          %dma_start3A_54 = tpu.memref_slice %arg7[%add3A_44, %dma_start3A_53] : memref<320000x128xf32, #tpu.memory_space<hbm>> -> memref<80x128xf32, #tpu.memory_space<hbm>>
          tpu.enqueue_dma source(%arg17 : memref<80x128xf32, #tpu.memory_space<vmem>>) target(%dma_start3A_54 : memref<80x128xf32, #tpu.memory_space<hbm>>) target_semaphore(%run_scoped3A : memref<!tpu.dma_semaphore, #tpu.memory_space<semaphore_mem>>)
          %dma_wait3A_55 = arith.constant 0 : i32
          %dma_wait3A_56 = tpu.memref_slice %arg7[%add3A_44, %dma_wait3A_55] : memref<320000x128xf32, #tpu.memory_space<hbm>> -> memref<80x128xf32, #tpu.memory_space<hbm>>
          %dma_wait3A_57 = arith.constant 0 : i32
          %dma_wait3A_58 = tpu.memref_slice %arg7[%add3A_44, %dma_wait3A_57] : memref<320000x128xf32, #tpu.memory_space<hbm>> -> memref<80x128xf32, #tpu.memory_space<hbm>>
          tpu.wait_dma2 semaphore(%run_scoped3A : memref<!tpu.dma_semaphore, #tpu.memory_space<semaphore_mem>>) src(%arg17 : memref<80x128xf32, #tpu.memory_space<vmem>>) dst(%dma_wait3A_58 : memref<80x128xf32, #tpu.memory_space<hbm>>)
          tpu.yield
        }) : () -> ()
      } else {
      }
    }
    %scan3A_14 = arith.constant 63 : i32
    return
  }
}

#map = affine_map<(d0, d1) -> (0, 0)>
#map1 = affine_map<(d0, d1) -> (0)>
module attributes {stable_mosaic.version = 14 : i64} {
  func.func @k(%arg0: i32, %arg1: i32, %arg2: memref<320000x64xf32, #tpu.memory_space<hbm>>, %arg3: memref<320000xi32, #tpu.memory_space<hbm>>, %arg4: memref<80x64xf32, #tpu.memory_space<hbm>>, %arg5: memref<10240xi32, #tpu.memory_space<hbm>>, %arg6: memref<20480x64xf32, #tpu.memory_space<hbm>>, %arg7: memref<80xi32, #tpu.memory_space<vmem>>, %arg8: memref<80x64xf32, #tpu.memory_space<vmem>>, %arg9: memref<!tpu.dma_semaphore, #tpu.memory_space<semaphore_mem>>, %arg10: memref<!tpu.dma_semaphore, #tpu.memory_space<semaphore_mem>>, %arg11: memref<80xi32, #tpu.memory_space<vmem>>, %arg12: memref<80x64xf32, #tpu.memory_space<vmem>>, %arg13: memref<!tpu.dma_semaphore, #tpu.memory_space<semaphore_mem>>, %arg14: memref<!tpu.dma_semaphore, #tpu.memory_space<semaphore_mem>>, %arg15: memref<80x64xf32, #tpu.memory_space<vmem>>, %arg16: memref<10240x64xf32, #tpu.memory_space<vmem_shared>>) attributes {dimension_semantics = [#tpu.dimension_semantics<core_parallel>, #tpu.dimension_semantics<subcore_parallel>], iteration_bounds = array<i64: 2, 16>, scalar_prefetch = 0 : i64, scratch_operands = 10 : i64, tpu.core_type = #tpu.core_type<sc_vector_subcore>, window_params = [{transform_indices = #map}, {transform_indices = #map1}, {transform_indices = #map}, {transform_indices = #map1}, {transform_indices = #map}]} {
    %mul3A = arith.constant 16 : i32
    %mul3A_0 = arith.muli %arg0, %mul3A : i32
    %add3A = arith.addi %mul3A_0, %arg1 : i32
    %mul3A_1 = arith.constant 10000 : i32
    %mul3A_2 = arith.muli %add3A, %mul3A_1 : i32
    "tpu.region"() ({
      %run_scoped3A = tpu.sem_alloc : memref<!tpu.dma_semaphore, #tpu.memory_space<semaphore_mem>>
      tpu.enqueue_dma source(%arg4 : memref<80x64xf32, #tpu.memory_space<hbm>>) target(%arg15 : memref<80x64xf32, #tpu.memory_space<vmem>>) target_semaphore(%run_scoped3A : memref<!tpu.dma_semaphore, #tpu.memory_space<semaphore_mem>>)
      tpu.wait_dma2 semaphore(%run_scoped3A : memref<!tpu.dma_semaphore, #tpu.memory_space<semaphore_mem>>) src(%arg4 : memref<80x64xf32, #tpu.memory_space<hbm>>) dst(%arg15 : memref<80x64xf32, #tpu.memory_space<vmem>>)
      tpu.yield
    }) : () -> ()
    %scan3A = arith.constant 0 : i32
    %scan3A_3 = arith.constant 0 : i32
    %scan3A_4 = arith.constant 8 : i32
    %scan3A_5 = arith.addi %scan3A_3, %scan3A_4 : i32
    %scan3A_6 = arith.constant 1 : i32
    scf.for %scan3A_29 = %scan3A_3 to %scan3A_5 step %scan3A_6  : i32 {
      %mul3A_30 = arith.constant 640 : i32
      %mul3A_31 = arith.muli %arg1, %mul3A_30 : i32
      %mul3A_32 = arith.constant 80 : i32
      %mul3A_33 = arith.muli %scan3A_29, %mul3A_32 : i32
      %add3A_34 = arith.addi %mul3A_31, %mul3A_33 : i32
      "tpu.region"() ({
        %run_scoped3A = tpu.sem_alloc : memref<!tpu.dma_semaphore, #tpu.memory_space<semaphore_mem>>
        %dma_start3A_35 = tpu.memref_slice %arg5[%add3A_34] : memref<10240xi32, #tpu.memory_space<hbm>> -> memref<80xi32, #tpu.memory_space<hbm>>
        %dma_start3A_36 = tpu.memref_slice %arg5[%add3A_34] : memref<10240xi32, #tpu.memory_space<hbm>> -> memref<80xi32, #tpu.memory_space<hbm>>
        tpu.enqueue_dma source(%dma_start3A_36 : memref<80xi32, #tpu.memory_space<hbm>>) target(%arg7 : memref<80xi32, #tpu.memory_space<vmem>>) target_semaphore(%run_scoped3A : memref<!tpu.dma_semaphore, #tpu.memory_space<semaphore_mem>>)
        %dma_wait3A = tpu.memref_slice %arg5[%add3A_34] : memref<10240xi32, #tpu.memory_space<hbm>> -> memref<80xi32, #tpu.memory_space<hbm>>
        %dma_wait3A_37 = tpu.memref_slice %arg5[%add3A_34] : memref<10240xi32, #tpu.memory_space<hbm>> -> memref<80xi32, #tpu.memory_space<hbm>>
        tpu.wait_dma2 semaphore(%run_scoped3A : memref<!tpu.dma_semaphore, #tpu.memory_space<semaphore_mem>>) src(%dma_wait3A_37 : memref<80xi32, #tpu.memory_space<hbm>>) dst(%arg7 : memref<80xi32, #tpu.memory_space<vmem>>)
        tpu.yield
      }) : () -> ()
      "tpu.region"() ({
        %run_scoped3A = tpu.sem_alloc : memref<!tpu.dma_semaphore, #tpu.memory_space<semaphore_mem>>
        %dma_start3A_35 = arith.constant 0 : i32
        %dma_start3A_36 = arith.constant 0 : i32
        %dma_start3A_37 = tpu.memref_slice %arg16[%dma_start3A_35, %dma_start3A_36] : memref<10240x64xf32, #tpu.memory_space<vmem_shared>> -> memref<10240x64xf32, #tpu.memory_space<vmem_shared>>
        tpu.enqueue_indirect_dma source(%arg15 : memref<80x64xf32, #tpu.memory_space<vmem>>) target(%dma_start3A_37 : memref<10240x64xf32, #tpu.memory_space<vmem_shared>>) offsets(%arg7 : memref<80xi32, #tpu.memory_space<vmem>>) semaphore(%run_scoped3A : memref<!tpu.dma_semaphore, #tpu.memory_space<semaphore_mem>>)
        %dma_wait3A = arith.constant 0 : i32
        %dma_wait3A_38 = arith.constant 0 : i32
        %dma_wait3A_39 = tpu.memref_slice %arg16[%dma_wait3A, %dma_wait3A_38] : memref<10240x64xf32, #tpu.memory_space<vmem_shared>> -> memref<10240x64xf32, #tpu.memory_space<vmem_shared>>
        tpu.wait_indirect_dma semaphore(%run_scoped3A : memref<!tpu.dma_semaphore, #tpu.memory_space<semaphore_mem>>) src(%arg15 : memref<80x64xf32, #tpu.memory_space<vmem>>) dst(%dma_wait3A_39 : memref<10240x64xf32, #tpu.memory_space<vmem_shared>>)
        tpu.yield
      }) : () -> ()
    }
    %scan3A_7 = arith.constant 8 : i32
    %barrier3A = arith.constant 0 : index
    tpu.barrier barrier_id(%barrier3A)
    %add3A_8 = arith.constant 0 : i32
    %add3A_9 = arith.addi %mul3A_2, %add3A_8 : i32
    %dma_start3A = tpu.memref_slice %arg3[%add3A_9] : memref<320000xi32, #tpu.memory_space<hbm>> -> memref<80xi32, #tpu.memory_space<hbm>>
    %dma_start3A_10 = tpu.memref_slice %arg3[%add3A_9] : memref<320000xi32, #tpu.memory_space<hbm>> -> memref<80xi32, #tpu.memory_space<hbm>>
    tpu.enqueue_dma source(%dma_start3A_10 : memref<80xi32, #tpu.memory_space<hbm>>) target(%arg7 : memref<80xi32, #tpu.memory_space<vmem>>) target_semaphore(%arg9 : memref<!tpu.dma_semaphore, #tpu.memory_space<semaphore_mem>>)
    %dma_start3A_11 = arith.constant 0 : i32
    %dma_start3A_12 = tpu.memref_slice %arg2[%add3A_9, %dma_start3A_11] : memref<320000x64xf32, #tpu.memory_space<hbm>> -> memref<80x64xf32, #tpu.memory_space<hbm>>
    %dma_start3A_13 = arith.constant 0 : i32
    %dma_start3A_14 = tpu.memref_slice %arg2[%add3A_9, %dma_start3A_13] : memref<320000x64xf32, #tpu.memory_space<hbm>> -> memref<80x64xf32, #tpu.memory_space<hbm>>
    tpu.enqueue_dma source(%dma_start3A_14 : memref<80x64xf32, #tpu.memory_space<hbm>>) target(%arg8 : memref<80x64xf32, #tpu.memory_space<vmem>>) target_semaphore(%arg10 : memref<!tpu.dma_semaphore, #tpu.memory_space<semaphore_mem>>)
    %scan3A_15 = arith.constant 0 : i32
    %scan3A_16 = arith.constant 0 : i32
    %scan3A_17 = arith.constant 63 : i32
    %scan3A_18 = arith.addi %scan3A_16, %scan3A_17 : i32
    %scan3A_19 = arith.constant 1 : i32
    scf.for %scan3A_29 = %scan3A_16 to %scan3A_18 step %scan3A_19  : i32 {
      %mul3A_30 = arith.constant 2 : i32
      %mul3A_31 = arith.muli %mul3A_30, %scan3A_29 : i32
      %add3A_32 = arith.constant 1 : i32
      %add3A_33 = arith.addi %mul3A_31, %add3A_32 : i32
      %lt3A = arith.constant 125 : i32
      %lt3A_34 = arith.cmpi slt, %add3A_33, %lt3A : i32
      %convert_element_type3A = arith.extui %lt3A_34 : i1 to i32
      %cond3A = arith.constant 0 : i32
      %cond3A_35 = arith.cmpi ne, %convert_element_type3A, %cond3A : i32
      scf.if %cond3A_35 {
        %mul3A_56 = arith.constant 80 : i32
        %mul3A_57 = arith.muli %add3A_33, %mul3A_56 : i32
        %add3A_58 = arith.addi %mul3A_2, %mul3A_57 : i32
        %dma_start3A_59 = tpu.memref_slice %arg3[%add3A_58] : memref<320000xi32, #tpu.memory_space<hbm>> -> memref<80xi32, #tpu.memory_space<hbm>>
        %dma_start3A_60 = tpu.memref_slice %arg3[%add3A_58] : memref<320000xi32, #tpu.memory_space<hbm>> -> memref<80xi32, #tpu.memory_space<hbm>>
        tpu.enqueue_dma source(%dma_start3A_60 : memref<80xi32, #tpu.memory_space<hbm>>) target(%arg11 : memref<80xi32, #tpu.memory_space<vmem>>) target_semaphore(%arg13 : memref<!tpu.dma_semaphore, #tpu.memory_space<semaphore_mem>>)
        %dma_start3A_61 = arith.constant 0 : i32
        %dma_start3A_62 = tpu.memref_slice %arg2[%add3A_58, %dma_start3A_61] : memref<320000x64xf32, #tpu.memory_space<hbm>> -> memref<80x64xf32, #tpu.memory_space<hbm>>
        %dma_start3A_63 = arith.constant 0 : i32
        %dma_start3A_64 = tpu.memref_slice %arg2[%add3A_58, %dma_start3A_63] : memref<320000x64xf32, #tpu.memory_space<hbm>> -> memref<80x64xf32, #tpu.memory_space<hbm>>
        tpu.enqueue_dma source(%dma_start3A_64 : memref<80x64xf32, #tpu.memory_space<hbm>>) target(%arg12 : memref<80x64xf32, #tpu.memory_space<vmem>>) target_semaphore(%arg14 : memref<!tpu.dma_semaphore, #tpu.memory_space<semaphore_mem>>)
      } else {
      }
      %mul3A_36 = arith.constant 80 : i32
      %mul3A_37 = arith.muli %mul3A_31, %mul3A_36 : i32
      %add3A_38 = arith.addi %mul3A_2, %mul3A_37 : i32
      %dma_wait3A = tpu.memref_slice %arg3[%add3A_38] : memref<320000xi32, #tpu.memory_space<hbm>> -> memref<80xi32, #tpu.memory_space<hbm>>
      %dma_wait3A_39 = tpu.memref_slice %arg3[%add3A_38] : memref<320000xi32, #tpu.memory_space<hbm>> -> memref<80xi32, #tpu.memory_space<hbm>>
      tpu.wait_dma2 semaphore(%arg9 : memref<!tpu.dma_semaphore, #tpu.memory_space<semaphore_mem>>) src(%dma_wait3A_39 : memref<80xi32, #tpu.memory_space<hbm>>) dst(%arg7 : memref<80xi32, #tpu.memory_space<vmem>>)
      %dma_wait3A_40 = arith.constant 0 : i32
      %dma_wait3A_41 = tpu.memref_slice %arg2[%add3A_38, %dma_wait3A_40] : memref<320000x64xf32, #tpu.memory_space<hbm>> -> memref<80x64xf32, #tpu.memory_space<hbm>>
      %dma_wait3A_42 = arith.constant 0 : i32
      %dma_wait3A_43 = tpu.memref_slice %arg2[%add3A_38, %dma_wait3A_42] : memref<320000x64xf32, #tpu.memory_space<hbm>> -> memref<80x64xf32, #tpu.memory_space<hbm>>
      tpu.wait_dma2 semaphore(%arg10 : memref<!tpu.dma_semaphore, #tpu.memory_space<semaphore_mem>>) src(%dma_wait3A_43 : memref<80x64xf32, #tpu.memory_space<hbm>>) dst(%arg8 : memref<80x64xf32, #tpu.memory_space<vmem>>)
      "tpu.region"() ({
        %run_scoped3A = tpu.sem_alloc : memref<!tpu.dma_semaphore, #tpu.memory_space<semaphore_mem>>
        %dma_start3A_56 = arith.constant 0 : i32
        %dma_start3A_57 = arith.constant 0 : i32
        %dma_start3A_58 = tpu.memref_slice %arg16[%dma_start3A_56, %dma_start3A_57] : memref<10240x64xf32, #tpu.memory_space<vmem_shared>> -> memref<10240x64xf32, #tpu.memory_space<vmem_shared>>
        tpu.enqueue_indirect_dma source(%arg8 : memref<80x64xf32, #tpu.memory_space<vmem>>) target(%dma_start3A_58 : memref<10240x64xf32, #tpu.memory_space<vmem_shared>>) offsets(%arg7 : memref<80xi32, #tpu.memory_space<vmem>>) semaphore(%run_scoped3A : memref<!tpu.dma_semaphore, #tpu.memory_space<semaphore_mem>>) {add = true}
        %dma_wait3A_59 = arith.constant 0 : i32
        %dma_wait3A_60 = arith.constant 0 : i32
        %dma_wait3A_61 = tpu.memref_slice %arg16[%dma_wait3A_59, %dma_wait3A_60] : memref<10240x64xf32, #tpu.memory_space<vmem_shared>> -> memref<10240x64xf32, #tpu.memory_space<vmem_shared>>
        tpu.wait_indirect_dma semaphore(%run_scoped3A : memref<!tpu.dma_semaphore, #tpu.memory_space<semaphore_mem>>) src(%arg8 : memref<80x64xf32, #tpu.memory_space<vmem>>) dst(%dma_wait3A_61 : memref<10240x64xf32, #tpu.memory_space<vmem_shared>>)
        tpu.yield
      }) : () -> ()
      %add3A_44 = arith.constant 1 : i32
      %add3A_45 = arith.addi %add3A_33, %add3A_44 : i32
      %lt3A_46 = arith.constant 125 : i32
      %lt3A_47 = arith.cmpi slt, %add3A_45, %lt3A_46 : i32
      %convert_element_type3A_48 = arith.extui %lt3A_47 : i1 to i32
      %cond3A_49 = arith.constant 0 : i32
      %cond3A_50 = arith.cmpi ne, %convert_element_type3A_48, %cond3A_49 : i32
      scf.if %cond3A_50 {
        %add3A_56 = arith.constant 1 : i32
        %add3A_57 = arith.addi %add3A_33, %add3A_56 : i32
        %mul3A_58 = arith.constant 80 : i32
        %mul3A_59 = arith.muli %add3A_57, %mul3A_58 : i32
        %add3A_60 = arith.addi %mul3A_2, %mul3A_59 : i32
        %dma_start3A_61 = tpu.memref_slice %arg3[%add3A_60] : memref<320000xi32, #tpu.memory_space<hbm>> -> memref<80xi32, #tpu.memory_space<hbm>>
        %dma_start3A_62 = tpu.memref_slice %arg3[%add3A_60] : memref<320000xi32, #tpu.memory_space<hbm>> -> memref<80xi32, #tpu.memory_space<hbm>>
        tpu.enqueue_dma source(%dma_start3A_62 : memref<80xi32, #tpu.memory_space<hbm>>) target(%arg7 : memref<80xi32, #tpu.memory_space<vmem>>) target_semaphore(%arg9 : memref<!tpu.dma_semaphore, #tpu.memory_space<semaphore_mem>>)
        %dma_start3A_63 = arith.constant 0 : i32
        %dma_start3A_64 = tpu.memref_slice %arg2[%add3A_60, %dma_start3A_63] : memref<320000x64xf32, #tpu.memory_space<hbm>> -> memref<80x64xf32, #tpu.memory_space<hbm>>
        %dma_start3A_65 = arith.constant 0 : i32
        %dma_start3A_66 = tpu.memref_slice %arg2[%add3A_60, %dma_start3A_65] : memref<320000x64xf32, #tpu.memory_space<hbm>> -> memref<80x64xf32, #tpu.memory_space<hbm>>
        tpu.enqueue_dma source(%dma_start3A_66 : memref<80x64xf32, #tpu.memory_space<hbm>>) target(%arg8 : memref<80x64xf32, #tpu.memory_space<vmem>>) target_semaphore(%arg10 : memref<!tpu.dma_semaphore, #tpu.memory_space<semaphore_mem>>)
      } else {
      }
      %lt3A_51 = arith.constant 125 : i32
      %lt3A_52 = arith.cmpi slt, %add3A_33, %lt3A_51 : i32
      %convert_element_type3A_53 = arith.extui %lt3A_52 : i1 to i32
      %cond3A_54 = arith.constant 0 : i32
      %cond3A_55 = arith.cmpi ne, %convert_element_type3A_53, %cond3A_54 : i32
      scf.if %cond3A_55 {
        %mul3A_56 = arith.constant 80 : i32
        %mul3A_57 = arith.muli %add3A_33, %mul3A_56 : i32
        %add3A_58 = arith.addi %mul3A_2, %mul3A_57 : i32
        %dma_wait3A_59 = tpu.memref_slice %arg3[%add3A_58] : memref<320000xi32, #tpu.memory_space<hbm>> -> memref<80xi32, #tpu.memory_space<hbm>>
        %dma_wait3A_60 = tpu.memref_slice %arg3[%add3A_58] : memref<320000xi32, #tpu.memory_space<hbm>> -> memref<80xi32, #tpu.memory_space<hbm>>
        tpu.wait_dma2 semaphore(%arg13 : memref<!tpu.dma_semaphore, #tpu.memory_space<semaphore_mem>>) src(%dma_wait3A_60 : memref<80xi32, #tpu.memory_space<hbm>>) dst(%arg11 : memref<80xi32, #tpu.memory_space<vmem>>)
        %dma_wait3A_61 = arith.constant 0 : i32
        %dma_wait3A_62 = tpu.memref_slice %arg2[%add3A_58, %dma_wait3A_61] : memref<320000x64xf32, #tpu.memory_space<hbm>> -> memref<80x64xf32, #tpu.memory_space<hbm>>
        %dma_wait3A_63 = arith.constant 0 : i32
        %dma_wait3A_64 = tpu.memref_slice %arg2[%add3A_58, %dma_wait3A_63] : memref<320000x64xf32, #tpu.memory_space<hbm>> -> memref<80x64xf32, #tpu.memory_space<hbm>>
        tpu.wait_dma2 semaphore(%arg14 : memref<!tpu.dma_semaphore, #tpu.memory_space<semaphore_mem>>) src(%dma_wait3A_64 : memref<80x64xf32, #tpu.memory_space<hbm>>) dst(%arg12 : memref<80x64xf32, #tpu.memory_space<vmem>>)
        "tpu.region"() ({
          %run_scoped3A = tpu.sem_alloc : memref<!tpu.dma_semaphore, #tpu.memory_space<semaphore_mem>>
          %dma_start3A_65 = arith.constant 0 : i32
          %dma_start3A_66 = arith.constant 0 : i32
          %dma_start3A_67 = tpu.memref_slice %arg16[%dma_start3A_65, %dma_start3A_66] : memref<10240x64xf32, #tpu.memory_space<vmem_shared>> -> memref<10240x64xf32, #tpu.memory_space<vmem_shared>>
          tpu.enqueue_indirect_dma source(%arg12 : memref<80x64xf32, #tpu.memory_space<vmem>>) target(%dma_start3A_67 : memref<10240x64xf32, #tpu.memory_space<vmem_shared>>) offsets(%arg11 : memref<80xi32, #tpu.memory_space<vmem>>) semaphore(%run_scoped3A : memref<!tpu.dma_semaphore, #tpu.memory_space<semaphore_mem>>) {add = true}
          %dma_wait3A_68 = arith.constant 0 : i32
          %dma_wait3A_69 = arith.constant 0 : i32
          %dma_wait3A_70 = tpu.memref_slice %arg16[%dma_wait3A_68, %dma_wait3A_69] : memref<10240x64xf32, #tpu.memory_space<vmem_shared>> -> memref<10240x64xf32, #tpu.memory_space<vmem_shared>>
          tpu.wait_indirect_dma semaphore(%run_scoped3A : memref<!tpu.dma_semaphore, #tpu.memory_space<semaphore_mem>>) src(%arg12 : memref<80x64xf32, #tpu.memory_space<vmem>>) dst(%dma_wait3A_70 : memref<10240x64xf32, #tpu.memory_space<vmem_shared>>)
          tpu.yield
        }) : () -> ()
      } else {
      }
    }
    %scan3A_20 = arith.constant 63 : i32
    %barrier3A_21 = arith.constant 0 : index
    tpu.barrier barrier_id(%barrier3A_21)
    %mul3A_22 = arith.constant 640 : i32
    %mul3A_23 = arith.muli %arg1, %mul3A_22 : i32
    %mul3A_24 = arith.constant 10240 : i32
    %mul3A_25 = arith.muli %arg0, %mul3A_24 : i32
    %mul3A_26 = arith.constant 640 : i32
    %mul3A_27 = arith.muli %arg1, %mul3A_26 : i32
    %add3A_28 = arith.addi %mul3A_25, %mul3A_27 : i32
    "tpu.region"() ({
      %run_scoped3A = tpu.sem_alloc : memref<!tpu.dma_semaphore, #tpu.memory_space<semaphore_mem>>
      %dma_start3A_29 = arith.constant 0 : i32
      %dma_start3A_30 = tpu.memref_slice %arg6[%add3A_28, %dma_start3A_29] : memref<20480x64xf32, #tpu.memory_space<hbm>> -> memref<640x64xf32, #tpu.memory_space<hbm>>
      %dma_start3A_31 = arith.constant 0 : i32
      %dma_start3A_32 = tpu.memref_slice %arg16[%mul3A_23, %dma_start3A_31] : memref<10240x64xf32, #tpu.memory_space<vmem_shared>> -> memref<640x64xf32, #tpu.memory_space<vmem_shared>>
      tpu.enqueue_dma source(%dma_start3A_32 : memref<640x64xf32, #tpu.memory_space<vmem_shared>>) target(%dma_start3A_30 : memref<640x64xf32, #tpu.memory_space<hbm>>) target_semaphore(%run_scoped3A : memref<!tpu.dma_semaphore, #tpu.memory_space<semaphore_mem>>)
      %dma_wait3A = arith.constant 0 : i32
      %dma_wait3A_33 = tpu.memref_slice %arg6[%add3A_28, %dma_wait3A] : memref<20480x64xf32, #tpu.memory_space<hbm>> -> memref<640x64xf32, #tpu.memory_space<hbm>>
      %dma_wait3A_34 = arith.constant 0 : i32
      %dma_wait3A_35 = tpu.memref_slice %arg16[%mul3A_23, %dma_wait3A_34] : memref<10240x64xf32, #tpu.memory_space<vmem_shared>> -> memref<640x64xf32, #tpu.memory_space<vmem_shared>>
      tpu.wait_dma2 semaphore(%run_scoped3A : memref<!tpu.dma_semaphore, #tpu.memory_space<semaphore_mem>>) src(%dma_wait3A_35 : memref<640x64xf32, #tpu.memory_space<vmem_shared>>) dst(%dma_wait3A_33 : memref<640x64xf32, #tpu.memory_space<hbm>>)
      tpu.yield
    }) : () -> ()
    return
  }
}

#map = affine_map<(d0, d1) -> (0, 0)>
#map1 = affine_map<(d0, d1) -> (0)>
module attributes {stable_mosaic.version = 14 : i64} {
  func.func @k(%arg0: i32, %arg1: i32, %arg2: memref<320000x64xf32, #tpu.memory_space<hbm>>, %arg3: memref<320000xi32, #tpu.memory_space<hbm>>, %arg4: memref<80x64xf32, #tpu.memory_space<hbm>>, %arg5: memref<10240xi32, #tpu.memory_space<hbm>>, %arg6: memref<20480x64xf32, #tpu.memory_space<hbm>>, %arg7: memref<80xi32, #tpu.memory_space<vmem>>, %arg8: memref<80x64xf32, #tpu.memory_space<vmem>>, %arg9: memref<!tpu.dma_semaphore, #tpu.memory_space<semaphore_mem>>, %arg10: memref<!tpu.dma_semaphore, #tpu.memory_space<semaphore_mem>>, %arg11: memref<80xi32, #tpu.memory_space<vmem>>, %arg12: memref<80x64xf32, #tpu.memory_space<vmem>>, %arg13: memref<!tpu.dma_semaphore, #tpu.memory_space<semaphore_mem>>, %arg14: memref<!tpu.dma_semaphore, #tpu.memory_space<semaphore_mem>>, %arg15: memref<80x64xf32, #tpu.memory_space<vmem>>, %arg16: memref<10240x64xf32, #tpu.memory_space<vmem_shared>>) attributes {dimension_semantics = [#tpu.dimension_semantics<core_parallel>, #tpu.dimension_semantics<subcore_parallel>], iteration_bounds = array<i64: 2, 16>, scalar_prefetch = 0 : i64, scratch_operands = 10 : i64, tpu.core_type = #tpu.core_type<sc_vector_subcore>, window_params = [{transform_indices = #map}, {transform_indices = #map1}, {transform_indices = #map}, {transform_indices = #map1}, {transform_indices = #map}]} {
    %mul3A = arith.constant 16 : i32
    %mul3A_0 = arith.muli %arg0, %mul3A : i32
    %add3A = arith.addi %mul3A_0, %arg1 : i32
    %mul3A_1 = arith.constant 10000 : i32
    %mul3A_2 = arith.muli %add3A, %mul3A_1 : i32
    "tpu.region"() ({
      %run_scoped3A = tpu.sem_alloc : memref<!tpu.dma_semaphore, #tpu.memory_space<semaphore_mem>>
      tpu.enqueue_dma source(%arg4 : memref<80x64xf32, #tpu.memory_space<hbm>>) target(%arg15 : memref<80x64xf32, #tpu.memory_space<vmem>>) target_semaphore(%run_scoped3A : memref<!tpu.dma_semaphore, #tpu.memory_space<semaphore_mem>>)
      tpu.wait_dma2 semaphore(%run_scoped3A : memref<!tpu.dma_semaphore, #tpu.memory_space<semaphore_mem>>) src(%arg4 : memref<80x64xf32, #tpu.memory_space<hbm>>) dst(%arg15 : memref<80x64xf32, #tpu.memory_space<vmem>>)
      tpu.yield
    }) : () -> ()
    %scan3A = arith.constant 0 : i32
    %scan3A_3 = arith.constant 0 : i32
    %scan3A_4 = arith.constant 8 : i32
    %scan3A_5 = arith.addi %scan3A_3, %scan3A_4 : i32
    %scan3A_6 = arith.constant 1 : i32
    scf.for %scan3A_29 = %scan3A_3 to %scan3A_5 step %scan3A_6  : i32 {
      %mul3A_30 = arith.constant 640 : i32
      %mul3A_31 = arith.muli %arg1, %mul3A_30 : i32
      %mul3A_32 = arith.constant 80 : i32
      %mul3A_33 = arith.muli %scan3A_29, %mul3A_32 : i32
      %add3A_34 = arith.addi %mul3A_31, %mul3A_33 : i32
      "tpu.region"() ({
        %run_scoped3A = tpu.sem_alloc : memref<!tpu.dma_semaphore, #tpu.memory_space<semaphore_mem>>
        %dma_start3A_35 = tpu.memref_slice %arg5[%add3A_34] : memref<10240xi32, #tpu.memory_space<hbm>> -> memref<80xi32, #tpu.memory_space<hbm>>
        %dma_start3A_36 = tpu.memref_slice %arg5[%add3A_34] : memref<10240xi32, #tpu.memory_space<hbm>> -> memref<80xi32, #tpu.memory_space<hbm>>
        tpu.enqueue_dma source(%dma_start3A_36 : memref<80xi32, #tpu.memory_space<hbm>>) target(%arg7 : memref<80xi32, #tpu.memory_space<vmem>>) target_semaphore(%run_scoped3A : memref<!tpu.dma_semaphore, #tpu.memory_space<semaphore_mem>>)
        %dma_wait3A = tpu.memref_slice %arg5[%add3A_34] : memref<10240xi32, #tpu.memory_space<hbm>> -> memref<80xi32, #tpu.memory_space<hbm>>
        %dma_wait3A_37 = tpu.memref_slice %arg5[%add3A_34] : memref<10240xi32, #tpu.memory_space<hbm>> -> memref<80xi32, #tpu.memory_space<hbm>>
        tpu.wait_dma2 semaphore(%run_scoped3A : memref<!tpu.dma_semaphore, #tpu.memory_space<semaphore_mem>>) src(%dma_wait3A_37 : memref<80xi32, #tpu.memory_space<hbm>>) dst(%arg7 : memref<80xi32, #tpu.memory_space<vmem>>)
        tpu.yield
      }) : () -> ()
      "tpu.region"() ({
        %run_scoped3A = tpu.sem_alloc : memref<!tpu.dma_semaphore, #tpu.memory_space<semaphore_mem>>
        %dma_start3A_35 = arith.constant 0 : i32
        %dma_start3A_36 = arith.constant 0 : i32
        %dma_start3A_37 = tpu.memref_slice %arg16[%dma_start3A_35, %dma_start3A_36] : memref<10240x64xf32, #tpu.memory_space<vmem_shared>> -> memref<10240x64xf32, #tpu.memory_space<vmem_shared>>
        tpu.enqueue_indirect_dma source(%arg15 : memref<80x64xf32, #tpu.memory_space<vmem>>) target(%dma_start3A_37 : memref<10240x64xf32, #tpu.memory_space<vmem_shared>>) offsets(%arg7 : memref<80xi32, #tpu.memory_space<vmem>>) semaphore(%run_scoped3A : memref<!tpu.dma_semaphore, #tpu.memory_space<semaphore_mem>>)
        %dma_wait3A = arith.constant 0 : i32
        %dma_wait3A_38 = arith.constant 0 : i32
        %dma_wait3A_39 = tpu.memref_slice %arg16[%dma_wait3A, %dma_wait3A_38] : memref<10240x64xf32, #tpu.memory_space<vmem_shared>> -> memref<10240x64xf32, #tpu.memory_space<vmem_shared>>
        tpu.wait_indirect_dma semaphore(%run_scoped3A : memref<!tpu.dma_semaphore, #tpu.memory_space<semaphore_mem>>) src(%arg15 : memref<80x64xf32, #tpu.memory_space<vmem>>) dst(%dma_wait3A_39 : memref<10240x64xf32, #tpu.memory_space<vmem_shared>>)
        tpu.yield
      }) : () -> ()
    }
    %scan3A_7 = arith.constant 8 : i32
    %barrier3A = arith.constant 0 : index
    tpu.barrier barrier_id(%barrier3A)
    %add3A_8 = arith.constant 0 : i32
    %add3A_9 = arith.addi %mul3A_2, %add3A_8 : i32
    %dma_start3A = tpu.memref_slice %arg3[%add3A_9] : memref<320000xi32, #tpu.memory_space<hbm>> -> memref<80xi32, #tpu.memory_space<hbm>>
    %dma_start3A_10 = tpu.memref_slice %arg3[%add3A_9] : memref<320000xi32, #tpu.memory_space<hbm>> -> memref<80xi32, #tpu.memory_space<hbm>>
    tpu.enqueue_dma source(%dma_start3A_10 : memref<80xi32, #tpu.memory_space<hbm>>) target(%arg7 : memref<80xi32, #tpu.memory_space<vmem>>) target_semaphore(%arg9 : memref<!tpu.dma_semaphore, #tpu.memory_space<semaphore_mem>>)
    %dma_start3A_11 = arith.constant 0 : i32
    %dma_start3A_12 = tpu.memref_slice %arg2[%add3A_9, %dma_start3A_11] : memref<320000x64xf32, #tpu.memory_space<hbm>> -> memref<80x64xf32, #tpu.memory_space<hbm>>
    %dma_start3A_13 = arith.constant 0 : i32
    %dma_start3A_14 = tpu.memref_slice %arg2[%add3A_9, %dma_start3A_13] : memref<320000x64xf32, #tpu.memory_space<hbm>> -> memref<80x64xf32, #tpu.memory_space<hbm>>
    tpu.enqueue_dma source(%dma_start3A_14 : memref<80x64xf32, #tpu.memory_space<hbm>>) target(%arg8 : memref<80x64xf32, #tpu.memory_space<vmem>>) target_semaphore(%arg10 : memref<!tpu.dma_semaphore, #tpu.memory_space<semaphore_mem>>)
    %scan3A_15 = arith.constant 0 : i32
    %scan3A_16 = arith.constant 0 : i32
    %scan3A_17 = arith.constant 63 : i32
    %scan3A_18 = arith.addi %scan3A_16, %scan3A_17 : i32
    %scan3A_19 = arith.constant 1 : i32
    scf.for %scan3A_29 = %scan3A_16 to %scan3A_18 step %scan3A_19  : i32 {
      %mul3A_30 = arith.constant 2 : i32
      %mul3A_31 = arith.muli %mul3A_30, %scan3A_29 : i32
      %add3A_32 = arith.constant 1 : i32
      %add3A_33 = arith.addi %mul3A_31, %add3A_32 : i32
      %lt3A = arith.constant 125 : i32
      %lt3A_34 = arith.cmpi slt, %add3A_33, %lt3A : i32
      %convert_element_type3A = arith.extui %lt3A_34 : i1 to i32
      %cond3A = arith.constant 0 : i32
      %cond3A_35 = arith.cmpi ne, %convert_element_type3A, %cond3A : i32
      scf.if %cond3A_35 {
        %mul3A_56 = arith.constant 80 : i32
        %mul3A_57 = arith.muli %add3A_33, %mul3A_56 : i32
        %add3A_58 = arith.addi %mul3A_2, %mul3A_57 : i32
        %dma_start3A_59 = tpu.memref_slice %arg3[%add3A_58] : memref<320000xi32, #tpu.memory_space<hbm>> -> memref<80xi32, #tpu.memory_space<hbm>>
        %dma_start3A_60 = tpu.memref_slice %arg3[%add3A_58] : memref<320000xi32, #tpu.memory_space<hbm>> -> memref<80xi32, #tpu.memory_space<hbm>>
        tpu.enqueue_dma source(%dma_start3A_60 : memref<80xi32, #tpu.memory_space<hbm>>) target(%arg11 : memref<80xi32, #tpu.memory_space<vmem>>) target_semaphore(%arg13 : memref<!tpu.dma_semaphore, #tpu.memory_space<semaphore_mem>>)
        %dma_start3A_61 = arith.constant 0 : i32
        %dma_start3A_62 = tpu.memref_slice %arg2[%add3A_58, %dma_start3A_61] : memref<320000x64xf32, #tpu.memory_space<hbm>> -> memref<80x64xf32, #tpu.memory_space<hbm>>
        %dma_start3A_63 = arith.constant 0 : i32
        %dma_start3A_64 = tpu.memref_slice %arg2[%add3A_58, %dma_start3A_63] : memref<320000x64xf32, #tpu.memory_space<hbm>> -> memref<80x64xf32, #tpu.memory_space<hbm>>
        tpu.enqueue_dma source(%dma_start3A_64 : memref<80x64xf32, #tpu.memory_space<hbm>>) target(%arg12 : memref<80x64xf32, #tpu.memory_space<vmem>>) target_semaphore(%arg14 : memref<!tpu.dma_semaphore, #tpu.memory_space<semaphore_mem>>)
      } else {
      }
      %mul3A_36 = arith.constant 80 : i32
      %mul3A_37 = arith.muli %mul3A_31, %mul3A_36 : i32
      %add3A_38 = arith.addi %mul3A_2, %mul3A_37 : i32
      %dma_wait3A = tpu.memref_slice %arg3[%add3A_38] : memref<320000xi32, #tpu.memory_space<hbm>> -> memref<80xi32, #tpu.memory_space<hbm>>
      %dma_wait3A_39 = tpu.memref_slice %arg3[%add3A_38] : memref<320000xi32, #tpu.memory_space<hbm>> -> memref<80xi32, #tpu.memory_space<hbm>>
      tpu.wait_dma2 semaphore(%arg9 : memref<!tpu.dma_semaphore, #tpu.memory_space<semaphore_mem>>) src(%dma_wait3A_39 : memref<80xi32, #tpu.memory_space<hbm>>) dst(%arg7 : memref<80xi32, #tpu.memory_space<vmem>>)
      %dma_wait3A_40 = arith.constant 0 : i32
      %dma_wait3A_41 = tpu.memref_slice %arg2[%add3A_38, %dma_wait3A_40] : memref<320000x64xf32, #tpu.memory_space<hbm>> -> memref<80x64xf32, #tpu.memory_space<hbm>>
      %dma_wait3A_42 = arith.constant 0 : i32
      %dma_wait3A_43 = tpu.memref_slice %arg2[%add3A_38, %dma_wait3A_42] : memref<320000x64xf32, #tpu.memory_space<hbm>> -> memref<80x64xf32, #tpu.memory_space<hbm>>
      tpu.wait_dma2 semaphore(%arg10 : memref<!tpu.dma_semaphore, #tpu.memory_space<semaphore_mem>>) src(%dma_wait3A_43 : memref<80x64xf32, #tpu.memory_space<hbm>>) dst(%arg8 : memref<80x64xf32, #tpu.memory_space<vmem>>)
      "tpu.region"() ({
        %run_scoped3A = tpu.sem_alloc : memref<!tpu.dma_semaphore, #tpu.memory_space<semaphore_mem>>
        %dma_start3A_56 = arith.constant 0 : i32
        %dma_start3A_57 = arith.constant 0 : i32
        %dma_start3A_58 = tpu.memref_slice %arg16[%dma_start3A_56, %dma_start3A_57] : memref<10240x64xf32, #tpu.memory_space<vmem_shared>> -> memref<10240x64xf32, #tpu.memory_space<vmem_shared>>
        tpu.enqueue_indirect_dma source(%arg8 : memref<80x64xf32, #tpu.memory_space<vmem>>) target(%dma_start3A_58 : memref<10240x64xf32, #tpu.memory_space<vmem_shared>>) offsets(%arg7 : memref<80xi32, #tpu.memory_space<vmem>>) semaphore(%run_scoped3A : memref<!tpu.dma_semaphore, #tpu.memory_space<semaphore_mem>>) {add = true}
        %dma_wait3A_59 = arith.constant 0 : i32
        %dma_wait3A_60 = arith.constant 0 : i32
        %dma_wait3A_61 = tpu.memref_slice %arg16[%dma_wait3A_59, %dma_wait3A_60] : memref<10240x64xf32, #tpu.memory_space<vmem_shared>> -> memref<10240x64xf32, #tpu.memory_space<vmem_shared>>
        tpu.wait_indirect_dma semaphore(%run_scoped3A : memref<!tpu.dma_semaphore, #tpu.memory_space<semaphore_mem>>) src(%arg8 : memref<80x64xf32, #tpu.memory_space<vmem>>) dst(%dma_wait3A_61 : memref<10240x64xf32, #tpu.memory_space<vmem_shared>>)
        tpu.yield
      }) : () -> ()
      %add3A_44 = arith.constant 1 : i32
      %add3A_45 = arith.addi %add3A_33, %add3A_44 : i32
      %lt3A_46 = arith.constant 125 : i32
      %lt3A_47 = arith.cmpi slt, %add3A_45, %lt3A_46 : i32
      %convert_element_type3A_48 = arith.extui %lt3A_47 : i1 to i32
      %cond3A_49 = arith.constant 0 : i32
      %cond3A_50 = arith.cmpi ne, %convert_element_type3A_48, %cond3A_49 : i32
      scf.if %cond3A_50 {
        %add3A_56 = arith.constant 1 : i32
        %add3A_57 = arith.addi %add3A_33, %add3A_56 : i32
        %mul3A_58 = arith.constant 80 : i32
        %mul3A_59 = arith.muli %add3A_57, %mul3A_58 : i32
        %add3A_60 = arith.addi %mul3A_2, %mul3A_59 : i32
        %dma_start3A_61 = tpu.memref_slice %arg3[%add3A_60] : memref<320000xi32, #tpu.memory_space<hbm>> -> memref<80xi32, #tpu.memory_space<hbm>>
        %dma_start3A_62 = tpu.memref_slice %arg3[%add3A_60] : memref<320000xi32, #tpu.memory_space<hbm>> -> memref<80xi32, #tpu.memory_space<hbm>>
        tpu.enqueue_dma source(%dma_start3A_62 : memref<80xi32, #tpu.memory_space<hbm>>) target(%arg7 : memref<80xi32, #tpu.memory_space<vmem>>) target_semaphore(%arg9 : memref<!tpu.dma_semaphore, #tpu.memory_space<semaphore_mem>>)
        %dma_start3A_63 = arith.constant 0 : i32
        %dma_start3A_64 = tpu.memref_slice %arg2[%add3A_60, %dma_start3A_63] : memref<320000x64xf32, #tpu.memory_space<hbm>> -> memref<80x64xf32, #tpu.memory_space<hbm>>
        %dma_start3A_65 = arith.constant 0 : i32
        %dma_start3A_66 = tpu.memref_slice %arg2[%add3A_60, %dma_start3A_65] : memref<320000x64xf32, #tpu.memory_space<hbm>> -> memref<80x64xf32, #tpu.memory_space<hbm>>
        tpu.enqueue_dma source(%dma_start3A_66 : memref<80x64xf32, #tpu.memory_space<hbm>>) target(%arg8 : memref<80x64xf32, #tpu.memory_space<vmem>>) target_semaphore(%arg10 : memref<!tpu.dma_semaphore, #tpu.memory_space<semaphore_mem>>)
      } else {
      }
      %lt3A_51 = arith.constant 125 : i32
      %lt3A_52 = arith.cmpi slt, %add3A_33, %lt3A_51 : i32
      %convert_element_type3A_53 = arith.extui %lt3A_52 : i1 to i32
      %cond3A_54 = arith.constant 0 : i32
      %cond3A_55 = arith.cmpi ne, %convert_element_type3A_53, %cond3A_54 : i32
      scf.if %cond3A_55 {
        %mul3A_56 = arith.constant 80 : i32
        %mul3A_57 = arith.muli %add3A_33, %mul3A_56 : i32
        %add3A_58 = arith.addi %mul3A_2, %mul3A_57 : i32
        %dma_wait3A_59 = tpu.memref_slice %arg3[%add3A_58] : memref<320000xi32, #tpu.memory_space<hbm>> -> memref<80xi32, #tpu.memory_space<hbm>>
        %dma_wait3A_60 = tpu.memref_slice %arg3[%add3A_58] : memref<320000xi32, #tpu.memory_space<hbm>> -> memref<80xi32, #tpu.memory_space<hbm>>
        tpu.wait_dma2 semaphore(%arg13 : memref<!tpu.dma_semaphore, #tpu.memory_space<semaphore_mem>>) src(%dma_wait3A_60 : memref<80xi32, #tpu.memory_space<hbm>>) dst(%arg11 : memref<80xi32, #tpu.memory_space<vmem>>)
        %dma_wait3A_61 = arith.constant 0 : i32
        %dma_wait3A_62 = tpu.memref_slice %arg2[%add3A_58, %dma_wait3A_61] : memref<320000x64xf32, #tpu.memory_space<hbm>> -> memref<80x64xf32, #tpu.memory_space<hbm>>
        %dma_wait3A_63 = arith.constant 0 : i32
        %dma_wait3A_64 = tpu.memref_slice %arg2[%add3A_58, %dma_wait3A_63] : memref<320000x64xf32, #tpu.memory_space<hbm>> -> memref<80x64xf32, #tpu.memory_space<hbm>>
        tpu.wait_dma2 semaphore(%arg14 : memref<!tpu.dma_semaphore, #tpu.memory_space<semaphore_mem>>) src(%dma_wait3A_64 : memref<80x64xf32, #tpu.memory_space<hbm>>) dst(%arg12 : memref<80x64xf32, #tpu.memory_space<vmem>>)
        "tpu.region"() ({
          %run_scoped3A = tpu.sem_alloc : memref<!tpu.dma_semaphore, #tpu.memory_space<semaphore_mem>>
          %dma_start3A_65 = arith.constant 0 : i32
          %dma_start3A_66 = arith.constant 0 : i32
          %dma_start3A_67 = tpu.memref_slice %arg16[%dma_start3A_65, %dma_start3A_66] : memref<10240x64xf32, #tpu.memory_space<vmem_shared>> -> memref<10240x64xf32, #tpu.memory_space<vmem_shared>>
          tpu.enqueue_indirect_dma source(%arg12 : memref<80x64xf32, #tpu.memory_space<vmem>>) target(%dma_start3A_67 : memref<10240x64xf32, #tpu.memory_space<vmem_shared>>) offsets(%arg11 : memref<80xi32, #tpu.memory_space<vmem>>) semaphore(%run_scoped3A : memref<!tpu.dma_semaphore, #tpu.memory_space<semaphore_mem>>) {add = true}
          %dma_wait3A_68 = arith.constant 0 : i32
          %dma_wait3A_69 = arith.constant 0 : i32
          %dma_wait3A_70 = tpu.memref_slice %arg16[%dma_wait3A_68, %dma_wait3A_69] : memref<10240x64xf32, #tpu.memory_space<vmem_shared>> -> memref<10240x64xf32, #tpu.memory_space<vmem_shared>>
          tpu.wait_indirect_dma semaphore(%run_scoped3A : memref<!tpu.dma_semaphore, #tpu.memory_space<semaphore_mem>>) src(%arg12 : memref<80x64xf32, #tpu.memory_space<vmem>>) dst(%dma_wait3A_70 : memref<10240x64xf32, #tpu.memory_space<vmem_shared>>)
          tpu.yield
        }) : () -> ()
      } else {
      }
    }
    %scan3A_20 = arith.constant 63 : i32
    %barrier3A_21 = arith.constant 0 : index
    tpu.barrier barrier_id(%barrier3A_21)
    %mul3A_22 = arith.constant 640 : i32
    %mul3A_23 = arith.muli %arg1, %mul3A_22 : i32
    %mul3A_24 = arith.constant 10240 : i32
    %mul3A_25 = arith.muli %arg0, %mul3A_24 : i32
    %mul3A_26 = arith.constant 640 : i32
    %mul3A_27 = arith.muli %arg1, %mul3A_26 : i32
    %add3A_28 = arith.addi %mul3A_25, %mul3A_27 : i32
    "tpu.region"() ({
      %run_scoped3A = tpu.sem_alloc : memref<!tpu.dma_semaphore, #tpu.memory_space<semaphore_mem>>
      %dma_start3A_29 = arith.constant 0 : i32
      %dma_start3A_30 = tpu.memref_slice %arg6[%add3A_28, %dma_start3A_29] : memref<20480x64xf32, #tpu.memory_space<hbm>> -> memref<640x64xf32, #tpu.memory_space<hbm>>
      %dma_start3A_31 = arith.constant 0 : i32
      %dma_start3A_32 = tpu.memref_slice %arg16[%mul3A_23, %dma_start3A_31] : memref<10240x64xf32, #tpu.memory_space<vmem_shared>> -> memref<640x64xf32, #tpu.memory_space<vmem_shared>>
      tpu.enqueue_dma source(%dma_start3A_32 : memref<640x64xf32, #tpu.memory_space<vmem_shared>>) target(%dma_start3A_30 : memref<640x64xf32, #tpu.memory_space<hbm>>) target_semaphore(%run_scoped3A : memref<!tpu.dma_semaphore, #tpu.memory_space<semaphore_mem>>)
      %dma_wait3A = arith.constant 0 : i32
      %dma_wait3A_33 = tpu.memref_slice %arg6[%add3A_28, %dma_wait3A] : memref<20480x64xf32, #tpu.memory_space<hbm>> -> memref<640x64xf32, #tpu.memory_space<hbm>>
      %dma_wait3A_34 = arith.constant 0 : i32
      %dma_wait3A_35 = tpu.memref_slice %arg16[%mul3A_23, %dma_wait3A_34] : memref<10240x64xf32, #tpu.memory_space<vmem_shared>> -> memref<640x64xf32, #tpu.memory_space<vmem_shared>>
      tpu.wait_dma2 semaphore(%run_scoped3A : memref<!tpu.dma_semaphore, #tpu.memory_space<semaphore_mem>>) src(%dma_wait3A_35 : memref<640x64xf32, #tpu.memory_space<vmem_shared>>) dst(%dma_wait3A_33 : memref<640x64xf32, #tpu.memory_space<hbm>>)
      tpu.yield
    }) : () -> ()
    return
  }
}

#map = affine_map<(d0, d1) -> (0, 0)>
#map1 = affine_map<(d0, d1) -> (0)>
module attributes {stable_mosaic.version = 14 : i64} {
  func.func @k(%arg0: i32, %arg1: i32, %arg2: memref<10000x128xf32, #tpu.memory_space<hbm>>, %arg3: memref<10000x128xf32, #tpu.memory_space<hbm>>, %arg4: memref<320000xi32, #tpu.memory_space<hbm>>, %arg5: memref<320000xi32, #tpu.memory_space<hbm>>, %arg6: memref<320000x128xf32, #tpu.memory_space<hbm>>, %arg7: memref<320000x128xf32, #tpu.memory_space<hbm>>, %arg8: memref<80xi32, #tpu.memory_space<vmem>>, %arg9: memref<80xi32, #tpu.memory_space<vmem>>, %arg10: memref<80x128xf32, #tpu.memory_space<vmem>>, %arg11: memref<80x128xf32, #tpu.memory_space<vmem>>, %arg12: memref<!tpu.dma_semaphore, #tpu.memory_space<semaphore_mem>>, %arg13: memref<!tpu.dma_semaphore, #tpu.memory_space<semaphore_mem>>, %arg14: memref<80xi32, #tpu.memory_space<vmem>>, %arg15: memref<80xi32, #tpu.memory_space<vmem>>, %arg16: memref<80x128xf32, #tpu.memory_space<vmem>>, %arg17: memref<80x128xf32, #tpu.memory_space<vmem>>, %arg18: memref<!tpu.dma_semaphore, #tpu.memory_space<semaphore_mem>>, %arg19: memref<!tpu.dma_semaphore, #tpu.memory_space<semaphore_mem>>) attributes {dimension_semantics = [#tpu.dimension_semantics<core_parallel>, #tpu.dimension_semantics<subcore_parallel>], iteration_bounds = array<i64: 2, 16>, scalar_prefetch = 0 : i64, scratch_operands = 12 : i64, tpu.core_type = #tpu.core_type<sc_vector_subcore>, window_params = [{transform_indices = #map}, {transform_indices = #map}, {transform_indices = #map1}, {transform_indices = #map1}, {transform_indices = #map}, {transform_indices = #map}]} {
    %mul3A = arith.constant 16 : i32
    %mul3A_0 = arith.muli %arg0, %mul3A : i32
    %add3A = arith.addi %mul3A_0, %arg1 : i32
    %mul3A_1 = arith.constant 10000 : i32
    %mul3A_2 = arith.muli %add3A, %mul3A_1 : i32
    %add3A_3 = arith.constant 0 : i32
    %add3A_4 = arith.addi %mul3A_2, %add3A_3 : i32
    "tpu.region"() ({
      %run_scoped3A = tpu.sem_alloc : memref<!tpu.dma_semaphore, #tpu.memory_space<semaphore_mem>>
      %dma_start3A_15 = tpu.memref_slice %arg4[%add3A_4] : memref<320000xi32, #tpu.memory_space<hbm>> -> memref<80xi32, #tpu.memory_space<hbm>>
      %dma_start3A_16 = tpu.memref_slice %arg4[%add3A_4] : memref<320000xi32, #tpu.memory_space<hbm>> -> memref<80xi32, #tpu.memory_space<hbm>>
      tpu.enqueue_dma source(%dma_start3A_16 : memref<80xi32, #tpu.memory_space<hbm>>) target(%arg8 : memref<80xi32, #tpu.memory_space<vmem>>) target_semaphore(%run_scoped3A : memref<!tpu.dma_semaphore, #tpu.memory_space<semaphore_mem>>)
      %dma_wait3A = tpu.memref_slice %arg4[%add3A_4] : memref<320000xi32, #tpu.memory_space<hbm>> -> memref<80xi32, #tpu.memory_space<hbm>>
      %dma_wait3A_17 = tpu.memref_slice %arg4[%add3A_4] : memref<320000xi32, #tpu.memory_space<hbm>> -> memref<80xi32, #tpu.memory_space<hbm>>
      tpu.wait_dma2 semaphore(%run_scoped3A : memref<!tpu.dma_semaphore, #tpu.memory_space<semaphore_mem>>) src(%dma_wait3A_17 : memref<80xi32, #tpu.memory_space<hbm>>) dst(%arg8 : memref<80xi32, #tpu.memory_space<vmem>>)
      tpu.yield
    }) : () -> ()
    "tpu.region"() ({
      %run_scoped3A = tpu.sem_alloc : memref<!tpu.dma_semaphore, #tpu.memory_space<semaphore_mem>>
      %dma_start3A_15 = tpu.memref_slice %arg5[%add3A_4] : memref<320000xi32, #tpu.memory_space<hbm>> -> memref<80xi32, #tpu.memory_space<hbm>>
      %dma_start3A_16 = tpu.memref_slice %arg5[%add3A_4] : memref<320000xi32, #tpu.memory_space<hbm>> -> memref<80xi32, #tpu.memory_space<hbm>>
      tpu.enqueue_dma source(%dma_start3A_16 : memref<80xi32, #tpu.memory_space<hbm>>) target(%arg9 : memref<80xi32, #tpu.memory_space<vmem>>) target_semaphore(%run_scoped3A : memref<!tpu.dma_semaphore, #tpu.memory_space<semaphore_mem>>)
      %dma_wait3A = tpu.memref_slice %arg5[%add3A_4] : memref<320000xi32, #tpu.memory_space<hbm>> -> memref<80xi32, #tpu.memory_space<hbm>>
      %dma_wait3A_17 = tpu.memref_slice %arg5[%add3A_4] : memref<320000xi32, #tpu.memory_space<hbm>> -> memref<80xi32, #tpu.memory_space<hbm>>
      tpu.wait_dma2 semaphore(%run_scoped3A : memref<!tpu.dma_semaphore, #tpu.memory_space<semaphore_mem>>) src(%dma_wait3A_17 : memref<80xi32, #tpu.memory_space<hbm>>) dst(%arg9 : memref<80xi32, #tpu.memory_space<vmem>>)
      tpu.yield
    }) : () -> ()
    %dma_start3A = arith.constant 0 : i32
    %dma_start3A_5 = arith.constant 0 : i32
    %dma_start3A_6 = tpu.memref_slice %arg2[%dma_start3A, %dma_start3A_5] : memref<10000x128xf32, #tpu.memory_space<hbm>> -> memref<10000x128xf32, #tpu.memory_space<hbm>>
    tpu.enqueue_indirect_dma source(%dma_start3A_6 : memref<10000x128xf32, #tpu.memory_space<hbm>>) target(%arg10 : memref<80x128xf32, #tpu.memory_space<vmem>>) offsets(%arg8 : memref<80xi32, #tpu.memory_space<vmem>>) semaphore(%arg12 : memref<!tpu.dma_semaphore, #tpu.memory_space<semaphore_mem>>)
    %dma_start3A_7 = arith.constant 0 : i32
    %dma_start3A_8 = arith.constant 0 : i32
    %dma_start3A_9 = tpu.memref_slice %arg3[%dma_start3A_7, %dma_start3A_8] : memref<10000x128xf32, #tpu.memory_space<hbm>> -> memref<10000x128xf32, #tpu.memory_space<hbm>>
    tpu.enqueue_indirect_dma source(%dma_start3A_9 : memref<10000x128xf32, #tpu.memory_space<hbm>>) target(%arg11 : memref<80x128xf32, #tpu.memory_space<vmem>>) offsets(%arg9 : memref<80xi32, #tpu.memory_space<vmem>>) semaphore(%arg13 : memref<!tpu.dma_semaphore, #tpu.memory_space<semaphore_mem>>)
    %scan3A = arith.constant 0 : i32
    %scan3A_10 = arith.constant 0 : i32
    %scan3A_11 = arith.constant 63 : i32
    %scan3A_12 = arith.addi %scan3A_10, %scan3A_11 : i32
    %scan3A_13 = arith.constant 1 : i32
    scf.for %scan3A_15 = %scan3A_10 to %scan3A_12 step %scan3A_13  : i32 {
      %mul3A_16 = arith.constant 2 : i32
      %mul3A_17 = arith.muli %mul3A_16, %scan3A_15 : i32
      %add3A_18 = arith.constant 1 : i32
      %add3A_19 = arith.addi %mul3A_17, %add3A_18 : i32
      %lt3A = arith.constant 125 : i32
      %lt3A_20 = arith.cmpi slt, %add3A_19, %lt3A : i32
      %convert_element_type3A = arith.extui %lt3A_20 : i1 to i32
      %cond3A = arith.constant 0 : i32
      %cond3A_21 = arith.cmpi ne, %convert_element_type3A, %cond3A : i32
      scf.if %cond3A_21 {
        %mul3A_42 = arith.constant 80 : i32
        %mul3A_43 = arith.muli %add3A_19, %mul3A_42 : i32
        %add3A_44 = arith.addi %mul3A_2, %mul3A_43 : i32
        "tpu.region"() ({
          %run_scoped3A = tpu.sem_alloc : memref<!tpu.dma_semaphore, #tpu.memory_space<semaphore_mem>>
          %dma_start3A_51 = tpu.memref_slice %arg4[%add3A_44] : memref<320000xi32, #tpu.memory_space<hbm>> -> memref<80xi32, #tpu.memory_space<hbm>>
          %dma_start3A_52 = tpu.memref_slice %arg4[%add3A_44] : memref<320000xi32, #tpu.memory_space<hbm>> -> memref<80xi32, #tpu.memory_space<hbm>>
          tpu.enqueue_dma source(%dma_start3A_52 : memref<80xi32, #tpu.memory_space<hbm>>) target(%arg14 : memref<80xi32, #tpu.memory_space<vmem>>) target_semaphore(%run_scoped3A : memref<!tpu.dma_semaphore, #tpu.memory_space<semaphore_mem>>)
          %dma_wait3A_53 = tpu.memref_slice %arg4[%add3A_44] : memref<320000xi32, #tpu.memory_space<hbm>> -> memref<80xi32, #tpu.memory_space<hbm>>
          %dma_wait3A_54 = tpu.memref_slice %arg4[%add3A_44] : memref<320000xi32, #tpu.memory_space<hbm>> -> memref<80xi32, #tpu.memory_space<hbm>>
          tpu.wait_dma2 semaphore(%run_scoped3A : memref<!tpu.dma_semaphore, #tpu.memory_space<semaphore_mem>>) src(%dma_wait3A_54 : memref<80xi32, #tpu.memory_space<hbm>>) dst(%arg14 : memref<80xi32, #tpu.memory_space<vmem>>)
          tpu.yield
        }) : () -> ()
        "tpu.region"() ({
          %run_scoped3A = tpu.sem_alloc : memref<!tpu.dma_semaphore, #tpu.memory_space<semaphore_mem>>
          %dma_start3A_51 = tpu.memref_slice %arg5[%add3A_44] : memref<320000xi32, #tpu.memory_space<hbm>> -> memref<80xi32, #tpu.memory_space<hbm>>
          %dma_start3A_52 = tpu.memref_slice %arg5[%add3A_44] : memref<320000xi32, #tpu.memory_space<hbm>> -> memref<80xi32, #tpu.memory_space<hbm>>
          tpu.enqueue_dma source(%dma_start3A_52 : memref<80xi32, #tpu.memory_space<hbm>>) target(%arg15 : memref<80xi32, #tpu.memory_space<vmem>>) target_semaphore(%run_scoped3A : memref<!tpu.dma_semaphore, #tpu.memory_space<semaphore_mem>>)
          %dma_wait3A_53 = tpu.memref_slice %arg5[%add3A_44] : memref<320000xi32, #tpu.memory_space<hbm>> -> memref<80xi32, #tpu.memory_space<hbm>>
          %dma_wait3A_54 = tpu.memref_slice %arg5[%add3A_44] : memref<320000xi32, #tpu.memory_space<hbm>> -> memref<80xi32, #tpu.memory_space<hbm>>
          tpu.wait_dma2 semaphore(%run_scoped3A : memref<!tpu.dma_semaphore, #tpu.memory_space<semaphore_mem>>) src(%dma_wait3A_54 : memref<80xi32, #tpu.memory_space<hbm>>) dst(%arg15 : memref<80xi32, #tpu.memory_space<vmem>>)
          tpu.yield
        }) : () -> ()
        %dma_start3A_45 = arith.constant 0 : i32
        %dma_start3A_46 = arith.constant 0 : i32
        %dma_start3A_47 = tpu.memref_slice %arg2[%dma_start3A_45, %dma_start3A_46] : memref<10000x128xf32, #tpu.memory_space<hbm>> -> memref<10000x128xf32, #tpu.memory_space<hbm>>
        tpu.enqueue_indirect_dma source(%dma_start3A_47 : memref<10000x128xf32, #tpu.memory_space<hbm>>) target(%arg16 : memref<80x128xf32, #tpu.memory_space<vmem>>) offsets(%arg14 : memref<80xi32, #tpu.memory_space<vmem>>) semaphore(%arg18 : memref<!tpu.dma_semaphore, #tpu.memory_space<semaphore_mem>>)
        %dma_start3A_48 = arith.constant 0 : i32
        %dma_start3A_49 = arith.constant 0 : i32
        %dma_start3A_50 = tpu.memref_slice %arg3[%dma_start3A_48, %dma_start3A_49] : memref<10000x128xf32, #tpu.memory_space<hbm>> -> memref<10000x128xf32, #tpu.memory_space<hbm>>
        tpu.enqueue_indirect_dma source(%dma_start3A_50 : memref<10000x128xf32, #tpu.memory_space<hbm>>) target(%arg17 : memref<80x128xf32, #tpu.memory_space<vmem>>) offsets(%arg15 : memref<80xi32, #tpu.memory_space<vmem>>) semaphore(%arg19 : memref<!tpu.dma_semaphore, #tpu.memory_space<semaphore_mem>>)
      } else {
      }
      %mul3A_22 = arith.constant 80 : i32
      %mul3A_23 = arith.muli %mul3A_17, %mul3A_22 : i32
      %add3A_24 = arith.addi %mul3A_2, %mul3A_23 : i32
      %dma_wait3A = arith.constant 0 : i32
      %dma_wait3A_25 = arith.constant 0 : i32
      %dma_wait3A_26 = tpu.memref_slice %arg2[%dma_wait3A, %dma_wait3A_25] : memref<10000x128xf32, #tpu.memory_space<hbm>> -> memref<10000x128xf32, #tpu.memory_space<hbm>>
      tpu.wait_indirect_dma semaphore(%arg12 : memref<!tpu.dma_semaphore, #tpu.memory_space<semaphore_mem>>) src(%dma_wait3A_26 : memref<10000x128xf32, #tpu.memory_space<hbm>>) dst(%arg10 : memref<80x128xf32, #tpu.memory_space<vmem>>)
      %dma_wait3A_27 = arith.constant 0 : i32
      %dma_wait3A_28 = arith.constant 0 : i32
      %dma_wait3A_29 = tpu.memref_slice %arg3[%dma_wait3A_27, %dma_wait3A_28] : memref<10000x128xf32, #tpu.memory_space<hbm>> -> memref<10000x128xf32, #tpu.memory_space<hbm>>
      tpu.wait_indirect_dma semaphore(%arg13 : memref<!tpu.dma_semaphore, #tpu.memory_space<semaphore_mem>>) src(%dma_wait3A_29 : memref<10000x128xf32, #tpu.memory_space<hbm>>) dst(%arg11 : memref<80x128xf32, #tpu.memory_space<vmem>>)
      "tpu.region"() ({
        %run_scoped3A = tpu.sem_alloc : memref<!tpu.dma_semaphore, #tpu.memory_space<semaphore_mem>>
        %dma_start3A_42 = arith.constant 0 : i32
        %dma_start3A_43 = tpu.memref_slice %arg6[%add3A_24, %dma_start3A_42] : memref<320000x128xf32, #tpu.memory_space<hbm>> -> memref<80x128xf32, #tpu.memory_space<hbm>>
        %dma_start3A_44 = arith.constant 0 : i32
        %dma_start3A_45 = tpu.memref_slice %arg6[%add3A_24, %dma_start3A_44] : memref<320000x128xf32, #tpu.memory_space<hbm>> -> memref<80x128xf32, #tpu.memory_space<hbm>>
        tpu.enqueue_dma source(%arg10 : memref<80x128xf32, #tpu.memory_space<vmem>>) target(%dma_start3A_45 : memref<80x128xf32, #tpu.memory_space<hbm>>) target_semaphore(%run_scoped3A : memref<!tpu.dma_semaphore, #tpu.memory_space<semaphore_mem>>)
        %dma_wait3A_46 = arith.constant 0 : i32
        %dma_wait3A_47 = tpu.memref_slice %arg6[%add3A_24, %dma_wait3A_46] : memref<320000x128xf32, #tpu.memory_space<hbm>> -> memref<80x128xf32, #tpu.memory_space<hbm>>
        %dma_wait3A_48 = arith.constant 0 : i32
        %dma_wait3A_49 = tpu.memref_slice %arg6[%add3A_24, %dma_wait3A_48] : memref<320000x128xf32, #tpu.memory_space<hbm>> -> memref<80x128xf32, #tpu.memory_space<hbm>>
        tpu.wait_dma2 semaphore(%run_scoped3A : memref<!tpu.dma_semaphore, #tpu.memory_space<semaphore_mem>>) src(%arg10 : memref<80x128xf32, #tpu.memory_space<vmem>>) dst(%dma_wait3A_49 : memref<80x128xf32, #tpu.memory_space<hbm>>)
        tpu.yield
      }) : () -> ()
      "tpu.region"() ({
        %run_scoped3A = tpu.sem_alloc : memref<!tpu.dma_semaphore, #tpu.memory_space<semaphore_mem>>
        %dma_start3A_42 = arith.constant 0 : i32
        %dma_start3A_43 = tpu.memref_slice %arg7[%add3A_24, %dma_start3A_42] : memref<320000x128xf32, #tpu.memory_space<hbm>> -> memref<80x128xf32, #tpu.memory_space<hbm>>
        %dma_start3A_44 = arith.constant 0 : i32
        %dma_start3A_45 = tpu.memref_slice %arg7[%add3A_24, %dma_start3A_44] : memref<320000x128xf32, #tpu.memory_space<hbm>> -> memref<80x128xf32, #tpu.memory_space<hbm>>
        tpu.enqueue_dma source(%arg11 : memref<80x128xf32, #tpu.memory_space<vmem>>) target(%dma_start3A_45 : memref<80x128xf32, #tpu.memory_space<hbm>>) target_semaphore(%run_scoped3A : memref<!tpu.dma_semaphore, #tpu.memory_space<semaphore_mem>>)
        %dma_wait3A_46 = arith.constant 0 : i32
        %dma_wait3A_47 = tpu.memref_slice %arg7[%add3A_24, %dma_wait3A_46] : memref<320000x128xf32, #tpu.memory_space<hbm>> -> memref<80x128xf32, #tpu.memory_space<hbm>>
        %dma_wait3A_48 = arith.constant 0 : i32
        %dma_wait3A_49 = tpu.memref_slice %arg7[%add3A_24, %dma_wait3A_48] : memref<320000x128xf32, #tpu.memory_space<hbm>> -> memref<80x128xf32, #tpu.memory_space<hbm>>
        tpu.wait_dma2 semaphore(%run_scoped3A : memref<!tpu.dma_semaphore, #tpu.memory_space<semaphore_mem>>) src(%arg11 : memref<80x128xf32, #tpu.memory_space<vmem>>) dst(%dma_wait3A_49 : memref<80x128xf32, #tpu.memory_space<hbm>>)
        tpu.yield
      }) : () -> ()
      %add3A_30 = arith.constant 1 : i32
      %add3A_31 = arith.addi %add3A_19, %add3A_30 : i32
      %lt3A_32 = arith.constant 125 : i32
      %lt3A_33 = arith.cmpi slt, %add3A_31, %lt3A_32 : i32
      %convert_element_type3A_34 = arith.extui %lt3A_33 : i1 to i32
      %cond3A_35 = arith.constant 0 : i32
      %cond3A_36 = arith.cmpi ne, %convert_element_type3A_34, %cond3A_35 : i32
      scf.if %cond3A_36 {
        %add3A_42 = arith.constant 1 : i32
        %add3A_43 = arith.addi %add3A_19, %add3A_42 : i32
        %mul3A_44 = arith.constant 80 : i32
        %mul3A_45 = arith.muli %add3A_43, %mul3A_44 : i32
        %add3A_46 = arith.addi %mul3A_2, %mul3A_45 : i32
        "tpu.region"() ({
          %run_scoped3A = tpu.sem_alloc : memref<!tpu.dma_semaphore, #tpu.memory_space<semaphore_mem>>
          %dma_start3A_53 = tpu.memref_slice %arg4[%add3A_46] : memref<320000xi32, #tpu.memory_space<hbm>> -> memref<80xi32, #tpu.memory_space<hbm>>
          %dma_start3A_54 = tpu.memref_slice %arg4[%add3A_46] : memref<320000xi32, #tpu.memory_space<hbm>> -> memref<80xi32, #tpu.memory_space<hbm>>
          tpu.enqueue_dma source(%dma_start3A_54 : memref<80xi32, #tpu.memory_space<hbm>>) target(%arg8 : memref<80xi32, #tpu.memory_space<vmem>>) target_semaphore(%run_scoped3A : memref<!tpu.dma_semaphore, #tpu.memory_space<semaphore_mem>>)
          %dma_wait3A_55 = tpu.memref_slice %arg4[%add3A_46] : memref<320000xi32, #tpu.memory_space<hbm>> -> memref<80xi32, #tpu.memory_space<hbm>>
          %dma_wait3A_56 = tpu.memref_slice %arg4[%add3A_46] : memref<320000xi32, #tpu.memory_space<hbm>> -> memref<80xi32, #tpu.memory_space<hbm>>
          tpu.wait_dma2 semaphore(%run_scoped3A : memref<!tpu.dma_semaphore, #tpu.memory_space<semaphore_mem>>) src(%dma_wait3A_56 : memref<80xi32, #tpu.memory_space<hbm>>) dst(%arg8 : memref<80xi32, #tpu.memory_space<vmem>>)
          tpu.yield
        }) : () -> ()
        "tpu.region"() ({
          %run_scoped3A = tpu.sem_alloc : memref<!tpu.dma_semaphore, #tpu.memory_space<semaphore_mem>>
          %dma_start3A_53 = tpu.memref_slice %arg5[%add3A_46] : memref<320000xi32, #tpu.memory_space<hbm>> -> memref<80xi32, #tpu.memory_space<hbm>>
          %dma_start3A_54 = tpu.memref_slice %arg5[%add3A_46] : memref<320000xi32, #tpu.memory_space<hbm>> -> memref<80xi32, #tpu.memory_space<hbm>>
          tpu.enqueue_dma source(%dma_start3A_54 : memref<80xi32, #tpu.memory_space<hbm>>) target(%arg9 : memref<80xi32, #tpu.memory_space<vmem>>) target_semaphore(%run_scoped3A : memref<!tpu.dma_semaphore, #tpu.memory_space<semaphore_mem>>)
          %dma_wait3A_55 = tpu.memref_slice %arg5[%add3A_46] : memref<320000xi32, #tpu.memory_space<hbm>> -> memref<80xi32, #tpu.memory_space<hbm>>
          %dma_wait3A_56 = tpu.memref_slice %arg5[%add3A_46] : memref<320000xi32, #tpu.memory_space<hbm>> -> memref<80xi32, #tpu.memory_space<hbm>>
          tpu.wait_dma2 semaphore(%run_scoped3A : memref<!tpu.dma_semaphore, #tpu.memory_space<semaphore_mem>>) src(%dma_wait3A_56 : memref<80xi32, #tpu.memory_space<hbm>>) dst(%arg9 : memref<80xi32, #tpu.memory_space<vmem>>)
          tpu.yield
        }) : () -> ()
        %dma_start3A_47 = arith.constant 0 : i32
        %dma_start3A_48 = arith.constant 0 : i32
        %dma_start3A_49 = tpu.memref_slice %arg2[%dma_start3A_47, %dma_start3A_48] : memref<10000x128xf32, #tpu.memory_space<hbm>> -> memref<10000x128xf32, #tpu.memory_space<hbm>>
        tpu.enqueue_indirect_dma source(%dma_start3A_49 : memref<10000x128xf32, #tpu.memory_space<hbm>>) target(%arg10 : memref<80x128xf32, #tpu.memory_space<vmem>>) offsets(%arg8 : memref<80xi32, #tpu.memory_space<vmem>>) semaphore(%arg12 : memref<!tpu.dma_semaphore, #tpu.memory_space<semaphore_mem>>)
        %dma_start3A_50 = arith.constant 0 : i32
        %dma_start3A_51 = arith.constant 0 : i32
        %dma_start3A_52 = tpu.memref_slice %arg3[%dma_start3A_50, %dma_start3A_51] : memref<10000x128xf32, #tpu.memory_space<hbm>> -> memref<10000x128xf32, #tpu.memory_space<hbm>>
        tpu.enqueue_indirect_dma source(%dma_start3A_52 : memref<10000x128xf32, #tpu.memory_space<hbm>>) target(%arg11 : memref<80x128xf32, #tpu.memory_space<vmem>>) offsets(%arg9 : memref<80xi32, #tpu.memory_space<vmem>>) semaphore(%arg13 : memref<!tpu.dma_semaphore, #tpu.memory_space<semaphore_mem>>)
      } else {
      }
      %lt3A_37 = arith.constant 125 : i32
      %lt3A_38 = arith.cmpi slt, %add3A_19, %lt3A_37 : i32
      %convert_element_type3A_39 = arith.extui %lt3A_38 : i1 to i32
      %cond3A_40 = arith.constant 0 : i32
      %cond3A_41 = arith.cmpi ne, %convert_element_type3A_39, %cond3A_40 : i32
      scf.if %cond3A_41 {
        %mul3A_42 = arith.constant 80 : i32
        %mul3A_43 = arith.muli %add3A_19, %mul3A_42 : i32
        %add3A_44 = arith.addi %mul3A_2, %mul3A_43 : i32
        %dma_wait3A_45 = arith.constant 0 : i32
        %dma_wait3A_46 = arith.constant 0 : i32
        %dma_wait3A_47 = tpu.memref_slice %arg2[%dma_wait3A_45, %dma_wait3A_46] : memref<10000x128xf32, #tpu.memory_space<hbm>> -> memref<10000x128xf32, #tpu.memory_space<hbm>>
        tpu.wait_indirect_dma semaphore(%arg18 : memref<!tpu.dma_semaphore, #tpu.memory_space<semaphore_mem>>) src(%dma_wait3A_47 : memref<10000x128xf32, #tpu.memory_space<hbm>>) dst(%arg16 : memref<80x128xf32, #tpu.memory_space<vmem>>)
        %dma_wait3A_48 = arith.constant 0 : i32
        %dma_wait3A_49 = arith.constant 0 : i32
        %dma_wait3A_50 = tpu.memref_slice %arg3[%dma_wait3A_48, %dma_wait3A_49] : memref<10000x128xf32, #tpu.memory_space<hbm>> -> memref<10000x128xf32, #tpu.memory_space<hbm>>
        tpu.wait_indirect_dma semaphore(%arg19 : memref<!tpu.dma_semaphore, #tpu.memory_space<semaphore_mem>>) src(%dma_wait3A_50 : memref<10000x128xf32, #tpu.memory_space<hbm>>) dst(%arg17 : memref<80x128xf32, #tpu.memory_space<vmem>>)
        "tpu.region"() ({
          %run_scoped3A = tpu.sem_alloc : memref<!tpu.dma_semaphore, #tpu.memory_space<semaphore_mem>>
          %dma_start3A_51 = arith.constant 0 : i32
          %dma_start3A_52 = tpu.memref_slice %arg6[%add3A_44, %dma_start3A_51] : memref<320000x128xf32, #tpu.memory_space<hbm>> -> memref<80x128xf32, #tpu.memory_space<hbm>>
          %dma_start3A_53 = arith.constant 0 : i32
          %dma_start3A_54 = tpu.memref_slice %arg6[%add3A_44, %dma_start3A_53] : memref<320000x128xf32, #tpu.memory_space<hbm>> -> memref<80x128xf32, #tpu.memory_space<hbm>>
          tpu.enqueue_dma source(%arg16 : memref<80x128xf32, #tpu.memory_space<vmem>>) target(%dma_start3A_54 : memref<80x128xf32, #tpu.memory_space<hbm>>) target_semaphore(%run_scoped3A : memref<!tpu.dma_semaphore, #tpu.memory_space<semaphore_mem>>)
          %dma_wait3A_55 = arith.constant 0 : i32
          %dma_wait3A_56 = tpu.memref_slice %arg6[%add3A_44, %dma_wait3A_55] : memref<320000x128xf32, #tpu.memory_space<hbm>> -> memref<80x128xf32, #tpu.memory_space<hbm>>
          %dma_wait3A_57 = arith.constant 0 : i32
          %dma_wait3A_58 = tpu.memref_slice %arg6[%add3A_44, %dma_wait3A_57] : memref<320000x128xf32, #tpu.memory_space<hbm>> -> memref<80x128xf32, #tpu.memory_space<hbm>>
          tpu.wait_dma2 semaphore(%run_scoped3A : memref<!tpu.dma_semaphore, #tpu.memory_space<semaphore_mem>>) src(%arg16 : memref<80x128xf32, #tpu.memory_space<vmem>>) dst(%dma_wait3A_58 : memref<80x128xf32, #tpu.memory_space<hbm>>)
          tpu.yield
        }) : () -> ()
        "tpu.region"() ({
          %run_scoped3A = tpu.sem_alloc : memref<!tpu.dma_semaphore, #tpu.memory_space<semaphore_mem>>
          %dma_start3A_51 = arith.constant 0 : i32
          %dma_start3A_52 = tpu.memref_slice %arg7[%add3A_44, %dma_start3A_51] : memref<320000x128xf32, #tpu.memory_space<hbm>> -> memref<80x128xf32, #tpu.memory_space<hbm>>
          %dma_start3A_53 = arith.constant 0 : i32
          %dma_start3A_54 = tpu.memref_slice %arg7[%add3A_44, %dma_start3A_53] : memref<320000x128xf32, #tpu.memory_space<hbm>> -> memref<80x128xf32, #tpu.memory_space<hbm>>
          tpu.enqueue_dma source(%arg17 : memref<80x128xf32, #tpu.memory_space<vmem>>) target(%dma_start3A_54 : memref<80x128xf32, #tpu.memory_space<hbm>>) target_semaphore(%run_scoped3A : memref<!tpu.dma_semaphore, #tpu.memory_space<semaphore_mem>>)
          %dma_wait3A_55 = arith.constant 0 : i32
          %dma_wait3A_56 = tpu.memref_slice %arg7[%add3A_44, %dma_wait3A_55] : memref<320000x128xf32, #tpu.memory_space<hbm>> -> memref<80x128xf32, #tpu.memory_space<hbm>>
          %dma_wait3A_57 = arith.constant 0 : i32
          %dma_wait3A_58 = tpu.memref_slice %arg7[%add3A_44, %dma_wait3A_57] : memref<320000x128xf32, #tpu.memory_space<hbm>> -> memref<80x128xf32, #tpu.memory_space<hbm>>
          tpu.wait_dma2 semaphore(%run_scoped3A : memref<!tpu.dma_semaphore, #tpu.memory_space<semaphore_mem>>) src(%arg17 : memref<80x128xf32, #tpu.memory_space<vmem>>) dst(%dma_wait3A_58 : memref<80x128xf32, #tpu.memory_space<hbm>>)
          tpu.yield
        }) : () -> ()
      } else {
      }
    }
    %scan3A_14 = arith.constant 63 : i32
    return
  }
}

module attributes {stable_mosaic.version = 14 : i64} {
  func.func @body(%arg0: i32, %arg1: memref<4000x128xf32, #tpu.memory_space<vmem>>, %arg2: memref<4000x128xf32, #tpu.memory_space<vmem>>, %arg3: memref<4000x64xf32, #tpu.memory_space<vmem>>, %arg4: memref<128x64xbf16, #tpu.memory_space<vmem>>, %arg5: memref<128x64xbf16, #tpu.memory_space<vmem>>, %arg6: memref<64x64xbf16, #tpu.memory_space<vmem>>, %arg7: memref<1x64xf32, #tpu.memory_space<vmem>>, %arg8: memref<64x64xbf16, #tpu.memory_space<vmem>>, %arg9: memref<1x64xf32, #tpu.memory_space<vmem>>, %arg10: memref<64x64xbf16, #tpu.memory_space<vmem>>, %arg11: memref<1x64xf32, #tpu.memory_space<vmem>>, %arg12: memref<64x64xbf16, #tpu.memory_space<vmem>>, %arg13: memref<1x64xf32, #tpu.memory_space<vmem>>, %arg14: memref<4000x64xf32, #tpu.memory_space<vmem>>) attributes {dimension_semantics = [#tpu.dimension_semantics<arbitrary>], iteration_bounds = array<i64: 80>, scalar_prefetch = 0 : i64, scratch_operands = 0 : i64, tpu.core_type = #tpu.core_type<tc>, window_params = [{transform_indices = @transform_0, window_bounds = array<i64: 4000, 128>}, {transform_indices = @transform_1, window_bounds = array<i64: 4000, 128>}, {transform_indices = @transform_2, window_bounds = array<i64: 4000, 64>}, {pipeline_mode = #tpu.pipeline_mode<synchronous>, transform_indices = @transform_3, window_bounds = array<i64: 128, 64>}, {pipeline_mode = #tpu.pipeline_mode<synchronous>, transform_indices = @transform_4, window_bounds = array<i64: 128, 64>}, {pipeline_mode = #tpu.pipeline_mode<synchronous>, transform_indices = @transform_5, window_bounds = array<i64: 64, 64>}, {pipeline_mode = #tpu.pipeline_mode<synchronous>, transform_indices = @transform_6, window_bounds = array<i64: 1, 64>}, {pipeline_mode = #tpu.pipeline_mode<synchronous>, transform_indices = @transform_7, window_bounds = array<i64: 64, 64>}, {pipeline_mode = #tpu.pipeline_mode<synchronous>, transform_indices = @transform_8, window_bounds = array<i64: 1, 64>}, {pipeline_mode = #tpu.pipeline_mode<synchronous>, transform_indices = @transform_9, window_bounds = array<i64: 64, 64>}, {pipeline_mode = #tpu.pipeline_mode<synchronous>, transform_indices = @transform_10, window_bounds = array<i64: 1, 64>}, {pipeline_mode = #tpu.pipeline_mode<synchronous>, transform_indices = @transform_11, window_bounds = array<i64: 64, 64>}, {pipeline_mode = #tpu.pipeline_mode<synchronous>, transform_indices = @transform_12, window_bounds = array<i64: 1, 64>}, {transform_indices = @transform_13, window_bounds = array<i64: 4000, 64>}]} {
    %get3A = arith.constant 0 : index
    %get3A_0 = arith.constant 0 : index
    %get3A_1 = vector.load %arg1[%get3A, %get3A_0] : memref<4000x128xf32, #tpu.memory_space<vmem>>, vector<4000x128xf32>
    %convert_element_type3A = arith.truncf %get3A_1 : vector<4000x128xf32> to vector<4000x128xbf16>
    %get3A_2 = arith.constant 0 : index
    %get3A_3 = arith.constant 0 : index
    %get3A_4 = vector.load %arg4[%get3A_2, %get3A_3] : memref<128x64xbf16, #tpu.memory_space<vmem>>, vector<128x64xbf16>
    %dot_general3A = arith.constant dense<0.000000e+00> : vector<4000x64xf32>
    %dot_general3A_5 = tpu.matmul %convert_element_type3A, %get3A_4, %dot_general3A {dimension_numbers = #tpu.dot_dimension_numbers<[1], [0], [0], [1], [0, 0, 1, 1], [], []>, transpose_lhs_hint = false} : vector<4000x128xbf16>, vector<128x64xbf16>, vector<4000x64xf32> -> vector<4000x64xf32>
    %get3A_6 = arith.constant 0 : index
    %get3A_7 = arith.constant 0 : index
    %get3A_8 = vector.load %arg2[%get3A_6, %get3A_7] : memref<4000x128xf32, #tpu.memory_space<vmem>>, vector<4000x128xf32>
    %convert_element_type3A_9 = arith.truncf %get3A_8 : vector<4000x128xf32> to vector<4000x128xbf16>
    %get3A_10 = arith.constant 0 : index
    %get3A_11 = arith.constant 0 : index
    %get3A_12 = vector.load %arg5[%get3A_10, %get3A_11] : memref<128x64xbf16, #tpu.memory_space<vmem>>, vector<128x64xbf16>
    %dot_general3A_13 = arith.constant dense<0.000000e+00> : vector<4000x64xf32>
    %dot_general3A_14 = tpu.matmul %convert_element_type3A_9, %get3A_12, %dot_general3A_13 {dimension_numbers = #tpu.dot_dimension_numbers<[1], [0], [0], [1], [0, 0, 1, 1], [], []>, transpose_lhs_hint = false} : vector<4000x128xbf16>, vector<128x64xbf16>, vector<4000x64xf32> -> vector<4000x64xf32>
    %add3A = arith.addf %dot_general3A_5, %dot_general3A_14 : vector<4000x64xf32>
    %get3A_15 = arith.constant 0 : index
    %get3A_16 = arith.constant 0 : index
    %get3A_17 = vector.load %arg3[%get3A_15, %get3A_16] : memref<4000x64xf32, #tpu.memory_space<vmem>>, vector<4000x64xf32>
    %convert_element_type3A_18 = arith.truncf %get3A_17 : vector<4000x64xf32> to vector<4000x64xbf16>
    %get3A_19 = arith.constant 0 : index
    %get3A_20 = arith.constant 0 : index
    %get3A_21 = vector.load %arg6[%get3A_19, %get3A_20] : memref<64x64xbf16, #tpu.memory_space<vmem>>, vector<64x64xbf16>
    %dot_general3A_22 = arith.constant dense<0.000000e+00> : vector<4000x64xf32>
    %dot_general3A_23 = tpu.matmul %convert_element_type3A_18, %get3A_21, %dot_general3A_22 {dimension_numbers = #tpu.dot_dimension_numbers<[1], [0], [0], [1], [0, 0, 1, 1], [], []>, transpose_lhs_hint = false} : vector<4000x64xbf16>, vector<64x64xbf16>, vector<4000x64xf32> -> vector<4000x64xf32>
    %add3A_24 = arith.addf %add3A, %dot_general3A_23 : vector<4000x64xf32>
    %get3A_25 = arith.constant 0 : index
    %get3A_26 = arith.constant 0 : index
    %get3A_27 = vector.load %arg7[%get3A_25, %get3A_26] : memref<1x64xf32, #tpu.memory_space<vmem>>, vector<1x64xf32>
    %add3A_28 = vector.broadcast %get3A_27 : vector<1x64xf32> to vector<4000x64xf32>
    %add3A_29 = arith.addf %add3A_24, %add3A_28 : vector<4000x64xf32>
    %max3A = arith.constant 0.000000e+00 : f32
    %max3A_30 = vector.broadcast %max3A : f32 to vector<4000x64xf32>
    %max3A_31 = arith.maximumf %add3A_29, %max3A_30 : vector<4000x64xf32>
    %convert_element_type3A_32 = arith.truncf %max3A_31 : vector<4000x64xf32> to vector<4000x64xbf16>
    %get3A_33 = arith.constant 0 : index
    %get3A_34 = arith.constant 0 : index
    %get3A_35 = vector.load %arg8[%get3A_33, %get3A_34] : memref<64x64xbf16, #tpu.memory_space<vmem>>, vector<64x64xbf16>
    %dot_general3A_36 = arith.constant dense<0.000000e+00> : vector<4000x64xf32>
    %dot_general3A_37 = tpu.matmul %convert_element_type3A_32, %get3A_35, %dot_general3A_36 {dimension_numbers = #tpu.dot_dimension_numbers<[1], [0], [0], [1], [0, 0, 1, 1], [], []>, transpose_lhs_hint = false} : vector<4000x64xbf16>, vector<64x64xbf16>, vector<4000x64xf32> -> vector<4000x64xf32>
    %get3A_38 = arith.constant 0 : index
    %get3A_39 = arith.constant 0 : index
    %get3A_40 = vector.load %arg9[%get3A_38, %get3A_39] : memref<1x64xf32, #tpu.memory_space<vmem>>, vector<1x64xf32>
    %add3A_41 = vector.broadcast %get3A_40 : vector<1x64xf32> to vector<4000x64xf32>
    %add3A_42 = arith.addf %dot_general3A_37, %add3A_41 : vector<4000x64xf32>
    %max3A_43 = arith.constant 0.000000e+00 : f32
    %max3A_44 = vector.broadcast %max3A_43 : f32 to vector<4000x64xf32>
    %max3A_45 = arith.maximumf %add3A_42, %max3A_44 : vector<4000x64xf32>
    %convert_element_type3A_46 = arith.truncf %max3A_45 : vector<4000x64xf32> to vector<4000x64xbf16>
    %get3A_47 = arith.constant 0 : index
    %get3A_48 = arith.constant 0 : index
    %get3A_49 = vector.load %arg10[%get3A_47, %get3A_48] : memref<64x64xbf16, #tpu.memory_space<vmem>>, vector<64x64xbf16>
    %dot_general3A_50 = arith.constant dense<0.000000e+00> : vector<4000x64xf32>
    %dot_general3A_51 = tpu.matmul %convert_element_type3A_46, %get3A_49, %dot_general3A_50 {dimension_numbers = #tpu.dot_dimension_numbers<[1], [0], [0], [1], [0, 0, 1, 1], [], []>, transpose_lhs_hint = false} : vector<4000x64xbf16>, vector<64x64xbf16>, vector<4000x64xf32> -> vector<4000x64xf32>
    %get3A_52 = arith.constant 0 : index
    %get3A_53 = arith.constant 0 : index
    %get3A_54 = vector.load %arg11[%get3A_52, %get3A_53] : memref<1x64xf32, #tpu.memory_space<vmem>>, vector<1x64xf32>
    %add3A_55 = vector.broadcast %get3A_54 : vector<1x64xf32> to vector<4000x64xf32>
    %add3A_56 = arith.addf %dot_general3A_51, %add3A_55 : vector<4000x64xf32>
    %max3A_57 = arith.constant 0.000000e+00 : f32
    %max3A_58 = vector.broadcast %max3A_57 : f32 to vector<4000x64xf32>
    %max3A_59 = arith.maximumf %add3A_56, %max3A_58 : vector<4000x64xf32>
    %convert_element_type3A_60 = arith.truncf %max3A_59 : vector<4000x64xf32> to vector<4000x64xbf16>
    %get3A_61 = arith.constant 0 : index
    %get3A_62 = arith.constant 0 : index
    %get3A_63 = vector.load %arg12[%get3A_61, %get3A_62] : memref<64x64xbf16, #tpu.memory_space<vmem>>, vector<64x64xbf16>
    %dot_general3A_64 = arith.constant dense<0.000000e+00> : vector<4000x64xf32>
    %dot_general3A_65 = tpu.matmul %convert_element_type3A_60, %get3A_63, %dot_general3A_64 {dimension_numbers = #tpu.dot_dimension_numbers<[1], [0], [0], [1], [0, 0, 1, 1], [], []>, transpose_lhs_hint = false} : vector<4000x64xbf16>, vector<64x64xbf16>, vector<4000x64xf32> -> vector<4000x64xf32>
    %get3A_66 = arith.constant 0 : index
    %get3A_67 = arith.constant 0 : index
    %get3A_68 = vector.load %arg13[%get3A_66, %get3A_67] : memref<1x64xf32, #tpu.memory_space<vmem>>, vector<1x64xf32>
    %add3A_69 = vector.broadcast %get3A_68 : vector<1x64xf32> to vector<4000x64xf32>
    %add3A_70 = arith.addf %dot_general3A_65, %add3A_69 : vector<4000x64xf32>
    %max3A_71 = arith.constant 0.000000e+00 : f32
    %max3A_72 = vector.broadcast %max3A_71 : f32 to vector<4000x64xf32>
    %max3A_73 = arith.maximumf %add3A_70, %max3A_72 : vector<4000x64xf32>
    %swap3A = arith.constant 0 : index
    %swap3A_74 = arith.constant 0 : index
    %swap3A_75 = vector.load %arg14[%swap3A, %swap3A_74] : memref<4000x64xf32, #tpu.memory_space<vmem>>, vector<4000x64xf32>
    tpu.vector_store %arg14[%swap3A, %swap3A_74], %max3A_73 {strides = array<i32>} : memref<4000x64xf32, #tpu.memory_space<vmem>>, vector<4000x64xf32>,
    return
  }
  func.func @transform_0(%arg0: i32) -> (i32, i32) {
    %c0_i32 = arith.constant 0 : i32
    %c0_i32_0 = arith.constant 0 : i32
    return %arg0, %c0_i32 : i32, i32
  }
  func.func @transform_1(%arg0: i32) -> (i32, i32) {
    %c0_i32 = arith.constant 0 : i32
    %c0_i32_0 = arith.constant 0 : i32
    return %arg0, %c0_i32 : i32, i32
  }
  func.func @transform_2(%arg0: i32) -> (i32, i32) {
    %c0_i32 = arith.constant 0 : i32
    %c0_i32_0 = arith.constant 0 : i32
    return %arg0, %c0_i32 : i32, i32
  }
  func.func @transform_3(%arg0: i32) -> (i32, i32) {
    %c0_i32 = arith.constant 0 : i32
    %c0_i32_0 = arith.constant 0 : i32
    %c0_i32_1 = arith.constant 0 : i32
    return %c0_i32, %c0_i32_0 : i32, i32
  }
  func.func @transform_4(%arg0: i32) -> (i32, i32) {
    %c0_i32 = arith.constant 0 : i32
    %c0_i32_0 = arith.constant 0 : i32
    %c0_i32_1 = arith.constant 0 : i32
    return %c0_i32, %c0_i32_0 : i32, i32
  }
  func.func @transform_5(%arg0: i32) -> (i32, i32) {
    %c0_i32 = arith.constant 0 : i32
    %c0_i32_0 = arith.constant 0 : i32
    %c0_i32_1 = arith.constant 0 : i32
    return %c0_i32, %c0_i32_0 : i32, i32
  }
  func.func @transform_6(%arg0: i32) -> (i32, i32) {
    %c0_i32 = arith.constant 0 : i32
    %c0_i32_0 = arith.constant 0 : i32
    %c0_i32_1 = arith.constant 0 : i32
    return %c0_i32, %c0_i32_0 : i32, i32
  }
  func.func @transform_7(%arg0: i32) -> (i32, i32) {
    %c0_i32 = arith.constant 0 : i32
    %c0_i32_0 = arith.constant 0 : i32
    %c0_i32_1 = arith.constant 0 : i32
    return %c0_i32, %c0_i32_0 : i32, i32
  }
  func.func @transform_8(%arg0: i32) -> (i32, i32) {
    %c0_i32 = arith.constant 0 : i32
    %c0_i32_0 = arith.constant 0 : i32
    %c0_i32_1 = arith.constant 0 : i32
    return %c0_i32, %c0_i32_0 : i32, i32
  }
  func.func @transform_9(%arg0: i32) -> (i32, i32) {
    %c0_i32 = arith.constant 0 : i32
    %c0_i32_0 = arith.constant 0 : i32
    %c0_i32_1 = arith.constant 0 : i32
    return %c0_i32, %c0_i32_0 : i32, i32
  }
  func.func @transform_10(%arg0: i32) -> (i32, i32) {
    %c0_i32 = arith.constant 0 : i32
    %c0_i32_0 = arith.constant 0 : i32
    %c0_i32_1 = arith.constant 0 : i32
    return %c0_i32, %c0_i32_0 : i32, i32
  }
  func.func @transform_11(%arg0: i32) -> (i32, i32) {
    %c0_i32 = arith.constant 0 : i32
    %c0_i32_0 = arith.constant 0 : i32
    %c0_i32_1 = arith.constant 0 : i32
    return %c0_i32, %c0_i32_0 : i32, i32
  }
  func.func @transform_12(%arg0: i32) -> (i32, i32) {
    %c0_i32 = arith.constant 0 : i32
    %c0_i32_0 = arith.constant 0 : i32
    %c0_i32_1 = arith.constant 0 : i32
    return %c0_i32, %c0_i32_0 : i32, i32
  }
  func.func @transform_13(%arg0: i32) -> (i32, i32) {
    %c0_i32 = arith.constant 0 : i32
    %c0_i32_0 = arith.constant 0 : i32
    return %arg0, %c0_i32 : i32, i32
  }
}

module attributes {stable_mosaic.version = 14 : i64} {
  func.func @body(%arg0: memref<20480x64xf32, #tpu.memory_space<vmem>>, %arg1: memref<10000x128xf32, #tpu.memory_space<vmem>>, %arg2: memref<64x64xf32, #tpu.memory_space<vmem>>, %arg3: memref<128x64xf32, #tpu.memory_space<vmem>>, %arg4: memref<1x64xf32, #tpu.memory_space<vmem>>, %arg5: memref<64x64xf32, #tpu.memory_space<vmem>>, %arg6: memref<1x64xf32, #tpu.memory_space<vmem>>, %arg7: memref<64x64xf32, #tpu.memory_space<vmem>>, %arg8: memref<1x64xf32, #tpu.memory_space<vmem>>, %arg9: memref<64x64xf32, #tpu.memory_space<vmem>>, %arg10: memref<1x64xf32, #tpu.memory_space<vmem>>, %arg11: memref<10000x64xf32, #tpu.memory_space<vmem>>) attributes {dimension_semantics = [], scalar_prefetch = 0 : i64, scratch_operands = 0 : i64, tpu.core_type = #tpu.core_type<tc>} {
    %get3A = arith.constant 0 : index
    %get3A_0 = arith.constant 0 : index
    %get3A_1 = vector.load %arg0[%get3A, %get3A_0] : memref<20480x64xf32, #tpu.memory_space<vmem>>, vector<10000x64xf32>
    %get3A_2 = arith.constant 10240 : index
    %get3A_3 = arith.constant 0 : index
    %get3A_4 = vector.load %arg0[%get3A_2, %get3A_3] : memref<20480x64xf32, #tpu.memory_space<vmem>>, vector<10000x64xf32>
    %add3A = arith.addf %get3A_1, %get3A_4 : vector<10000x64xf32>
    %get3A_5 = arith.constant 0 : index
    %get3A_6 = arith.constant 0 : index
    %get3A_7 = vector.load %arg2[%get3A_5, %get3A_6] : memref<64x64xf32, #tpu.memory_space<vmem>>, vector<64x64xf32>
    %dot_general3A = arith.constant dense<0.000000e+00> : vector<10000x64xf32>
    %dot_general3A_8 = tpu.matmul %add3A, %get3A_7, %dot_general3A {dimension_numbers = #tpu.dot_dimension_numbers<[1], [0], [0], [1], [0, 0, 1, 1], [], []>, transpose_lhs_hint = false} : vector<10000x64xf32>, vector<64x64xf32>, vector<10000x64xf32> -> vector<10000x64xf32>
    %get3A_9 = arith.constant 0 : index
    %get3A_10 = arith.constant 0 : index
    %get3A_11 = vector.load %arg1[%get3A_9, %get3A_10] : memref<10000x128xf32, #tpu.memory_space<vmem>>, vector<10000x128xf32>
    %get3A_12 = arith.constant 0 : index
    %get3A_13 = arith.constant 0 : index
    %get3A_14 = vector.load %arg3[%get3A_12, %get3A_13] : memref<128x64xf32, #tpu.memory_space<vmem>>, vector<128x64xf32>
    %dot_general3A_15 = arith.constant dense<0.000000e+00> : vector<10000x64xf32>
    %dot_general3A_16 = tpu.matmul %get3A_11, %get3A_14, %dot_general3A_15 {dimension_numbers = #tpu.dot_dimension_numbers<[1], [0], [0], [1], [0, 0, 1, 1], [], []>, transpose_lhs_hint = false} : vector<10000x128xf32>, vector<128x64xf32>, vector<10000x64xf32> -> vector<10000x64xf32>
    %add3A_17 = arith.addf %dot_general3A_8, %dot_general3A_16 : vector<10000x64xf32>
    %get3A_18 = arith.constant 0 : index
    %get3A_19 = arith.constant 0 : index
    %get3A_20 = vector.load %arg4[%get3A_18, %get3A_19] : memref<1x64xf32, #tpu.memory_space<vmem>>, vector<1x64xf32>
    %add3A_21 = vector.broadcast %get3A_20 : vector<1x64xf32> to vector<10000x64xf32>
    %add3A_22 = arith.addf %add3A_17, %add3A_21 : vector<10000x64xf32>
    %max3A = arith.constant 0.000000e+00 : f32
    %max3A_23 = vector.broadcast %max3A : f32 to vector<10000x64xf32>
    %max3A_24 = arith.maximumf %add3A_22, %max3A_23 : vector<10000x64xf32>
    %get3A_25 = arith.constant 0 : index
    %get3A_26 = arith.constant 0 : index
    %get3A_27 = vector.load %arg5[%get3A_25, %get3A_26] : memref<64x64xf32, #tpu.memory_space<vmem>>, vector<64x64xf32>
    %dot_general3A_28 = arith.constant dense<0.000000e+00> : vector<10000x64xf32>
    %dot_general3A_29 = tpu.matmul %max3A_24, %get3A_27, %dot_general3A_28 {dimension_numbers = #tpu.dot_dimension_numbers<[1], [0], [0], [1], [0, 0, 1, 1], [], []>, transpose_lhs_hint = false} : vector<10000x64xf32>, vector<64x64xf32>, vector<10000x64xf32> -> vector<10000x64xf32>
    %get3A_30 = arith.constant 0 : index
    %get3A_31 = arith.constant 0 : index
    %get3A_32 = vector.load %arg6[%get3A_30, %get3A_31] : memref<1x64xf32, #tpu.memory_space<vmem>>, vector<1x64xf32>
    %add3A_33 = vector.broadcast %get3A_32 : vector<1x64xf32> to vector<10000x64xf32>
    %add3A_34 = arith.addf %dot_general3A_29, %add3A_33 : vector<10000x64xf32>
    %max3A_35 = arith.constant 0.000000e+00 : f32
    %max3A_36 = vector.broadcast %max3A_35 : f32 to vector<10000x64xf32>
    %max3A_37 = arith.maximumf %add3A_34, %max3A_36 : vector<10000x64xf32>
    %get3A_38 = arith.constant 0 : index
    %get3A_39 = arith.constant 0 : index
    %get3A_40 = vector.load %arg7[%get3A_38, %get3A_39] : memref<64x64xf32, #tpu.memory_space<vmem>>, vector<64x64xf32>
    %dot_general3A_41 = arith.constant dense<0.000000e+00> : vector<10000x64xf32>
    %dot_general3A_42 = tpu.matmul %max3A_37, %get3A_40, %dot_general3A_41 {dimension_numbers = #tpu.dot_dimension_numbers<[1], [0], [0], [1], [0, 0, 1, 1], [], []>, transpose_lhs_hint = false} : vector<10000x64xf32>, vector<64x64xf32>, vector<10000x64xf32> -> vector<10000x64xf32>
    %get3A_43 = arith.constant 0 : index
    %get3A_44 = arith.constant 0 : index
    %get3A_45 = vector.load %arg8[%get3A_43, %get3A_44] : memref<1x64xf32, #tpu.memory_space<vmem>>, vector<1x64xf32>
    %add3A_46 = vector.broadcast %get3A_45 : vector<1x64xf32> to vector<10000x64xf32>
    %add3A_47 = arith.addf %dot_general3A_42, %add3A_46 : vector<10000x64xf32>
    %max3A_48 = arith.constant 0.000000e+00 : f32
    %max3A_49 = vector.broadcast %max3A_48 : f32 to vector<10000x64xf32>
    %max3A_50 = arith.maximumf %add3A_47, %max3A_49 : vector<10000x64xf32>
    %get3A_51 = arith.constant 0 : index
    %get3A_52 = arith.constant 0 : index
    %get3A_53 = vector.load %arg9[%get3A_51, %get3A_52] : memref<64x64xf32, #tpu.memory_space<vmem>>, vector<64x64xf32>
    %dot_general3A_54 = arith.constant dense<0.000000e+00> : vector<10000x64xf32>
    %dot_general3A_55 = tpu.matmul %max3A_50, %get3A_53, %dot_general3A_54 {dimension_numbers = #tpu.dot_dimension_numbers<[1], [0], [0], [1], [0, 0, 1, 1], [], []>, transpose_lhs_hint = false} : vector<10000x64xf32>, vector<64x64xf32>, vector<10000x64xf32> -> vector<10000x64xf32>
    %get3A_56 = arith.constant 0 : index
    %get3A_57 = arith.constant 0 : index
    %get3A_58 = vector.load %arg10[%get3A_56, %get3A_57] : memref<1x64xf32, #tpu.memory_space<vmem>>, vector<1x64xf32>
    %add3A_59 = vector.broadcast %get3A_58 : vector<1x64xf32> to vector<10000x64xf32>
    %add3A_60 = arith.addf %dot_general3A_55, %add3A_59 : vector<10000x64xf32>
    %max3A_61 = arith.constant 0.000000e+00 : f32
    %max3A_62 = vector.broadcast %max3A_61 : f32 to vector<10000x64xf32>
    %max3A_63 = arith.maximumf %add3A_60, %max3A_62 : vector<10000x64xf32>
    %swap3A = arith.constant 0 : index
    %swap3A_64 = arith.constant 0 : index
    %swap3A_65 = vector.load %arg11[%swap3A, %swap3A_64] : memref<10000x64xf32, #tpu.memory_space<vmem>>, vector<10000x64xf32>
    tpu.vector_store %arg11[%swap3A, %swap3A_64], %max3A_63 {strides = array<i32>} : memref<10000x64xf32, #tpu.memory_space<vmem>>, vector<10000x64xf32>,
    return
  }
}

module attributes {stable_mosaic.version = 14 : i64} {
  func.func @body(%arg0: memref<20480x64xf32, #tpu.memory_space<vmem>>, %arg1: memref<10000x64xf32, #tpu.memory_space<vmem>>, %arg2: memref<64x64xf32, #tpu.memory_space<vmem>>, %arg3: memref<64x64xf32, #tpu.memory_space<vmem>>, %arg4: memref<1x64xf32, #tpu.memory_space<vmem>>, %arg5: memref<64x64xf32, #tpu.memory_space<vmem>>, %arg6: memref<1x64xf32, #tpu.memory_space<vmem>>, %arg7: memref<64x64xf32, #tpu.memory_space<vmem>>, %arg8: memref<1x64xf32, #tpu.memory_space<vmem>>, %arg9: memref<64x64xf32, #tpu.memory_space<vmem>>, %arg10: memref<1x64xf32, #tpu.memory_space<vmem>>, %arg11: memref<10000x64xf32, #tpu.memory_space<vmem>>) attributes {dimension_semantics = [], scalar_prefetch = 0 : i64, scratch_operands = 0 : i64, tpu.core_type = #tpu.core_type<tc>} {
    %get3A = arith.constant 0 : index
    %get3A_0 = arith.constant 0 : index
    %get3A_1 = vector.load %arg0[%get3A, %get3A_0] : memref<20480x64xf32, #tpu.memory_space<vmem>>, vector<10000x64xf32>
    %get3A_2 = arith.constant 10240 : index
    %get3A_3 = arith.constant 0 : index
    %get3A_4 = vector.load %arg0[%get3A_2, %get3A_3] : memref<20480x64xf32, #tpu.memory_space<vmem>>, vector<10000x64xf32>
    %add3A = arith.addf %get3A_1, %get3A_4 : vector<10000x64xf32>
    %get3A_5 = arith.constant 0 : index
    %get3A_6 = arith.constant 0 : index
    %get3A_7 = vector.load %arg2[%get3A_5, %get3A_6] : memref<64x64xf32, #tpu.memory_space<vmem>>, vector<64x64xf32>
    %dot_general3A = arith.constant dense<0.000000e+00> : vector<10000x64xf32>
    %dot_general3A_8 = tpu.matmul %add3A, %get3A_7, %dot_general3A {dimension_numbers = #tpu.dot_dimension_numbers<[1], [0], [0], [1], [0, 0, 1, 1], [], []>, transpose_lhs_hint = false} : vector<10000x64xf32>, vector<64x64xf32>, vector<10000x64xf32> -> vector<10000x64xf32>
    %get3A_9 = arith.constant 0 : index
    %get3A_10 = arith.constant 0 : index
    %get3A_11 = vector.load %arg1[%get3A_9, %get3A_10] : memref<10000x64xf32, #tpu.memory_space<vmem>>, vector<10000x64xf32>
    %get3A_12 = arith.constant 0 : index
    %get3A_13 = arith.constant 0 : index
    %get3A_14 = vector.load %arg3[%get3A_12, %get3A_13] : memref<64x64xf32, #tpu.memory_space<vmem>>, vector<64x64xf32>
    %dot_general3A_15 = arith.constant dense<0.000000e+00> : vector<10000x64xf32>
    %dot_general3A_16 = tpu.matmul %get3A_11, %get3A_14, %dot_general3A_15 {dimension_numbers = #tpu.dot_dimension_numbers<[1], [0], [0], [1], [0, 0, 1, 1], [], []>, transpose_lhs_hint = false} : vector<10000x64xf32>, vector<64x64xf32>, vector<10000x64xf32> -> vector<10000x64xf32>
    %add3A_17 = arith.addf %dot_general3A_8, %dot_general3A_16 : vector<10000x64xf32>
    %get3A_18 = arith.constant 0 : index
    %get3A_19 = arith.constant 0 : index
    %get3A_20 = vector.load %arg4[%get3A_18, %get3A_19] : memref<1x64xf32, #tpu.memory_space<vmem>>, vector<1x64xf32>
    %add3A_21 = vector.broadcast %get3A_20 : vector<1x64xf32> to vector<10000x64xf32>
    %add3A_22 = arith.addf %add3A_17, %add3A_21 : vector<10000x64xf32>
    %max3A = arith.constant 0.000000e+00 : f32
    %max3A_23 = vector.broadcast %max3A : f32 to vector<10000x64xf32>
    %max3A_24 = arith.maximumf %add3A_22, %max3A_23 : vector<10000x64xf32>
    %get3A_25 = arith.constant 0 : index
    %get3A_26 = arith.constant 0 : index
    %get3A_27 = vector.load %arg5[%get3A_25, %get3A_26] : memref<64x64xf32, #tpu.memory_space<vmem>>, vector<64x64xf32>
    %dot_general3A_28 = arith.constant dense<0.000000e+00> : vector<10000x64xf32>
    %dot_general3A_29 = tpu.matmul %max3A_24, %get3A_27, %dot_general3A_28 {dimension_numbers = #tpu.dot_dimension_numbers<[1], [0], [0], [1], [0, 0, 1, 1], [], []>, transpose_lhs_hint = false} : vector<10000x64xf32>, vector<64x64xf32>, vector<10000x64xf32> -> vector<10000x64xf32>
    %get3A_30 = arith.constant 0 : index
    %get3A_31 = arith.constant 0 : index
    %get3A_32 = vector.load %arg6[%get3A_30, %get3A_31] : memref<1x64xf32, #tpu.memory_space<vmem>>, vector<1x64xf32>
    %add3A_33 = vector.broadcast %get3A_32 : vector<1x64xf32> to vector<10000x64xf32>
    %add3A_34 = arith.addf %dot_general3A_29, %add3A_33 : vector<10000x64xf32>
    %max3A_35 = arith.constant 0.000000e+00 : f32
    %max3A_36 = vector.broadcast %max3A_35 : f32 to vector<10000x64xf32>
    %max3A_37 = arith.maximumf %add3A_34, %max3A_36 : vector<10000x64xf32>
    %get3A_38 = arith.constant 0 : index
    %get3A_39 = arith.constant 0 : index
    %get3A_40 = vector.load %arg7[%get3A_38, %get3A_39] : memref<64x64xf32, #tpu.memory_space<vmem>>, vector<64x64xf32>
    %dot_general3A_41 = arith.constant dense<0.000000e+00> : vector<10000x64xf32>
    %dot_general3A_42 = tpu.matmul %max3A_37, %get3A_40, %dot_general3A_41 {dimension_numbers = #tpu.dot_dimension_numbers<[1], [0], [0], [1], [0, 0, 1, 1], [], []>, transpose_lhs_hint = false} : vector<10000x64xf32>, vector<64x64xf32>, vector<10000x64xf32> -> vector<10000x64xf32>
    %get3A_43 = arith.constant 0 : index
    %get3A_44 = arith.constant 0 : index
    %get3A_45 = vector.load %arg8[%get3A_43, %get3A_44] : memref<1x64xf32, #tpu.memory_space<vmem>>, vector<1x64xf32>
    %add3A_46 = vector.broadcast %get3A_45 : vector<1x64xf32> to vector<10000x64xf32>
    %add3A_47 = arith.addf %dot_general3A_42, %add3A_46 : vector<10000x64xf32>
    %max3A_48 = arith.constant 0.000000e+00 : f32
    %max3A_49 = vector.broadcast %max3A_48 : f32 to vector<10000x64xf32>
    %max3A_50 = arith.maximumf %add3A_47, %max3A_49 : vector<10000x64xf32>
    %get3A_51 = arith.constant 0 : index
    %get3A_52 = arith.constant 0 : index
    %get3A_53 = vector.load %arg9[%get3A_51, %get3A_52] : memref<64x64xf32, #tpu.memory_space<vmem>>, vector<64x64xf32>
    %dot_general3A_54 = arith.constant dense<0.000000e+00> : vector<10000x64xf32>
    %dot_general3A_55 = tpu.matmul %max3A_50, %get3A_53, %dot_general3A_54 {dimension_numbers = #tpu.dot_dimension_numbers<[1], [0], [0], [1], [0, 0, 1, 1], [], []>, transpose_lhs_hint = false} : vector<10000x64xf32>, vector<64x64xf32>, vector<10000x64xf32> -> vector<10000x64xf32>
    %get3A_56 = arith.constant 0 : index
    %get3A_57 = arith.constant 0 : index
    %get3A_58 = vector.load %arg10[%get3A_56, %get3A_57] : memref<1x64xf32, #tpu.memory_space<vmem>>, vector<1x64xf32>
    %add3A_59 = vector.broadcast %get3A_58 : vector<1x64xf32> to vector<10000x64xf32>
    %add3A_60 = arith.addf %dot_general3A_55, %add3A_59 : vector<10000x64xf32>
    %max3A_61 = arith.constant 0.000000e+00 : f32
    %max3A_62 = vector.broadcast %max3A_61 : f32 to vector<10000x64xf32>
    %max3A_63 = arith.maximumf %add3A_60, %max3A_62 : vector<10000x64xf32>
    %swap3A = arith.constant 0 : index
    %swap3A_64 = arith.constant 0 : index
    %swap3A_65 = vector.load %arg11[%swap3A, %swap3A_64] : memref<10000x64xf32, #tpu.memory_space<vmem>>, vector<10000x64xf32>
    tpu.vector_store %arg11[%swap3A, %swap3A_64], %max3A_63 {strides = array<i32>} : memref<10000x64xf32, #tpu.memory_space<vmem>>, vector<10000x64xf32>,
    return
  }
}

</mosaic_0001>

<sc_bundles>
// kernel: kernel.10.cloned.1.call-start
scs
__scs_entry_jumppad:
0x0: {  	(pc) =	sbr.rel $0x88, $3  }
0x1: {  	(tag) =	ssettag $0x0;
	lr =	simm.s32 $0x1  }
0x2: {  	[smem:$0x3F7E] =	sst lr;
	_ =	strace $0xD0000000  }
0x3: {  	_ = 	snop  }
0x4: {  	_ = 	snop  }
0x5: {  	_ = 	snop  }
0x6: {  	_ = 	snop  }
0x7: {  	_ = 	snop  }
__scs_overlays_trampoline_lowered:
0x8: {  	[smem:$0x3F8D] =	sst s0  }
0x9: {  	[smem:$0x3F8E] =	sst s1  }
0xa: {  	[smem:$0x3F8F] =	sst s2  }
0xb: {  	[smem:$0x3F90] =	sst s3  }
0xc: {  	[smem:$0x3F91] =	sst s4  }
0xd: {  	[smem:$0x3F92] =	sst s5  }
0xe: {  	[smem:$0x3F93] =	sst s6  }
0xf: {  	[smem:$0x3F94] =	sst s7  }
0x10: {  	[smem:$0x3F95] =	sst s8  }
0x11: {  	[smem:$0x3F96] =	sst s9;
	s0 =	simm.s32 @!p0 $0x0  }
0x12: {  	s1 =	sld [smem:$0x3F7C];
	s0 =	simm.s32 @p0 $0x1  }
0x13: {  	[smem:$0x3F97] =	sst s0;
	s0 =	simm.s32 @!p1 $0x0  }
0x14: {  	s2 =	sld [smem:$0x3F7B];
	s0 =	simm.s32 @p1 $0x1  }
0x15: {  	[smem:$0x3F98] =	sst s0;
	s0 =	simm.s32 @!p2 $0x0  }
0x16: {  	s3 =	sld [smem:$0x3FDB];
	s0 =	simm.s32 @p2 $0x1  }
0x17: {  	s4 =	simm.s32 $0x1BF5;
	[smem:$0x3F9A] =	sst s0  }
0x18: {  	s0 =	sld [smem:$0x3F7D];
	_ =	swait.ge [sflag:s4], $0x0  }
0x19: {  	s7 =	sld [smem:$0x3F7E]  }
0x1a: {  	s8 =	sadd.s32 $0xFFFFE003, lr  }
0x1b: {  	s9 =	sadd.s32 $0xFFFFFEF7, lr;
	s5 =	simm.s32 $0xFFFFFFFF;
	p2 =	slt.u32 s8, $0xFFFFF086  }
0x1c: {  	p1 =	slt.u32 s9, $0xF7A;
	s5 =	simm.s32 @!p2 $0x0  }
0x1d: {  	s5 =	simm.s32 @p1 $0x1;
	p0 =	seq.s32 s7, s2  }
0x1e: {  	s7 =	smul.u32 @!p0 $0xF7A, s2;
	p2 =	seq.s32 @!p0 s5, $0x0  }
0x1f: {  	s9 =	smul.u32 $0xF7A, s1;
	s8 =	simm.s32 @!p0 $0x1BF5;
	p2 =	por !p2, p0  }
0x20: {  	[sflag:s8] =	ssyncset.s32 @!p0 $0xFFFFF086;
	s6 =	sadd.s32 @!p0 s3, s7;
	s7 =	simm.s32 @!p0 $0x108  }
0x21: {  	s3 =	sadd.s32 s3, s9;
	s6 =	sadd.s32 @!p0 $0x88, s6;
	s7 =	simm.s32 @p2 $0x1082  }
0x22: {  	[simem:s7], [sflag:s8] =	dma.local @!p0 [hbm:s6], $0xF7A  }
0x23: {  	s9 =	sor.u32 $0xD0000000, s2;
	s6 =	simm.s32 $0x108;
	_ =	swait.ge @!p0 [sflag:s8], $0x0  }
0x24: {  	s3 =	sadd.s32 $0x88, s3;
	s6 =	simm.s32 @!p1 $0x1082;
	[sflag:s4] =	ssyncset.s32 $0xFFFFF086  }
0x25: {  	[simem:s6], [sflag:s4] =	dma.local [hbm:s3], $0xF7A  }
0x26: {  	[smem:$0x3F7E] =	sst s1;
	(tag) =	ssettag s2;
	_ =	strace s9  }
0x27: {  	s1 =	sld [smem:$0x3F8E]  }
0x28: {  	s2 =	sld [smem:$0x3F8F]  }
0x29: {  	s4 =	sld [smem:$0x3F91]  }
0x2a: {  	p0 =	seq.s32 s5, $0x0;
	s5 =	sld [smem:$0x3F92]  }
0x2b: {  	s6 =	sld [smem:$0x3F93]  }
0x2c: {  	s7 =	sld [smem:$0x3F94]  }
0x2d: {  	s3 =	simm.s32 $0x108;
	s8 =	sld [smem:$0x3F95]  }
0x2e: {  	s3 =	simm.s32 @!p0 $0x1082;
	s9 =	sld [smem:$0x3F96]  }
0x2f: {  	lr =	sadd.s32 s0, s3;
	s0 =	sld [smem:$0x3F8D]  }
0x30: {  	s3 =	sld [smem:$0x3F90]  }
0x31: {  	[smem:$0x3F99] =	sst s10  }
0x32: {  	s10 =	sld [smem:$0x3F97];
	_ =	sdelay $0x3  }
0x33: {  	p0 =	seq.s32 s10, $0x1;
	s10 =	sld [smem:$0x3F99];
	_ =	sdelay $0x3  }
0x34: {  	[smem:$0x3F99] =	sst s10  }
0x35: {  	s10 =	sld [smem:$0x3F98];
	_ =	sdelay $0x3  }
0x36: {  	p1 =	seq.s32 s10, $0x1;
	s10 =	sld [smem:$0x3F99];
	_ =	sdelay $0x3  }
0x37: {  	[smem:$0x3F99] =	sst s10  }
0x38: {  	s10 =	sld [smem:$0x3F9A]  }
0x39: {  	_ = 	snop;
	(pc) =	sbr.ind lr, $3  }
0x3a: {  	_ = 	snop  }
0x3b: {  	_ = 	snop  }
0x3c: {  	p2 =	seq.s32 s10, $0x1;
	s10 =	sld [smem:$0x3F99]  }
0x3d: {  	_ =	shalt  }
0x3e: {  	_ =	shalt  }
0x3f: {  	_ =	shalt  }
0x40: {  	_ =	shalt  }
0x41: {  	_ =	shalt  }
0x42: {  	_ =	shalt  }
0x43: {  	_ =	shalt  }
0x44: {  	_ =	shalt  }
0x45: {  	_ =	shalt  }
0x46: {  	_ =	shalt  }
0x47: {  	_ =	shalt  }
0x48: {  	_ =	shalt  }
0x49: {  	_ =	shalt  }
0x4a: {  	_ =	shalt  }
0x4b: {  	_ =	shalt  }
0x4c: {  	_ =	shalt  }
0x4d: {  	_ =	shalt  }
0x4e: {  	_ =	shalt  }
0x4f: {  	_ =	shalt  }
0x50: {  	_ =	shalt  }
0x51: {  	_ =	shalt  }
0x52: {  	_ =	shalt  }
0x53: {  	_ =	shalt  }
0x54: {  	_ =	shalt  }
0x55: {  	_ =	shalt  }
0x56: {  	_ =	shalt  }
0x57: {  	_ =	shalt  }
0x58: {  	_ =	shalt  }
0x59: {  	_ =	shalt  }
0x5a: {  	_ =	shalt  }
0x5b: {  	_ =	shalt  }
0x5c: {  	_ =	shalt  }
0x5d: {  	_ =	shalt  }
0x5e: {  	_ =	shalt  }
0x5f: {  	_ =	shalt  }
0x60: {  	_ =	shalt  }
0x61: {  	_ =	shalt  }
0x62: {  	_ =	shalt  }
0x63: {  	_ =	shalt  }
0x64: {  	_ =	shalt  }
0x65: {  	_ =	shalt  }
0x66: {  	_ =	shalt  }
0x67: {  	_ =	shalt  }
0x68: {  	_ =	shalt  }
0x69: {  	_ =	shalt  }
0x6a: {  	_ =	shalt  }
0x6b: {  	_ =	shalt  }
0x6c: {  	_ =	shalt  }
0x6d: {  	_ =	shalt  }
0x6e: {  	_ =	shalt  }
0x6f: {  	_ =	shalt  }
0x70: {  	_ =	shalt  }
0x71: {  	_ =	shalt  }
0x72: {  	_ =	shalt  }
0x73: {  	_ =	shalt  }
0x74: {  	_ =	shalt  }
0x75: {  	_ =	shalt  }
0x76: {  	_ =	shalt  }
0x77: {  	_ =	shalt  }
0x78: {  	_ =	shalt  }
0x79: {  	_ =	shalt  }
0x7a: {  	_ =	shalt  }
0x7b: {  	_ =	shalt  }
0x7c: {  	_ =	shalt  }
0x7d: {  	_ =	shalt  }
0x7e: {  	_ =	shalt  }
0x7f: {  	_ =	shalt  }
0x80: {  	_ =	shalt  }
0x81: {  	_ =	shalt  }
0x82: {  	_ =	shalt  }
0x83: {  	_ =	shalt  }
0x84: {  	_ =	shalt  }
0x85: {  	_ =	shalt  }
0x86: {  	_ =	shalt  }
0x87: {  	_ =	shalt  }
.Lfunc_end0:
.L_simem_size_0:
called_computation_lowered:
.L_overlay_start_0:
0x88: {  	s2 =	sld [smem:$0x3FD9]  }
0x89: {  	s3 =	sld [smem:$0x3FFE];
	_ =	sdelay $0x1  }
0x8a: {  	s1 =	srdreg.scid  }
0x8b: {  	s0 =	sand.u32 $0x1, s1  }
0x8c: {  	s17 =	sshll.u32 s0, $0xA;
	s2 =	sadd.s32 s3, s2  }
0x8d: {  	s2 =	sadd.s32 s2, s17  }
0x8e: {  	[smem:$0x3FA5] =	sst s2  }
0x8f: {  	_ = 	snop  }
0x90: {  	s2 =	sld [smem:$0x3FC9]  }
0x91: {  	s18 =	sld [smem:$0x3FD0];
	(tm) =	ssettm $0x1  }
0x92: {  	s4 =	sld [smem:$0x3FFB];
	_ =	sdelay $0x3  }
0x93: {  	_ =	strace s4  }
0x94: {  	s4 =	sld [smem:$0x3FFC];
	_ =	sdelay $0x3  }
0x95: {  	_ =	strace s4  }
0x96: {  	s4 =	sld [smem:$0x3FFD];
	_ =	sdelay $0x3  }
0x97: {  	_ =	strace s4  }
0x98: {  	_ =	strace $0x8FFFFFFF  }
0x99: {  	s19 =	sld [smem:$0x3FDB];
	_ =	sdelay $0x1  }
0x9a: {  	s5 =	simm.s32 $_scs_section_size  }
0x9b: {  	s6 =	simm.s32 $_size__tile_overlayer_lowered;
	s7 =	simm.s32 $_tile_overlayer_lowered  }
0x9c: {  	s22 =	simm.s32 $0x1BFF;
	s21 =	sshll.u32 s7, $0x1;
	s4 =	sadd.s32 s5, s19  }
0x9d: {  	s8 =	simm.s32 $0x0;
	s20 =	sshll.u32 s6, $0x1;
	s6 =	sadd.s32 s21, s4  }
0x9e: {  	[timem:s8], [sflag:s22] =	dma.local [hbm:s6], s20  }
0x9f: {  	_ =	swait.ge [sflag:s22], s20  }
0xa0: {  	s5 =	ssub.s32 $0x0, s20;
	[sflag:s22] =	ssyncset.done $0x0  }
0xa1: {  	[sflag:s22] =	ssyncadd.s32 s5;
	_ =	sdelay $0x1  }
0xa2: {  	s23 =	simm.s32 $0x1B8B  }
0xa3: {  	_ =	swait.ge [sflag:s23], $0x1  }
0xa4: {  	[sflag:s23] =	ssyncset.done $0x0  }
0xa5: {  	s25 =	simm.s32 $0x1B8E;
	s24 =	sld [smem:$0x3FFE];
	[sflag:s23] =	ssyncadd.s32 $0xFFFFFFFF  }
0xa6: {  	s26 =	simm.s32 $execute0_lowered;
	[smem:$0x3FD2] =	sst s25  }
0xa7: {  	s6 =	sshll.u32 s26, $0x1;
	_ =	strace $0x80000046;
	[dreg:$0x1] =	wrdreg $0xFFFFFFFF  }
0xa8: {  	s28 =	simm.s32 $_size_execute0_lowered;
	s4 =	sadd.s32 s4, s6;
	[dreg:$0x0] =	wrdreg $0x0  }
0xa9: {  	s6 =	sshll.u32 s28, $0x1;
	[dreg:$0x2] =	wrdreg s4  }
0xaa: {  	[dreg:$0x3] =	wrdreg s6  }
0xab: {  	[dreg:$0x4] =	wrdreg $0xC0  }
0xac: {  	_ =	task [dreg:s8], $0x5FFFF  }
0xad: {  	[dreg:$0x1] =	wrdreg $0xFFFFFFFF  }
0xae: {  	[dreg:$0x0] =	wrdreg $0x60  }
0xaf: {  	[dreg:$0x2] =	wrdreg s2  }
0xb0: {  	[dreg:$0x3] =	wrdreg s24  }
0xb1: {  	[dreg:$0x4] =	wrdreg s18  }
0xb2: {  	[dreg:$0x5] =	wrdreg $0x9  }
0xb3: {  	_ =	task.clear_ibuf [dreg:s8], $0x6FFFF;
	_ =	strace $0x90000046  }
0xb4: {  	s29 =	simm.s32 $0x9;
	_ =	strace $0x80000048  }
0xb5: {  	_ =	swait.ge [sflag:s29], $0x1  }
0xb6: {  	[sflag:s29] =	ssyncadd.s32 $0xFFFFFFFF  }
0xb7: {  	_ =	strace $0x90000048  }
0xb8: {  	_ =	sfence  }
0xb9: {  	s30 =	sld [smem:$0x0];
	_ =	sdelay $0x2  }
0xba: {  	s31 =	sshll.u32 s1, $0xD;
	s1 =	sshrl.u32 s1, $0x2  }
0xbb: {  	s3 =	sand.u32 $0x4000, s31;
	s1 =	sadd.s32 s1, s30  }
0xbc: {  	s0 =	sor.u32 s3, s0;
	s1 =	sshll.u32 s1, $0x11  }
0xbd: {  	s0 =	sor.u32 s1, s0  }
0xbe: {  	s0 =	sadd.s32 $0x8F2B, s0  }
0xbf: {  	[sflag:s0] =	ssyncadd.remote.s32 $0x1  }
0xc0: {  	_ =	sfence.sel $0xFFFF  }
0xc1: {  	[dreg:$0x0] =	wrdreg $0xFFFFFFFF;
	(pc) =	sbr.abs _section_cstart, $3  }
0xc2: {  	[dreg:$0x1] =	wrdreg $0xFFFFFFFF  }
0xc3: {  	_ =	task.clear_ibuf [dreg:s8], $0x2FFFF;
	_ =	strace $0x9FFFFFFF  }
0xc4: {  	(tm) =	ssettm $0x7FFFFFFF  }
0xc5: {  	_ =	shalt  }
tec
execute0_lowered:
.L_overlay_start_1:
0x0: {  	(tag) =	ssettag $0x1  }
0x1: {  	s1 =	rddreg [dreg:$0x0]  }
0x2: {  	s0 =	rddreg [dreg:$0x1]  }
0x3: {  	s2 =	rddreg [dreg:$0x2];
	s3 =	srdreg.scid;
	s4 =	simm.s32 $0x0  }
0x4: {  	s10 =	stileid.u32;
	s14 =	simm.s32 $0x5;
	s17 =	simm.s32 $0x100  }
0x5: {  	s18 =	simm.s32 $0x2900;
	s19 =	simm.s32 $0x1;
	s20 =	simm.s32 $0x2  }
0x6: {  	s21 =	simm.s32 $0x6;
	s3 =	sand.u32 $0x1, s3;
	s9 =	smul.u32 $0x2710, s10  }
0x7: {  	s22 =	simm.s32 $0x0;
	[smem:$0x7FF] =	sst s4;
	s6 =	smul.u32 $0x271000, s3  }
0x8: {  	s5 =	sshll.u32 s3, $0x4;
	s8 =	ssub.s32 $0x2, s3;
	s3 =	smul.u32 $0x27100, s3  }
0x9: {  	_ =	strace $0x80000047;
	s5 =	sor.u32 s10, s5;
	s10 =	smul.u32 $0x27100, s10  }
0xa: {  	s28 =	sshrl.u32 s8, $0x1;
	s7 =	smul.u32 $0x2710, s5;
	s5 =	sadd.s32 $0x6E00, s0  }
0xb: {  	s0 =	sadd.s32 s6, s0;
	s6 =	ssub.s32 s8, s28;
	s3 =	sadd.s32 s9, s3  }
0xc: {  	s6 =	smax.u32 s6, $0x1;
	s0 =	sadd.s32 s10, s0;
	s30 =	sadd.s32 $0x50, s3  }
0xd: {  	s9 =	sadd.s32 $0xA0, s3;
	s7 =	sshrl.u32 s7, $0x3;
	[dreg:$0x6] =	wrdreg s6  }
0xe: {  	s10 =	sadd.s32 $0x10C00, s0;
	s31 =	sshrl.u32 s30, $0x3;
	s29 =	sadd.s32 s5, s7  }
0xf: {  	s11 =	sadd.s32 $0x4F2C00, s0;
	s7 =	sadd.s32 s2, s7;
	[dreg:$0x4] =	wrdreg s29  }
0x10: {  	s12 =	sadd.s32 s31, s2;
	s13 =	sadd.s32 s31, s5;
	[dreg:$0x5] =	wrdreg s7  }
.LBB2_1:
0x11: {  	s0 =	rddreg [dreg:$0x4]  }
0x12: {  	[tilespmem:s4], [sflag:$0x5] =	stream.linear.gather [hbm4b:s0+s4], $0x50, $0x38;
	[tilespmem:$0xA200] =	vst v63  }
0x13: {  	_ =	swait.ge [sflag:s14], $0x50  }
0x14: {  	[sflag:s14] =	ssyncset.done $0x0  }
0x15: {  	s3 =	simm.s32 $0x80;
	s25 =	rddreg [dreg:$0x5];
	[sflag:s14] =	ssyncadd.s32 $0xFFFFFFB0  }
0x16: {  	[tilespmem:s3], [sflag:$0x5] =	stream.linear.gather [hbm4b:s25+s4], $0x50, $0x38;
	[tilespmem:$0xA200] =	vst v63  }
0x17: {  	_ =	swait.ge [sflag:s14], $0x50  }
0x18: {  	[sflag:s14] =	ssyncset.done $0x0  }
0x19: {  	s26 =	simm.s32 $0x50;
	[sflag:s14] =	ssyncadd.s32 $0xFFFFFFB0  }
0x1a: {  	[tilespmem:s17], [sflag:$0x1] =	stream.indirect.gather [hbm4b:s1+s26], $0x80, s4, s26, $0xb8;
	[tilespmem:$0xA200] =	vst v63  }
0x1b: {  	p0 =	por $0x0, $0x0  }
0x1c: {  	[tilespmem:s18], [sflag:$0x2] =	stream.indirect.gather [hbm4b:s1+s26], $0x80, s3, s26, $0xb8;
	[tilespmem:$0xA200] =	vst v63  }
0x1d: {  	s0 =	simm.s32 @!p0 $0x0;
	s6 =	simm.s32 @!p0 $0x5100;
	s3 =	simm.s32 @!p0 $0x6  }
0x1e: {  	[tilespmem:s6], [sflag:$0x6] =	stream.linear.gather @!p0 [hbm4b:s13+s0], $0x50, $0x38;
	[tilespmem:$0xA200] =	vst v63  }
0x1f: {  	_ =	swait.ge @!p0 [sflag:s3], $0x50;
	p0 =	por p0, p0  }
0x20: {  	[sflag:s3] =	ssyncset.done @!p0 $0x0  }
0x21: {  	s23 =	simm.s32 @!p0 $0x5180;
	[sflag:s3] =	ssyncadd.s32 @!p0 $0xFFFFFFB0  }
0x22: {  	[tilespmem:s23], [sflag:$0x6] =	stream.linear.gather @!p0 [hbm4b:s12+s0], $0x50, $0x38;
	[tilespmem:$0xA200] =	vst v63  }
0x23: {  	_ =	swait.ge @!p0 [sflag:s3], $0x50  }
0x24: {  	[sflag:s3] =	ssyncset.done @!p0 $0x0  }
0x25: {  	s24 =	simm.s32 @!p0 $0x50;
	s25 =	simm.s32 @!p0 $0x5200;
	[sflag:s3] =	ssyncadd.s32 @!p0 $0xFFFFFFB0  }
0x26: {  	[tilespmem:s25], [sflag:$0x3] =	stream.indirect.gather @!p0 [hbm4b:s1+s24], $0x80, s6, s24, $0xb8;
	[tilespmem:$0xA200] =	vst v63  }
0x27: {  	s6 =	simm.s32 @!p0 $0x7A00  }
0x28: {  	[tilespmem:s6], [sflag:$0x4] =	stream.indirect.gather @!p0 [hbm4b:s1+s24], $0x80, s23, s24, $0xb8;
	[tilespmem:$0xA200] =	vst v63  }
0x29: {  	_ =	swait.ge [sflag:s19], $0x2800  }
0x2a: {  	[sflag:s19] =	ssyncset.done $0x0  }
0x2b: {  	[sflag:s19] =	ssyncadd.s32 $0xFFFFD800  }
0x2c: {  	_ =	swait.ge [sflag:s20], $0x2800  }
0x2d: {  	[sflag:s20] =	ssyncset.done $0x0  }
0x2e: {  	s30 =	sadd.s32 $0x0, s10;
	[sflag:s20] =	ssyncadd.s32 $0xFFFFD800  }
0x2f: {  	[hbm4b:s30+s4] =	stream.linear.scatter [tilespmem:s17], [sflag:$0x6], $0x2800, $0x38;
	[tilespmem:$0xA200] =	vst v63  }
0x30: {  	_ =	swait.ge [sflag:s21], $0x2800  }
0x31: {  	[sflag:s21] =	ssyncset.done $0x0  }
0x32: {  	s31 =	sadd.s32 $0x0, s11;
	[sflag:s21] =	ssyncadd.s32 $0xFFFFD800  }
0x33: {  	[hbm4b:s31+s4] =	stream.linear.scatter [tilespmem:s18], [sflag:$0x6], $0x2800, $0x38;
	[tilespmem:$0xA200] =	vst v63  }
0x34: {  	p1 =	por $0x0, $0x0;
	_ =	swait.ge [sflag:s21], $0x2800  }
0x35: {  	s28 =	simm.s32 @!p1 $0x0;
	s23 =	sshrl.u32 @!p1 s9, $0x3;
	[sflag:s21] =	ssyncset.done $0x0  }
0x36: {  	s24 =	simm.s32 @!p1 $0x6;
	s26 =	sadd.s32 @!p1 s5, s23;
	[sflag:s21] =	ssyncadd.s32 $0xFFFFD800  }
0x37: {  	[tilespmem:s28], [sflag:$0x6] =	stream.linear.gather @!p1 [hbm4b:s26+s28], $0x50, $0x38;
	[tilespmem:$0xA200] =	vst v63  }
0x38: {  	_ =	swait.ge @!p1 [sflag:s24], $0x50  }
0x39: {  	[sflag:s24] =	ssyncset.done @!p1 $0x0  }
0x3a: {  	s23 =	sadd.s32 @!p1 s2, s23;
	s26 =	simm.s32 @!p1 $0x80;
	[sflag:s24] =	ssyncadd.s32 @!p1 $0xFFFFFFB0  }
0x3b: {  	[tilespmem:s26], [sflag:$0x6] =	stream.linear.gather @!p1 [hbm4b:s23+s28], $0x50, $0x38;
	[tilespmem:$0xA200] =	vst v63  }
0x3c: {  	_ =	swait.ge @!p1 [sflag:s24], $0x50  }
0x3d: {  	[sflag:s24] =	ssyncset.done @!p1 $0x0  }
0x3e: {  	s23 =	simm.s32 @!p1 $0x50;
	[sflag:s24] =	ssyncadd.s32 @!p1 $0xFFFFFFB0;
	s24 =	simm.s32 @!p1 $0x100  }
0x3f: {  	[tilespmem:s24], [sflag:$0x1] =	stream.indirect.gather @!p1 [hbm4b:s1+s23], $0x80, s28, s23, $0xb8;
	[tilespmem:$0xA200] =	vst v63  }
0x40: {  	s24 =	simm.s32 @!p1 $0x2900  }
0x41: {  	[tilespmem:s24], [sflag:$0x2] =	stream.indirect.gather @!p1 [hbm4b:s1+s23], $0x80, s26, s23, $0xb8;
	[tilespmem:$0xA200] =	vst v63  }
0x42: {  	s23 =	simm.s32 @!p0 $0x3  }
0x43: {  	_ =	swait.ge @!p0 [sflag:s23], $0x2800  }
0x44: {  	[sflag:s23] =	ssyncset.done @!p0 $0x0  }
0x45: {  	[sflag:s23] =	ssyncadd.s32 @!p0 $0xFFFFD800;
	s23 =	simm.s32 @!p0 $0x4  }
0x46: {  	_ =	swait.ge @!p0 [sflag:s23], $0x2800  }
0x47: {  	s24 =	sadd.s32 @!p0 $0x0, s10;
	[sflag:s23] =	ssyncset.done @!p0 $0x0  }
0x48: {  	[sflag:s23] =	ssyncadd.s32 @!p0 $0xFFFFD800;
	s23 =	sadd.s32 @!p0 $0x500, s24  }
0x49: {  	[hbm4b:s23+s0] =	stream.linear.scatter @!p0 [tilespmem:s25], [sflag:$0x6], $0x2800, $0x38;
	[tilespmem:$0xA200] =	vst v63  }
0x4a: {  	s29 =	simm.s32 $0x3;
	_ =	swait.ge @!p0 [sflag:s3], $0x2800  }
0x4b: {  	p2 =	por $0x0, $0x0;
	s24 =	sadd.s32 @!p0 $0x0, s11;
	[sflag:s3] =	ssyncset.done @!p0 $0x0  }
0x4c: {  	s28 =	simm.s32 $0x1400;
	[sflag:s3] =	ssyncadd.s32 @!p0 $0xFFFFD800;
	s3 =	sadd.s32 @!p0 $0x500, s24  }
0x4d: {  	[hbm4b:s3+s0] =	stream.linear.scatter @!p0 [tilespmem:s6], [sflag:$0x5], $0x2800, $0x38;
	[tilespmem:$0xA200] =	vst v63  }
0x4e: {  	s26 =	sadd.s32 $0x14, s13;
	s23 =	simm.s32 $0xA00;
	s6 =	simm.s32 @!p0 $0x5  }
0x4f: {  	s25 =	sadd.s32 $0x14, s12;
	s24 =	sadd.s32 $0xA0, s9;
	_ =	swait.ge @!p0 [sflag:s6], $0x2800  }
.LBB2_2:
0x50: {  	s30 =	simm.s32 @!p2 $0x0;
	s3 =	simm.s32 @!p2 $0x5100  }
0x51: {  	[sflag:s6] =	ssyncset.done @!p0 $0x0;
	s31 =	smov.u32 s23;
	s23 =	smov.u32 s28  }
0x52: {  	s28 =	sadd.s32 $0xA00, s28;
	s0 =	simm.s32 @!p2 $0x6;
	[sflag:s6] =	ssyncadd.s32 @!p0 $0xFFFFD800  }
0x53: {  	[tilespmem:s3], [sflag:$0x6] =	stream.linear.gather @!p2 [hbm4b:s26+s30], $0x50, $0x38;
	[tilespmem:$0xA200] =	vst v63  }
0x54: {  	p1 =	sne.s32 s28, $0x27600;
	p0 =	por p2, p2;
	_ =	swait.ge @!p2 [sflag:s0], $0x50  }
0x55: {  	[sflag:s0] =	ssyncset.done @!p0 $0x0  }
0x56: {  	s7 =	simm.s32 @!p0 $0x5180;
	[sflag:s0] =	ssyncadd.s32 @!p0 $0xFFFFFFB0  }
0x57: {  	[tilespmem:s7], [sflag:$0x6] =	stream.linear.gather @!p0 [hbm4b:s25+s30], $0x50, $0x38;
	[tilespmem:$0xA200] =	vst v63  }
0x58: {  	_ =	swait.ge @!p0 [sflag:s0], $0x50  }
0x59: {  	[sflag:s0] =	ssyncset.done @!p0 $0x0  }
0x5a: {  	s8 =	simm.s32 @!p0 $0x50;
	s6 =	simm.s32 @!p0 $0x5200;
	[sflag:s0] =	ssyncadd.s32 @!p0 $0xFFFFFFB0  }
0x5b: {  	[tilespmem:s6], [sflag:$0x3] =	stream.indirect.gather @!p0 [hbm4b:s1+s8], $0x80, s3, s8, $0xb8;
	[tilespmem:$0xA200] =	vst v63  }
0x5c: {  	s3 =	simm.s32 @!p0 $0x7A00  }
0x5d: {  	[tilespmem:s3], [sflag:$0x4] =	stream.indirect.gather @!p0 [hbm4b:s1+s8], $0x80, s7, s8, $0xb8;
	[tilespmem:$0xA200] =	vst v63  }
0x5e: {  	_ =	swait.ge [sflag:s19], $0x2800  }
0x5f: {  	[sflag:s19] =	ssyncset.done $0x0  }
0x60: {  	[sflag:s19] =	ssyncadd.s32 $0xFFFFD800  }
0x61: {  	_ =	swait.ge [sflag:s20], $0x2800  }
0x62: {  	[sflag:s20] =	ssyncset.done $0x0  }
0x63: {  	s7 =	sadd.s32 s31, s10;
	[sflag:s20] =	ssyncadd.s32 $0xFFFFD800  }
0x64: {  	[hbm4b:s7+s4] =	stream.linear.scatter [tilespmem:s17], [sflag:$0x6], $0x2800, $0x38;
	[tilespmem:$0xA200] =	vst v63  }
0x65: {  	_ =	swait.ge [sflag:s21], $0x2800  }
0x66: {  	[sflag:s21] =	ssyncset.done $0x0  }
0x67: {  	s7 =	sadd.s32 s31, s11;
	[sflag:s21] =	ssyncadd.s32 $0xFFFFD800  }
0x68: {  	[hbm4b:s7+s4] =	stream.linear.scatter [tilespmem:s18], [sflag:$0x6], $0x2800, $0x38;
	[tilespmem:$0xA200] =	vst v63  }
0x69: {  	p2 =	seq.s32 s31, $0x26C00;
	_ =	swait.ge [sflag:s21], $0x2800  }
0x6a: {  	s8 =	simm.s32 @!p2 $0x6;
	s7 =	sshrl.u32 @!p2 s24, $0x3;
	[sflag:s21] =	ssyncset.done $0x0  }
0x6b: {  	s16 =	simm.s32 @!p2 $0x0;
	s15 =	sadd.s32 @!p2 s5, s7;
	[sflag:s21] =	ssyncadd.s32 $0xFFFFD800  }
0x6c: {  	[tilespmem:s16], [sflag:$0x6] =	stream.linear.gather @!p2 [hbm4b:s15+s16], $0x50, $0x38;
	[tilespmem:$0xA200] =	vst v63  }
0x6d: {  	s7 =	sadd.s32 @!p2 s2, s7;
	_ =	swait.ge @!p2 [sflag:s8], $0x50  }
0x6e: {  	[sflag:s8] =	ssyncset.done @!p2 $0x0  }
0x6f: {  	s15 =	simm.s32 @!p2 $0x80;
	[sflag:s8] =	ssyncadd.s32 @!p2 $0xFFFFFFB0  }
0x70: {  	[tilespmem:s15], [sflag:$0x6] =	stream.linear.gather @!p2 [hbm4b:s7+s16], $0x50, $0x38;
	[tilespmem:$0xA200] =	vst v63  }
0x71: {  	_ =	swait.ge @!p2 [sflag:s8], $0x50  }
0x72: {  	[sflag:s8] =	ssyncset.done @!p2 $0x0  }
0x73: {  	s7 =	simm.s32 @!p2 $0x50;
	[sflag:s8] =	ssyncadd.s32 @!p2 $0xFFFFFFB0;
	s8 =	simm.s32 @!p2 $0x100  }
0x74: {  	[tilespmem:s8], [sflag:$0x1] =	stream.indirect.gather @!p2 [hbm4b:s1+s7], $0x80, s16, s7, $0xb8;
	[tilespmem:$0xA200] =	vst v63  }
0x75: {  	s8 =	simm.s32 @!p2 $0x2900;
	s16 =	simm.s32 @!p0 $0x3  }
0x76: {  	[tilespmem:s8], [sflag:$0x2] =	stream.indirect.gather @!p2 [hbm4b:s1+s7], $0x80, s15, s7, $0xb8;
	[tilespmem:$0xA200] =	vst v63  }
0x77: {  	_ =	swait.ge @!p0 [sflag:s16], $0x2800  }
0x78: {  	[sflag:s16] =	ssyncset.done @!p0 $0x0  }
0x79: {  	s7 =	simm.s32 @!p0 $0x4;
	[sflag:s16] =	ssyncadd.s32 @!p0 $0xFFFFD800  }
0x7a: {  	_ =	swait.ge @!p0 [sflag:s7], $0x2800  }
0x7b: {  	s8 =	sadd.s32 @!p0 s31, s10;
	[sflag:s7] =	ssyncset.done @!p0 $0x0  }
0x7c: {  	s26 =	sadd.s32 $0x14, s26;
	[sflag:s7] =	ssyncadd.s32 @!p0 $0xFFFFD800;
	s7 =	sadd.s32 @!p0 $0x500, s8  }
0x7d: {  	[hbm4b:s7+s30] =	stream.linear.scatter @!p0 [tilespmem:s6], [sflag:$0x6], $0x2800, $0x38;
	[tilespmem:$0xA200] =	vst v63  }
.Ltmp0:
0x7e: {  	s25 =	sadd.s32 $0x14, s25;
	_ =	swait.ge @!p0 [sflag:s0], $0x2800;
	(pc) =	sbr.rel @p1 .LBB2_2-.Ltmp0, $4  }
0x7f: {  	s29 =	sadd.s32 $0x2, s29;
	s6 =	sadd.s32 @!p0 s31, s11;
	[sflag:s0] =	ssyncset.done @!p0 $0x0  }
0x80: {  	[sflag:s0] =	ssyncadd.s32 @!p0 $0xFFFFD800;
	s0 =	sadd.s32 @!p0 $0x500, s6;
	s6 =	simm.s32 @!p0 $0x5  }
0x81: {  	[hbm4b:s0+s30] =	stream.linear.scatter @!p0 [tilespmem:s3], [sflag:$0x5], $0x2800, $0x38;
	[tilespmem:$0xA200] =	vst v63  }
0x82: {  	s24 =	sadd.s32 $0xA0, s24;
	p2 =	sgt.u32 s29, $0x7C;
	_ =	swait.ge @!p0 [sflag:s6], $0x2800  }
0x83: {  	s0 =	simm.s32 @!p2 $0x0;
	[sflag:s6] =	ssyncset.done @!p0 $0x0  }
0x84: {  	s7 =	simm.s32 @!p2 $0x5100;
	s3 =	simm.s32 @!p2 $0x6;
	[sflag:s6] =	ssyncadd.s32 @!p0 $0xFFFFD800  }
0x85: {  	[tilespmem:s7], [sflag:$0x6] =	stream.linear.gather @!p2 [hbm4b:s26+s0], $0x50, $0x38;
	[tilespmem:$0xA200] =	vst v63  }
0x86: {  	p0 =	por p2, p2;
	_ =	swait.ge @!p2 [sflag:s3], $0x50  }
0x87: {  	[sflag:s3] =	ssyncset.done @!p0 $0x0  }
0x88: {  	s6 =	simm.s32 @!p0 $0x5180;
	[sflag:s3] =	ssyncadd.s32 @!p0 $0xFFFFFFB0  }
0x89: {  	[tilespmem:s6], [sflag:$0x6] =	stream.linear.gather @!p0 [hbm4b:s25+s0], $0x50, $0x38;
	[tilespmem:$0xA200] =	vst v63  }
0x8a: {  	_ =	swait.ge @!p0 [sflag:s3], $0x50  }
0x8b: {  	[sflag:s3] =	ssyncset.done @!p0 $0x0  }
0x8c: {  	s8 =	simm.s32 @!p0 $0x50;
	s15 =	simm.s32 @!p0 $0x5200;
	[sflag:s3] =	ssyncadd.s32 @!p0 $0xFFFFFFB0  }
0x8d: {  	[tilespmem:s15], [sflag:$0x3] =	stream.indirect.gather @!p0 [hbm4b:s1+s8], $0x80, s7, s8, $0xb8;
	[tilespmem:$0xA200] =	vst v63  }
0x8e: {  	s7 =	simm.s32 @!p0 $0x7A00  }
0x8f: {  	[tilespmem:s7], [sflag:$0x4] =	stream.indirect.gather @!p0 [hbm4b:s1+s8], $0x80, s6, s8, $0xb8;
	[tilespmem:$0xA200] =	vst v63  }
0x90: {  	_ =	swait.ge [sflag:s19], $0x2800  }
0x91: {  	[sflag:s19] =	ssyncset.done $0x0  }
0x92: {  	[sflag:s19] =	ssyncadd.s32 $0xFFFFD800  }
0x93: {  	_ =	swait.ge [sflag:s20], $0x2800  }
0x94: {  	[sflag:s20] =	ssyncset.done $0x0  }
0x95: {  	s29 =	sadd.s32 s23, s10;
	[sflag:s20] =	ssyncadd.s32 $0xFFFFD800  }
0x96: {  	[hbm4b:s29+s4] =	stream.linear.scatter [tilespmem:s17], [sflag:$0x6], $0x2800, $0x38;
	[tilespmem:$0xA200] =	vst v63  }
0x97: {  	_ =	swait.ge [sflag:s21], $0x2800  }
0x98: {  	[sflag:s21] =	ssyncset.done $0x0  }
0x99: {  	s30 =	sadd.s32 s23, s11;
	[sflag:s21] =	ssyncadd.s32 $0xFFFFD800  }
0x9a: {  	[hbm4b:s30+s4] =	stream.linear.scatter [tilespmem:s18], [sflag:$0x6], $0x2800, $0x38;
	[tilespmem:$0xA200] =	vst v63  }
0x9b: {  	p1 =	seq.s32 s23, $0x26C00;
	_ =	swait.ge [sflag:s21], $0x2800  }
0x9c: {  	s6 =	sshrl.u32 @!p1 s24, $0x3;
	s8 =	simm.s32 @!p1 $0x6;
	[sflag:s21] =	ssyncset.done $0x0  }
0x9d: {  	s24 =	simm.s32 @!p1 $0x0;
	s16 =	sadd.s32 @!p1 s5, s6;
	[sflag:s21] =	ssyncadd.s32 $0xFFFFD800  }
0x9e: {  	[tilespmem:s24], [sflag:$0x6] =	stream.linear.gather @!p1 [hbm4b:s16+s24], $0x50, $0x38;
	[tilespmem:$0xA200] =	vst v63  }
0x9f: {  	_ =	swait.ge @!p1 [sflag:s8], $0x50  }
0xa0: {  	[sflag:s8] =	ssyncset.done @!p1 $0x0  }
0xa1: {  	s6 =	sadd.s32 @!p1 s2, s6;
	s16 =	simm.s32 @!p1 $0x80;
	[sflag:s8] =	ssyncadd.s32 @!p1 $0xFFFFFFB0  }
0xa2: {  	[tilespmem:s16], [sflag:$0x6] =	stream.linear.gather @!p1 [hbm4b:s6+s24], $0x50, $0x38;
	[tilespmem:$0xA200] =	vst v63  }
0xa3: {  	_ =	swait.ge @!p1 [sflag:s8], $0x50  }
0xa4: {  	[sflag:s8] =	ssyncset.done @!p1 $0x0  }
0xa5: {  	s6 =	simm.s32 @!p1 $0x50;
	[sflag:s8] =	ssyncadd.s32 @!p1 $0xFFFFFFB0;
	s8 =	simm.s32 @!p1 $0x100  }
0xa6: {  	[tilespmem:s8], [sflag:$0x1] =	stream.indirect.gather @!p1 [hbm4b:s1+s6], $0x80, s24, s6, $0xb8;
	[tilespmem:$0xA200] =	vst v63  }
0xa7: {  	s8 =	simm.s32 @!p1 $0x2900;
	s24 =	simm.s32 @!p0 $0x3  }
0xa8: {  	[tilespmem:s8], [sflag:$0x2] =	stream.indirect.gather @!p1 [hbm4b:s1+s6], $0x80, s16, s6, $0xb8;
	[tilespmem:$0xA200] =	vst v63  }
0xa9: {  	_ =	swait.ge @!p0 [sflag:s24], $0x2800  }
0xaa: {  	[sflag:s24] =	ssyncset.done @!p0 $0x0  }
0xab: {  	s6 =	simm.s32 @!p0 $0x4;
	[sflag:s24] =	ssyncadd.s32 @!p0 $0xFFFFD800  }
0xac: {  	_ =	swait.ge @!p0 [sflag:s6], $0x2800  }
0xad: {  	s8 =	sadd.s32 @!p0 s23, s10;
	[sflag:s6] =	ssyncset.done @!p0 $0x0  }
0xae: {  	[sflag:s6] =	ssyncadd.s32 @!p0 $0xFFFFD800;
	s6 =	sadd.s32 @!p0 $0x500, s8  }
0xaf: {  	[hbm4b:s6+s0] =	stream.linear.scatter @!p0 [tilespmem:s15], [sflag:$0x6], $0x2800, $0x38;
	[tilespmem:$0xA200] =	vst v63  }
0xb0: {  	_ =	swait.ge @!p0 [sflag:s3], $0x2800  }
0xb1: {  	s6 =	sadd.s32 @!p0 s23, s11;
	[sflag:s3] =	ssyncset.done @!p0 $0x0  }
0xb2: {  	[sflag:s3] =	ssyncadd.s32 @!p0 $0xFFFFD800;
	s3 =	sadd.s32 @!p0 $0x500, s6;
	s6 =	simm.s32 @!p0 $0x5  }
0xb3: {  	[hbm4b:s3+s0] =	stream.linear.scatter @!p0 [tilespmem:s7], [sflag:$0x5], $0x2800, $0x38;
	[tilespmem:$0xA200] =	vst v63  }
0xb4: {  	_ =	swait.ge @!p0 [sflag:s6], $0x2800  }
0xb5: {  	s22 =	sadd.s32 $0x1, s22;
	s31 =	rddreg [dreg:$0x6]  }
0xb6: {  	p1 =	sne.s32 s22, s31  }
.Ltmp1:
0xb7: {  	_ = 	snop;
	(pc) =	sbr.rel @p1 .LBB2_1-.Ltmp1, $3  }
0xb8: {  	_ =	sdelay $0x1  }
0xb9: {  	[sflag:s6] =	ssyncset.done @!p0 $0x0  }
0xba: {  	[sflag:s6] =	ssyncadd.s32 @!p0 $0xFFFFD800  }
0xbb: {  	_ =	sfence.sel $0x180000  }
0xbc: {  	[bflag:$0x0] =	sbarrier.arrive $0xFFFF  }
0xbd: {  	_ =	strace $0x90000047  }
0xbe: {  	s0 =	stileid.u32;
	[bflag:$0x2] =	sbarrier.arrive $0xFFFF  }
0xbf: {  	p0 =	sne.s32 s0, $0x0;
	s0 =	rddreg [dreg:$0x3]  }
0xc0: {  	s0 =	sadd.s32 @!p0 $0x100000, s0  }
0xc1: {  	[sflag:s0] =	ssyncadd.tile.s32 @!p0 $0x1;
	_ =	shalt  }
.Lfunc_end2:
_tile_overlayer_lowered:
.L_overlay_start_2:
0xc2: {  	(tag) =	ssettag $0x2  }
0xc3: {  	s0 =	rddreg [dreg:$0x0];
	s2 =	stileid.u32  }
0xc4: {  	s1 =	rddreg [dreg:$0x1];
	p0 =	sne.s32 s2, $0x0  }
0xc5: {  	s3 =	rddreg [dreg:$0x2];
	[bflag:$0x3] =	sbarrier.arrive $0xFFFF;
	s2 =	simm.s32 @!p0 $0x1C05  }
0xc6: {  	[timem:s3], [sflag:s2] =	dma.local @!p0 [hbm:s0], s1  }
0xc7: {  	s0 =	simm.s32 @!p0 $0x5  }
0xc8: {  	_ =	swait.ge @!p0 [sflag:s0], s1  }
0xc9: {  	s1 =	ssub.s32 @!p0 $0x0, s1;
	[sflag:s0] =	ssyncset.done @!p0 $0x0  }
0xca: {  	[sflag:s0] =	ssyncadd.s32 @!p0 s1  }
0xcb: {  	[bflag:$0x3] =	sbarrier.arrive $0xFFFF  }
0xcc: {  	_ =	shalt  }

// kernel: kernel.13.cloned.1.call-start
scs
__scs_entry_jumppad:
0x0: {  	(pc) =	sbr.rel $0x88, $3  }
0x1: {  	(tag) =	ssettag $0x0;
	lr =	simm.s32 $0x1  }
0x2: {  	[smem:$0x3F7E] =	sst lr;
	_ =	strace $0xD0000000  }
0x3: {  	_ = 	snop  }
0x4: {  	_ = 	snop  }
0x5: {  	_ = 	snop  }
0x6: {  	_ = 	snop  }
0x7: {  	_ = 	snop  }
__scs_overlays_trampoline_lowered:
0x8: {  	[smem:$0x3F8D] =	sst s0  }
0x9: {  	[smem:$0x3F8E] =	sst s1  }
0xa: {  	[smem:$0x3F8F] =	sst s2  }
0xb: {  	[smem:$0x3F90] =	sst s3  }
0xc: {  	[smem:$0x3F91] =	sst s4  }
0xd: {  	[smem:$0x3F92] =	sst s5  }
0xe: {  	[smem:$0x3F93] =	sst s6  }
0xf: {  	[smem:$0x3F94] =	sst s7  }
0x10: {  	[smem:$0x3F95] =	sst s8  }
0x11: {  	[smem:$0x3F96] =	sst s9;
	s0 =	simm.s32 @!p0 $0x0  }
0x12: {  	s1 =	sld [smem:$0x3F7C];
	s0 =	simm.s32 @p0 $0x1  }
0x13: {  	[smem:$0x3F97] =	sst s0;
	s0 =	simm.s32 @!p1 $0x0  }
0x14: {  	s2 =	sld [smem:$0x3F7B];
	s0 =	simm.s32 @p1 $0x1  }
0x15: {  	[smem:$0x3F98] =	sst s0;
	s0 =	simm.s32 @!p2 $0x0  }
0x16: {  	s3 =	sld [smem:$0x3FDB];
	s0 =	simm.s32 @p2 $0x1  }
0x17: {  	s4 =	simm.s32 $0x1BF5;
	[smem:$0x3F9A] =	sst s0  }
0x18: {  	s0 =	sld [smem:$0x3F7D];
	_ =	swait.ge [sflag:s4], $0x0  }
0x19: {  	s7 =	sld [smem:$0x3F7E]  }
0x1a: {  	s8 =	sadd.s32 $0xFFFFE003, lr  }
0x1b: {  	s9 =	sadd.s32 $0xFFFFFEF7, lr;
	s5 =	simm.s32 $0xFFFFFFFF;
	p2 =	slt.u32 s8, $0xFFFFF086  }
0x1c: {  	p1 =	slt.u32 s9, $0xF7A;
	s5 =	simm.s32 @!p2 $0x0  }
0x1d: {  	s5 =	simm.s32 @p1 $0x1;
	p0 =	seq.s32 s7, s2  }
0x1e: {  	s7 =	smul.u32 @!p0 $0xF7A, s2;
	p2 =	seq.s32 @!p0 s5, $0x0  }
0x1f: {  	s9 =	smul.u32 $0xF7A, s1;
	s8 =	simm.s32 @!p0 $0x1BF5;
	p2 =	por !p2, p0  }
0x20: {  	[sflag:s8] =	ssyncset.s32 @!p0 $0xFFFFF086;
	s6 =	sadd.s32 @!p0 s3, s7;
	s7 =	simm.s32 @!p0 $0x108  }
0x21: {  	s3 =	sadd.s32 s3, s9;
	s6 =	sadd.s32 @!p0 $0x88, s6;
	s7 =	simm.s32 @p2 $0x1082  }
0x22: {  	[simem:s7], [sflag:s8] =	dma.local @!p0 [hbm:s6], $0xF7A  }
0x23: {  	s9 =	sor.u32 $0xD0000000, s2;
	s6 =	simm.s32 $0x108;
	_ =	swait.ge @!p0 [sflag:s8], $0x0  }
0x24: {  	s3 =	sadd.s32 $0x88, s3;
	s6 =	simm.s32 @!p1 $0x1082;
	[sflag:s4] =	ssyncset.s32 $0xFFFFF086  }
0x25: {  	[simem:s6], [sflag:s4] =	dma.local [hbm:s3], $0xF7A  }
0x26: {  	[smem:$0x3F7E] =	sst s1;
	(tag) =	ssettag s2;
	_ =	strace s9  }
0x27: {  	s1 =	sld [smem:$0x3F8E]  }
0x28: {  	s2 =	sld [smem:$0x3F8F]  }
0x29: {  	s4 =	sld [smem:$0x3F91]  }
0x2a: {  	p0 =	seq.s32 s5, $0x0;
	s5 =	sld [smem:$0x3F92]  }
0x2b: {  	s6 =	sld [smem:$0x3F93]  }
0x2c: {  	s7 =	sld [smem:$0x3F94]  }
0x2d: {  	s3 =	simm.s32 $0x108;
	s8 =	sld [smem:$0x3F95]  }
0x2e: {  	s3 =	simm.s32 @!p0 $0x1082;
	s9 =	sld [smem:$0x3F96]  }
0x2f: {  	lr =	sadd.s32 s0, s3;
	s0 =	sld [smem:$0x3F8D]  }
0x30: {  	s3 =	sld [smem:$0x3F90]  }
0x31: {  	[smem:$0x3F99] =	sst s10  }
0x32: {  	s10 =	sld [smem:$0x3F97];
	_ =	sdelay $0x3  }
0x33: {  	p0 =	seq.s32 s10, $0x1;
	s10 =	sld [smem:$0x3F99];
	_ =	sdelay $0x3  }
0x34: {  	[smem:$0x3F99] =	sst s10  }
0x35: {  	s10 =	sld [smem:$0x3F98];
	_ =	sdelay $0x3  }
0x36: {  	p1 =	seq.s32 s10, $0x1;
	s10 =	sld [smem:$0x3F99];
	_ =	sdelay $0x3  }
0x37: {  	[smem:$0x3F99] =	sst s10  }
0x38: {  	s10 =	sld [smem:$0x3F9A]  }
0x39: {  	_ = 	snop;
	(pc) =	sbr.ind lr, $3  }
0x3a: {  	_ = 	snop  }
0x3b: {  	_ = 	snop  }
0x3c: {  	p2 =	seq.s32 s10, $0x1;
	s10 =	sld [smem:$0x3F99]  }
0x3d: {  	_ =	shalt  }
0x3e: {  	_ =	shalt  }
0x3f: {  	_ =	shalt  }
0x40: {  	_ =	shalt  }
0x41: {  	_ =	shalt  }
0x42: {  	_ =	shalt  }
0x43: {  	_ =	shalt  }
0x44: {  	_ =	shalt  }
0x45: {  	_ =	shalt  }
0x46: {  	_ =	shalt  }
0x47: {  	_ =	shalt  }
0x48: {  	_ =	shalt  }
0x49: {  	_ =	shalt  }
0x4a: {  	_ =	shalt  }
0x4b: {  	_ =	shalt  }
0x4c: {  	_ =	shalt  }
0x4d: {  	_ =	shalt  }
0x4e: {  	_ =	shalt  }
0x4f: {  	_ =	shalt  }
0x50: {  	_ =	shalt  }
0x51: {  	_ =	shalt  }
0x52: {  	_ =	shalt  }
0x53: {  	_ =	shalt  }
0x54: {  	_ =	shalt  }
0x55: {  	_ =	shalt  }
0x56: {  	_ =	shalt  }
0x57: {  	_ =	shalt  }
0x58: {  	_ =	shalt  }
0x59: {  	_ =	shalt  }
0x5a: {  	_ =	shalt  }
0x5b: {  	_ =	shalt  }
0x5c: {  	_ =	shalt  }
0x5d: {  	_ =	shalt  }
0x5e: {  	_ =	shalt  }
0x5f: {  	_ =	shalt  }
0x60: {  	_ =	shalt  }
0x61: {  	_ =	shalt  }
0x62: {  	_ =	shalt  }
0x63: {  	_ =	shalt  }
0x64: {  	_ =	shalt  }
0x65: {  	_ =	shalt  }
0x66: {  	_ =	shalt  }
0x67: {  	_ =	shalt  }
0x68: {  	_ =	shalt  }
0x69: {  	_ =	shalt  }
0x6a: {  	_ =	shalt  }
0x6b: {  	_ =	shalt  }
0x6c: {  	_ =	shalt  }
0x6d: {  	_ =	shalt  }
0x6e: {  	_ =	shalt  }
0x6f: {  	_ =	shalt  }
0x70: {  	_ =	shalt  }
0x71: {  	_ =	shalt  }
0x72: {  	_ =	shalt  }
0x73: {  	_ =	shalt  }
0x74: {  	_ =	shalt  }
0x75: {  	_ =	shalt  }
0x76: {  	_ =	shalt  }
0x77: {  	_ =	shalt  }
0x78: {  	_ =	shalt  }
0x79: {  	_ =	shalt  }
0x7a: {  	_ =	shalt  }
0x7b: {  	_ =	shalt  }
0x7c: {  	_ =	shalt  }
0x7d: {  	_ =	shalt  }
0x7e: {  	_ =	shalt  }
0x7f: {  	_ =	shalt  }
0x80: {  	_ =	shalt  }
0x81: {  	_ =	shalt  }
0x82: {  	_ =	shalt  }
0x83: {  	_ =	shalt  }
0x84: {  	_ =	shalt  }
0x85: {  	_ =	shalt  }
0x86: {  	_ =	shalt  }
0x87: {  	_ =	shalt  }
.Lfunc_end0:
.L_simem_size_0:
called_computation.1_lowered:
.L_overlay_start_0:
0x88: {  	s2 =	sld [smem:$0x3FD9]  }
0x89: {  	s3 =	sld [smem:$0x3FFE];
	_ =	sdelay $0x1  }
0x8a: {  	s1 =	srdreg.scid  }
0x8b: {  	s0 =	sand.u32 $0x1, s1  }
0x8c: {  	s17 =	sshll.u32 s0, $0xA;
	s2 =	sadd.s32 s3, s2  }
0x8d: {  	s2 =	sadd.s32 s2, s17  }
0x8e: {  	[smem:$0x3FA5] =	sst s2  }
0x8f: {  	_ = 	snop  }
0x90: {  	s2 =	sld [smem:$0x3FD0];
	(tm) =	ssettm $0x1  }
0x91: {  	s18 =	sld [smem:$0x3FFB];
	_ =	sdelay $0x3  }
0x92: {  	_ =	strace s18  }
0x93: {  	s3 =	sld [smem:$0x3FFC];
	_ =	sdelay $0x3  }
0x94: {  	_ =	strace s3  }
0x95: {  	s3 =	sld [smem:$0x3FFD];
	_ =	sdelay $0x3  }
0x96: {  	_ =	strace s3  }
0x97: {  	_ =	strace $0x8FFFFFFF  }
0x98: {  	s19 =	sld [smem:$0x3FDB];
	_ =	sdelay $0x1  }
0x99: {  	s4 =	simm.s32 $_scs_section_size  }
0x9a: {  	s5 =	simm.s32 $_size__tile_overlayer_lowered;
	s6 =	simm.s32 $_tile_overlayer_lowered  }
0x9b: {  	s22 =	simm.s32 $0x1BFF;
	s21 =	sshll.u32 s6, $0x1;
	s3 =	sadd.s32 s4, s19  }
0x9c: {  	s7 =	simm.s32 $0x0;
	s20 =	sshll.u32 s5, $0x1;
	s5 =	sadd.s32 s21, s3  }
0x9d: {  	[timem:s7], [sflag:s22] =	dma.local [hbm:s5], s20  }
0x9e: {  	_ =	swait.ge [sflag:s22], s20  }
0x9f: {  	s4 =	ssub.s32 $0x0, s20;
	[sflag:s22] =	ssyncset.done $0x0  }
0xa0: {  	[sflag:s22] =	ssyncadd.s32 s4;
	_ =	sdelay $0x1  }
0xa1: {  	s23 =	simm.s32 $0x1B8B  }
0xa2: {  	_ =	swait.ge [sflag:s23], $0x1  }
0xa3: {  	[sflag:s23] =	ssyncset.done $0x0  }
0xa4: {  	s25 =	simm.s32 $0x1B8E;
	s24 =	sld [smem:$0x3FFE];
	[sflag:s23] =	ssyncadd.s32 $0xFFFFFFFF  }
0xa5: {  	s26 =	simm.s32 $execute0_lowered;
	[smem:$0x3FD2] =	sst s25  }
0xa6: {  	s5 =	sshll.u32 s26, $0x1;
	_ =	strace $0x80000049;
	[dreg:$0x1] =	wrdreg $0xFFFFFFFF  }
0xa7: {  	s28 =	simm.s32 $_size_execute0_lowered;
	s3 =	sadd.s32 s3, s5;
	[dreg:$0x0] =	wrdreg $0x0  }
0xa8: {  	s5 =	sshll.u32 s28, $0x1;
	[dreg:$0x2] =	wrdreg s3  }
0xa9: {  	[dreg:$0x3] =	wrdreg s5  }
0xaa: {  	[dreg:$0x4] =	wrdreg $0xC0  }
0xab: {  	_ =	task [dreg:s7], $0x5FFFF  }
0xac: {  	[dreg:$0x1] =	wrdreg $0xFFFFFFFF  }
0xad: {  	[dreg:$0x0] =	wrdreg $0x60  }
0xae: {  	[dreg:$0x2] =	wrdreg s24  }
0xaf: {  	[dreg:$0x3] =	wrdreg s2  }
0xb0: {  	[dreg:$0x4] =	wrdreg $0x3CA00  }
0xb1: {  	[dreg:$0x5] =	wrdreg $0x9  }
0xb2: {  	_ =	task.clear_ibuf [dreg:s7], $0x6FFFF;
	_ =	strace $0x90000049  }
0xb3: {  	s29 =	simm.s32 $0x9;
	_ =	strace $0x8000004B  }
0xb4: {  	_ =	swait.ge [sflag:s29], $0x1  }
0xb5: {  	[sflag:s29] =	ssyncadd.s32 $0xFFFFFFFF  }
0xb6: {  	_ =	strace $0x9000004B  }
0xb7: {  	_ =	sfence  }
0xb8: {  	s30 =	sld [smem:$0x0];
	_ =	sdelay $0x2  }
0xb9: {  	s31 =	sshll.u32 s1, $0xD;
	s1 =	sshrl.u32 s1, $0x2  }
0xba: {  	s3 =	sand.u32 $0x4000, s31;
	s1 =	sadd.s32 s1, s30  }
0xbb: {  	s0 =	sor.u32 s3, s0;
	s1 =	sshll.u32 s1, $0x11  }
0xbc: {  	s0 =	sor.u32 s1, s0  }
0xbd: {  	s0 =	sadd.s32 $0x8F2B, s0  }
0xbe: {  	[sflag:s0] =	ssyncadd.remote.s32 $0x1  }
0xbf: {  	_ =	sfence.sel $0xFFFF  }
0xc0: {  	[dreg:$0x0] =	wrdreg $0xFFFFFFFF;
	(pc) =	sbr.abs _section_cstart, $3  }
0xc1: {  	[dreg:$0x1] =	wrdreg $0xFFFFFFFF  }
0xc2: {  	_ =	task.clear_ibuf [dreg:s7], $0x2FFFF;
	_ =	strace $0x9FFFFFFF  }
0xc3: {  	(tm) =	ssettm $0x7FFFFFFF  }
tec
execute0_lowered:
.L_overlay_start_1:
0x0: {  	(tag) =	ssettag $0x1  }
0x1: {  	s0 =	rddreg [dreg:$0x0]  }
0x2: {  	s2 =	rddreg [dreg:$0x1]  }
0x3: {  	s3 =	rddreg [dreg:$0x2];
	s10 =	stileid.u32  }
0x4: {  	s1 =	srdreg.scid;
	s4 =	simm.s32 $0x0;
	s5 =	smul.u32 $0x280, s10  }
0x5: {  	s28 =	simm.s32 $0x14A0;
	s29 =	simm.s32 $0x1;
	s7 =	smul.u32 $0x1400, s10  }
0x6: {  	s30 =	simm.s32 $0x2;
	s31 =	simm.s32 $0x6;
	s20 =	smul.u32 $0x28000, s10  }
0x7: {  	s1 =	sand.u32 $0x1, s1;
	[smem:$0x7FF] =	sst s4;
	s24 =	smul.u32 $0x2710, s10  }
0x8: {  	s18 =	sadd.s32 $0x10C00, s0;
	s9 =	sadd.s32 $0x282200, s0;
	s6 =	smul.u32 $0x14000, s1  }
0x9: {  	_ =	strace $0x8000004A;
	s8 =	sshll.u32 s1, $0x4;
	[dreg:$0x4] =	wrdreg s9  }
0xa: {  	s17 =	ssub.s32 $0x2, s1;
	s1 =	smul.u32 $0x27100, s1;
	s8 =	sor.u32 s10, s8  }
0xb: {  	s5 =	sshrl.u32 s5, $0x3;
	s19 =	sshrl.u32 s17, $0x1;
	s16 =	smul.u32 $0x2710, s8  }
0xc: {  	s22 =	sshrl.u32 s20, $0x2;
	s5 =	sadd.s32 s5, s0;
	s8 =	smul.u32 $0x13880, s8  }
0xd: {  	s1 =	sadd.s32 s24, s1;
	s24 =	simm.s32 $0x50;
	s21 =	sadd.s32 $0x281C00, s5  }
0xe: {  	s6 =	sadd.s32 s7, s6;
	s23 =	sadd.s32 $0x281C0A, s5;
	s11 =	sadd.s32 $0x281C14, s5  }
0xf: {  	s0 =	sadd.s32 s6, s0;
	s13 =	sadd.s32 $0x281C1E, s5;
	s14 =	sadd.s32 $0x281C28, s5  }
0x10: {  	s6 =	ssub.s32 s17, s19;
	s15 =	sadd.s32 $0x281C32, s5;
	s17 =	sadd.s32 $0x281C46, s5  }
0x11: {  	s7 =	sshrl.u32 s16, $0x3;
	s8 =	sadd.s32 s18, s8;
	[dreg:$0x8] =	wrdreg s21  }
0x12: {  	s0 =	sadd.s32 $0x282600, s0;
	[dreg:$0x9] =	wrdreg s23;
	s12 =	smax.u32 s6, $0x1  }
0x13: {  	s16 =	sadd.s32 $0x281C3C, s5;
	s23 =	simm.s32 $0x5;
	[dreg:$0x6] =	wrdreg s8  }
0x14: {  	s5 =	simm.s32 $0x0;
	s7 =	sadd.s32 s2, s7;
	[dreg:$0x7] =	wrdreg s0  }
0x15: {  	s0 =	sadd.s32 s22, s3;
	[dreg:$0x5] =	wrdreg s7;
	s7 =	sadd.s32 $0xA0, s1  }
0x16: {  	s22 =	simm.s32 $0x28A0;
	s1 =	sadd.s32 $0x50, s1;
	s25 =	sshll.u32 s7, $0x3  }
0x17: {  	s26 =	sshrl.u32 s1, $0x3;
	s1 =	sshll.u32 s1, $0x3;
	s19 =	sadd.s32 s25, s18  }
0x18: {  	s8 =	sadd.s32 s26, s2;
	s21 =	sadd.s32 s1, s18;
	s25 =	sshrl.u32 s0, $0x3  }
0x19: {  	s26 =	simm.s32 $0x1450;
	s0 =	simm.s32 $0x3;
	s1 =	simm.s32 $0x4  }
.LBB2_1:
0x1a: {  	s6 =	rddreg [dreg:$0x4]  }
0x1b: {  	[tilespmem:s22], [sflag:$0x5] =	stream.linear.gather [hbm4b:s6+s4], $0x1400, $0x38;
	[tilespmem:$0xDCA0] =	vst v63  }
0x1c: {  	_ =	swait.ge [sflag:s23], $0x1400  }
0x1d: {  	[sflag:s23] =	ssyncset.done $0x0  }
0x1e: {  	s10 =	rddreg [dreg:$0x8];
	[sflag:s23] =	ssyncadd.s32 $0xFFFFEC00  }
0x1f: {  	[tilespmem:s4], [sflag:$0x5] =	stream.linear.gather [hbm4b:s10+s4], $0x50, $0x38;
	[tilespmem:$0xDCA0] =	vst v63  }
0x20: {  	_ =	swait.ge [sflag:s23], $0x50  }
0x21: {  	[sflag:s23] =	ssyncset.done $0x0  }
0x22: {  	[sflag:s23] =	ssyncadd.s32 $0xFFFFFFB0  }
0x23: {  	[spmem:s3] =	stream.indirect.scatter [tilespmem:s22], [sflag:$0x5], $0x40, s4, s24, $0xb8;
	[tilespmem:$0xDCA0] =	vst v63  }
0x24: {  	_ =	swait.ge [sflag:s23], $0x1400  }
0x25: {  	[sflag:s23] =	ssyncset.done $0x0  }
0x26: {  	s18 =	rddreg [dreg:$0x9];
	[sflag:s23] =	ssyncadd.s32 $0xFFFFEC00  }
0x27: {  	[tilespmem:s4], [sflag:$0x5] =	stream.linear.gather [hbm4b:s18+s4], $0x50, $0x38;
	[tilespmem:$0xDCA0] =	vst v63  }
0x28: {  	_ =	swait.ge [sflag:s23], $0x50  }
0x29: {  	[sflag:s23] =	ssyncset.done $0x0  }
0x2a: {  	[sflag:s23] =	ssyncadd.s32 $0xFFFFFFB0  }
0x2b: {  	[spmem:s3] =	stream.indirect.scatter [tilespmem:s22], [sflag:$0x5], $0x40, s4, s24, $0xb8;
	[tilespmem:$0xDCA0] =	vst v63  }
0x2c: {  	_ =	swait.ge [sflag:s23], $0x1400  }
0x2d: {  	[sflag:s23] =	ssyncset.done $0x0  }
0x2e: {  	[sflag:s23] =	ssyncadd.s32 $0xFFFFEC00  }
0x2f: {  	[tilespmem:s4], [sflag:$0x5] =	stream.linear.gather [hbm4b:s11+s4], $0x50, $0x38;
	[tilespmem:$0xDCA0] =	vst v63  }
0x30: {  	_ =	swait.ge [sflag:s23], $0x50  }
0x31: {  	[sflag:s23] =	ssyncset.done $0x0  }
0x32: {  	[sflag:s23] =	ssyncadd.s32 $0xFFFFFFB0  }
0x33: {  	[spmem:s3] =	stream.indirect.scatter [tilespmem:s22], [sflag:$0x5], $0x40, s4, s24, $0xb8;
	[tilespmem:$0xDCA0] =	vst v63  }
0x34: {  	_ =	swait.ge [sflag:s23], $0x1400  }
0x35: {  	[sflag:s23] =	ssyncset.done $0x0  }
0x36: {  	[sflag:s23] =	ssyncadd.s32 $0xFFFFEC00  }
0x37: {  	[tilespmem:s4], [sflag:$0x5] =	stream.linear.gather [hbm4b:s13+s4], $0x50, $0x38;
	[tilespmem:$0xDCA0] =	vst v63  }
0x38: {  	_ =	swait.ge [sflag:s23], $0x50  }
0x39: {  	[sflag:s23] =	ssyncset.done $0x0  }
0x3a: {  	[sflag:s23] =	ssyncadd.s32 $0xFFFFFFB0  }
0x3b: {  	[spmem:s3] =	stream.indirect.scatter [tilespmem:s22], [sflag:$0x5], $0x40, s4, s24, $0xb8;
	[tilespmem:$0xDCA0] =	vst v63  }
0x3c: {  	_ =	swait.ge [sflag:s23], $0x1400  }
0x3d: {  	[sflag:s23] =	ssyncset.done $0x0  }
0x3e: {  	[sflag:s23] =	ssyncadd.s32 $0xFFFFEC00  }
0x3f: {  	[tilespmem:s4], [sflag:$0x5] =	stream.linear.gather [hbm4b:s14+s4], $0x50, $0x38;
	[tilespmem:$0xDCA0] =	vst v63  }
0x40: {  	_ =	swait.ge [sflag:s23], $0x50  }
0x41: {  	[sflag:s23] =	ssyncset.done $0x0  }
0x42: {  	[sflag:s23] =	ssyncadd.s32 $0xFFFFFFB0  }
0x43: {  	[spmem:s3] =	stream.indirect.scatter [tilespmem:s22], [sflag:$0x5], $0x40, s4, s24, $0xb8;
	[tilespmem:$0xDCA0] =	vst v63  }
0x44: {  	_ =	swait.ge [sflag:s23], $0x1400  }
0x45: {  	[sflag:s23] =	ssyncset.done $0x0  }
0x46: {  	[sflag:s23] =	ssyncadd.s32 $0xFFFFEC00  }
0x47: {  	[tilespmem:s4], [sflag:$0x5] =	stream.linear.gather [hbm4b:s15+s4], $0x50, $0x38;
	[tilespmem:$0xDCA0] =	vst v63  }
0x48: {  	_ =	swait.ge [sflag:s23], $0x50  }
0x49: {  	[sflag:s23] =	ssyncset.done $0x0  }
0x4a: {  	[sflag:s23] =	ssyncadd.s32 $0xFFFFFFB0  }
0x4b: {  	[spmem:s3] =	stream.indirect.scatter [tilespmem:s22], [sflag:$0x5], $0x40, s4, s24, $0xb8;
	[tilespmem:$0xDCA0] =	vst v63  }
0x4c: {  	_ =	swait.ge [sflag:s23], $0x1400  }
0x4d: {  	[sflag:s23] =	ssyncset.done $0x0  }
0x4e: {  	[sflag:s23] =	ssyncadd.s32 $0xFFFFEC00  }
0x4f: {  	[tilespmem:s4], [sflag:$0x5] =	stream.linear.gather [hbm4b:s16+s4], $0x50, $0x38;
	[tilespmem:$0xDCA0] =	vst v63  }
0x50: {  	_ =	swait.ge [sflag:s23], $0x50  }
0x51: {  	[sflag:s23] =	ssyncset.done $0x0  }
0x52: {  	[sflag:s23] =	ssyncadd.s32 $0xFFFFFFB0  }
0x53: {  	[spmem:s3] =	stream.indirect.scatter [tilespmem:s22], [sflag:$0x5], $0x40, s4, s24, $0xb8;
	[tilespmem:$0xDCA0] =	vst v63  }
0x54: {  	_ =	swait.ge [sflag:s23], $0x1400  }
0x55: {  	[sflag:s23] =	ssyncset.done $0x0  }
0x56: {  	[sflag:s23] =	ssyncadd.s32 $0xFFFFEC00  }
0x57: {  	[tilespmem:s4], [sflag:$0x5] =	stream.linear.gather [hbm4b:s17+s4], $0x50, $0x38;
	[tilespmem:$0xDCA0] =	vst v63  }
0x58: {  	_ =	swait.ge [sflag:s23], $0x50  }
0x59: {  	[sflag:s23] =	ssyncset.done $0x0  }
0x5a: {  	[sflag:s23] =	ssyncadd.s32 $0xFFFFFFB0  }
0x5b: {  	[spmem:s3] =	stream.indirect.scatter [tilespmem:s22], [sflag:$0x5], $0x40, s4, s24, $0xb8;
	[tilespmem:$0xDCA0] =	vst v63  }
0x5c: {  	_ =	swait.ge [sflag:s23], $0x1400  }
0x5d: {  	[sflag:s23] =	ssyncset.done $0x0  }
0x5e: {  	[sflag:s23] =	ssyncadd.s32 $0xFFFFEC00  }
0x5f: {  	[bflag:$0x0] =	sbarrier.arrive $0xFFFF  }
0x60: {  	s20 =	rddreg [dreg:$0x5]  }
0x61: {  	[tilespmem:s4], [sflag:$0x1] =	stream.linear.gather [hbm4b:s20+s4], $0x50, $0x38;
	[tilespmem:$0xDCA0] =	vst v63  }
0x62: {  	s9 =	rddreg [dreg:$0x6]  }
0x63: {  	[tilespmem:s24], [sflag:$0x2] =	stream.linear.gather [hbm4b:s9+s4], $0x1400, $0x38;
	[tilespmem:$0xDCA0] =	vst v63  }
0x64: {  	_ = 	snop  }
0x65: {  	[tilespmem:s26], [sflag:$0x3] =	stream.linear.gather [hbm4b:s8+s4], $0x50, $0x38;
	[tilespmem:$0xDCA0] =	vst v63  }
0x66: {  	s10 =	sadd.s32 $0x0, s21  }
0x67: {  	[tilespmem:s28], [sflag:$0x4] =	stream.linear.gather [hbm4b:s10+s4], $0x1400, $0x38;
	[tilespmem:$0xDCA0] =	vst v63  }
0x68: {  	_ =	swait.ge [sflag:s29], $0x50  }
0x69: {  	[sflag:s29] =	ssyncset.done $0x0  }
0x6a: {  	[sflag:s29] =	ssyncadd.s32 $0xFFFFFFB0  }
0x6b: {  	_ =	swait.ge [sflag:s30], $0x1400  }
0x6c: {  	[sflag:s30] =	ssyncset.done $0x0  }
0x6d: {  	[sflag:s30] =	ssyncadd.s32 $0xFFFFEC00  }
0x6e: {  	[spmem:s3] =	stream.indirect.scatter.add.f32 [tilespmem:s24], [sflag:$0x6], $0x40, s4, s24, $0xb8;
	[tilespmem:$0xDCA0] =	vst v63  }
0x6f: {  	_ =	swait.ge [sflag:s31], $0x1400  }
0x70: {  	s18 =	sshrl.u32 s7, $0x3;
	[sflag:s31] =	ssyncset.done $0x0  }
0x71: {  	s6 =	sadd.s32 s2, s18;
	[sflag:s31] =	ssyncadd.s32 $0xFFFFEC00  }
0x72: {  	[tilespmem:s4], [sflag:$0x1] =	stream.linear.gather [hbm4b:s6+s4], $0x50, $0x38;
	[tilespmem:$0xDCA0] =	vst v63  }
0x73: {  	s20 =	sadd.s32 $0x0, s19  }
0x74: {  	[tilespmem:s24], [sflag:$0x2] =	stream.linear.gather [hbm4b:s20+s4], $0x1400, $0x38;
	[tilespmem:$0xDCA0] =	vst v63  }
0x75: {  	_ =	swait.ge [sflag:s0], $0x50  }
0x76: {  	[sflag:s0] =	ssyncset.done $0x0  }
0x77: {  	[sflag:s0] =	ssyncadd.s32 $0xFFFFFFB0  }
0x78: {  	_ =	swait.ge [sflag:s1], $0x1400  }
0x79: {  	[sflag:s1] =	ssyncset.done $0x0  }
0x7a: {  	[sflag:s1] =	ssyncadd.s32 $0xFFFFEC00  }
0x7b: {  	[spmem:s3] =	stream.indirect.scatter.add.f32 [tilespmem:s28], [sflag:$0x5], $0x40, s26, s24, $0xb8;
	[tilespmem:$0xDCA0] =	vst v63  }
0x7c: {  	s18 =	smov.u32 s7;
	_ =	swait.ge [sflag:s23], $0x1400  }
0x7d: {  	s6 =	simm.s32 $0x500;
	s20 =	smov.u32 s8;
	[sflag:s23] =	ssyncset.done $0x0  }
.LBB2_2:
0x7e: {  	[sflag:s23] =	ssyncadd.s32 $0xFFFFEC00  }
0x7f: {  	s18 =	sadd.s32 $0xA0, s18;
	s20 =	sadd.s32 $0x14, s20;
	s9 =	smov.u32 s6  }
0x80: {  	[tilespmem:s26], [sflag:$0x3] =	stream.linear.gather [hbm4b:s20+s4], $0x50, $0x38;
	[tilespmem:$0xDCA0] =	vst v63  }
0x81: {  	p0 =	sne.s32 s6, $0x13100;
	s6 =	sadd.s32 $0x500, s6;
	s10 =	sadd.s32 s9, s21  }
0x82: {  	[tilespmem:s28], [sflag:$0x4] =	stream.linear.gather [hbm4b:s10+s4], $0x1400, $0x38;
	[tilespmem:$0xDCA0] =	vst v63  }
0x83: {  	_ =	swait.ge [sflag:s29], $0x50  }
0x84: {  	[sflag:s29] =	ssyncset.done $0x0  }
0x85: {  	[sflag:s29] =	ssyncadd.s32 $0xFFFFFFB0  }
0x86: {  	_ =	swait.ge [sflag:s30], $0x1400  }
0x87: {  	[sflag:s30] =	ssyncset.done $0x0  }
0x88: {  	[sflag:s30] =	ssyncadd.s32 $0xFFFFEC00  }
0x89: {  	[spmem:s3] =	stream.indirect.scatter.add.f32 [tilespmem:s24], [sflag:$0x6], $0x40, s4, s24, $0xb8;
	[tilespmem:$0xDCA0] =	vst v63  }
0x8a: {  	_ =	swait.ge [sflag:s31], $0x1400  }
0x8b: {  	s10 =	sshrl.u32 s18, $0x3;
	[sflag:s31] =	ssyncset.done $0x0  }
0x8c: {  	s10 =	sadd.s32 s2, s10;
	[sflag:s31] =	ssyncadd.s32 $0xFFFFEC00  }
0x8d: {  	[tilespmem:s4], [sflag:$0x1] =	stream.linear.gather [hbm4b:s10+s4], $0x50, $0x38;
	[tilespmem:$0xDCA0] =	vst v63  }
0x8e: {  	s9 =	sadd.s32 s9, s19  }
0x8f: {  	[tilespmem:s24], [sflag:$0x2] =	stream.linear.gather [hbm4b:s9+s4], $0x1400, $0x38;
	[tilespmem:$0xDCA0] =	vst v63  }
0x90: {  	_ =	swait.ge [sflag:s0], $0x50  }
0x91: {  	[sflag:s0] =	ssyncset.done $0x0  }
0x92: {  	[sflag:s0] =	ssyncadd.s32 $0xFFFFFFB0  }
0x93: {  	_ =	swait.ge [sflag:s1], $0x1400  }
.Ltmp0:
0x94: {  	[sflag:s1] =	ssyncset.done $0x0;
	(pc) =	sbr.rel @p0 .LBB2_2-.Ltmp0, $4  }
0x95: {  	[sflag:s1] =	ssyncadd.s32 $0xFFFFEC00  }
0x96: {  	[spmem:s3] =	stream.indirect.scatter.add.f32 [tilespmem:s28], [sflag:$0x5], $0x40, s26, s24, $0xb8;
	[tilespmem:$0xDCA0] =	vst v63  }
0x97: {  	_ =	swait.ge [sflag:s23], $0x1400  }
0x98: {  	[sflag:s23] =	ssyncset.done $0x0  }
0x99: {  	[sflag:s23] =	ssyncadd.s32 $0xFFFFEC00  }
0x9a: {  	_ =	swait.ge [sflag:s29], $0x50  }
0x9b: {  	[sflag:s29] =	ssyncset.done $0x0  }
0x9c: {  	[sflag:s29] =	ssyncadd.s32 $0xFFFFFFB0  }
0x9d: {  	_ =	swait.ge [sflag:s30], $0x1400  }
0x9e: {  	[sflag:s30] =	ssyncset.done $0x0  }
0x9f: {  	[sflag:s30] =	ssyncadd.s32 $0xFFFFEC00  }
0xa0: {  	[spmem:s3] =	stream.indirect.scatter.add.f32 [tilespmem:s24], [sflag:$0x6], $0x40, s4, s24, $0xb8;
	[tilespmem:$0xDCA0] =	vst v63  }
0xa1: {  	_ =	swait.ge [sflag:s31], $0x1400  }
0xa2: {  	[sflag:s31] =	ssyncset.done $0x0  }
0xa3: {  	s6 =	stileid.u32;
	s5 =	sadd.s32 $0x1, s5;
	[sflag:s31] =	ssyncadd.s32 $0xFFFFEC00  }
0xa4: {  	s6 =	sshll.u32 s6, $0x6;
	p0 =	sne.s32 s5, s12;
	[bflag:$0x0] =	sbarrier.arrive $0xFFFF  }
.Ltmp1:
0xa5: {  	s6 =	sor.u32 $0x1C05, s6;
	s9 =	rddreg [dreg:$0x7];
	(pc) =	sbr.rel @p0 .LBB2_1-.Ltmp1, $4  }
0xa6: {  	[hbm:s9], [sflag:s6] =	dma.local [spmem:s25], $0x1400  }
0xa7: {  	_ =	swait.ge [sflag:s23], $0x1400  }
0xa8: {  	[sflag:s23] =	ssyncset.done $0x0  }
0xa9: {  	[sflag:s23] =	ssyncadd.s32 $0xFFFFEC00  }
0xaa: {  	_ =	sfence.sel $0x180000  }
0xab: {  	[bflag:$0x0] =	sbarrier.arrive $0xFFFF  }
0xac: {  	_ =	strace $0x9000004A  }
0xad: {  	s0 =	stileid.u32;
	[bflag:$0x2] =	sbarrier.arrive $0xFFFF  }
0xae: {  	p0 =	sne.s32 s0, $0x0;
	s0 =	rddreg [dreg:$0x3]  }
0xaf: {  	s0 =	sadd.s32 @!p0 $0x100000, s0  }
0xb0: {  	[sflag:s0] =	ssyncadd.tile.s32 @!p0 $0x1;
	_ =	shalt  }
.Lfunc_end2:
_tile_overlayer_lowered:
.L_overlay_start_2:
0xb1: {  	(tag) =	ssettag $0x2  }
0xb2: {  	s0 =	rddreg [dreg:$0x0];
	s2 =	stileid.u32  }
0xb3: {  	s1 =	rddreg [dreg:$0x1];
	p0 =	sne.s32 s2, $0x0  }
0xb4: {  	s3 =	rddreg [dreg:$0x2];
	[bflag:$0x3] =	sbarrier.arrive $0xFFFF;
	s2 =	simm.s32 @!p0 $0x1C05  }
0xb5: {  	[timem:s3], [sflag:s2] =	dma.local @!p0 [hbm:s0], s1  }
0xb6: {  	s0 =	simm.s32 @!p0 $0x5  }
0xb7: {  	_ =	swait.ge @!p0 [sflag:s0], s1  }
0xb8: {  	s1 =	ssub.s32 @!p0 $0x0, s1;
	[sflag:s0] =	ssyncset.done @!p0 $0x0  }
0xb9: {  	[sflag:s0] =	ssyncadd.s32 @!p0 s1  }
0xba: {  	[bflag:$0x3] =	sbarrier.arrive $0xFFFF  }
0xbb: {  	_ =	shalt  }

// kernel: kernel.16.cloned.1.call-start
scs
__scs_entry_jumppad:
0x0: {  	(pc) =	sbr.rel $0x88, $3  }
0x1: {  	(tag) =	ssettag $0x0;
	lr =	simm.s32 $0x1  }
0x2: {  	[smem:$0x3F7E] =	sst lr;
	_ =	strace $0xD0000000  }
0x3: {  	_ = 	snop  }
0x4: {  	_ = 	snop  }
0x5: {  	_ = 	snop  }
0x6: {  	_ = 	snop  }
0x7: {  	_ = 	snop  }
__scs_overlays_trampoline_lowered:
0x8: {  	[smem:$0x3F8D] =	sst s0  }
0x9: {  	[smem:$0x3F8E] =	sst s1  }
0xa: {  	[smem:$0x3F8F] =	sst s2  }
0xb: {  	[smem:$0x3F90] =	sst s3  }
0xc: {  	[smem:$0x3F91] =	sst s4  }
0xd: {  	[smem:$0x3F92] =	sst s5  }
0xe: {  	[smem:$0x3F93] =	sst s6  }
0xf: {  	[smem:$0x3F94] =	sst s7  }
0x10: {  	[smem:$0x3F95] =	sst s8  }
0x11: {  	[smem:$0x3F96] =	sst s9;
	s0 =	simm.s32 @!p0 $0x0  }
0x12: {  	s1 =	sld [smem:$0x3F7C];
	s0 =	simm.s32 @p0 $0x1  }
0x13: {  	[smem:$0x3F97] =	sst s0;
	s0 =	simm.s32 @!p1 $0x0  }
0x14: {  	s2 =	sld [smem:$0x3F7B];
	s0 =	simm.s32 @p1 $0x1  }
0x15: {  	[smem:$0x3F98] =	sst s0;
	s0 =	simm.s32 @!p2 $0x0  }
0x16: {  	s3 =	sld [smem:$0x3FDB];
	s0 =	simm.s32 @p2 $0x1  }
0x17: {  	s4 =	simm.s32 $0x1BF5;
	[smem:$0x3F9A] =	sst s0  }
0x18: {  	s0 =	sld [smem:$0x3F7D];
	_ =	swait.ge [sflag:s4], $0x0  }
0x19: {  	s7 =	sld [smem:$0x3F7E]  }
0x1a: {  	s8 =	sadd.s32 $0xFFFFE003, lr  }
0x1b: {  	s9 =	sadd.s32 $0xFFFFFEF7, lr;
	s5 =	simm.s32 $0xFFFFFFFF;
	p2 =	slt.u32 s8, $0xFFFFF086  }
0x1c: {  	p1 =	slt.u32 s9, $0xF7A;
	s5 =	simm.s32 @!p2 $0x0  }
0x1d: {  	s5 =	simm.s32 @p1 $0x1;
	p0 =	seq.s32 s7, s2  }
0x1e: {  	s7 =	smul.u32 @!p0 $0xF7A, s2;
	p2 =	seq.s32 @!p0 s5, $0x0  }
0x1f: {  	s9 =	smul.u32 $0xF7A, s1;
	s8 =	simm.s32 @!p0 $0x1BF5;
	p2 =	por !p2, p0  }
0x20: {  	[sflag:s8] =	ssyncset.s32 @!p0 $0xFFFFF086;
	s6 =	sadd.s32 @!p0 s3, s7;
	s7 =	simm.s32 @!p0 $0x108  }
0x21: {  	s3 =	sadd.s32 s3, s9;
	s6 =	sadd.s32 @!p0 $0x88, s6;
	s7 =	simm.s32 @p2 $0x1082  }
0x22: {  	[simem:s7], [sflag:s8] =	dma.local @!p0 [hbm:s6], $0xF7A  }
0x23: {  	s9 =	sor.u32 $0xD0000000, s2;
	s6 =	simm.s32 $0x108;
	_ =	swait.ge @!p0 [sflag:s8], $0x0  }
0x24: {  	s3 =	sadd.s32 $0x88, s3;
	s6 =	simm.s32 @!p1 $0x1082;
	[sflag:s4] =	ssyncset.s32 $0xFFFFF086  }
0x25: {  	[simem:s6], [sflag:s4] =	dma.local [hbm:s3], $0xF7A  }
0x26: {  	[smem:$0x3F7E] =	sst s1;
	(tag) =	ssettag s2;
	_ =	strace s9  }
0x27: {  	s1 =	sld [smem:$0x3F8E]  }
0x28: {  	s2 =	sld [smem:$0x3F8F]  }
0x29: {  	s4 =	sld [smem:$0x3F91]  }
0x2a: {  	p0 =	seq.s32 s5, $0x0;
	s5 =	sld [smem:$0x3F92]  }
0x2b: {  	s6 =	sld [smem:$0x3F93]  }
0x2c: {  	s7 =	sld [smem:$0x3F94]  }
0x2d: {  	s3 =	simm.s32 $0x108;
	s8 =	sld [smem:$0x3F95]  }
0x2e: {  	s3 =	simm.s32 @!p0 $0x1082;
	s9 =	sld [smem:$0x3F96]  }
0x2f: {  	lr =	sadd.s32 s0, s3;
	s0 =	sld [smem:$0x3F8D]  }
0x30: {  	s3 =	sld [smem:$0x3F90]  }
0x31: {  	[smem:$0x3F99] =	sst s10  }
0x32: {  	s10 =	sld [smem:$0x3F97];
	_ =	sdelay $0x3  }
0x33: {  	p0 =	seq.s32 s10, $0x1;
	s10 =	sld [smem:$0x3F99];
	_ =	sdelay $0x3  }
0x34: {  	[smem:$0x3F99] =	sst s10  }
0x35: {  	s10 =	sld [smem:$0x3F98];
	_ =	sdelay $0x3  }
0x36: {  	p1 =	seq.s32 s10, $0x1;
	s10 =	sld [smem:$0x3F99];
	_ =	sdelay $0x3  }
0x37: {  	[smem:$0x3F99] =	sst s10  }
0x38: {  	s10 =	sld [smem:$0x3F9A]  }
0x39: {  	_ = 	snop;
	(pc) =	sbr.ind lr, $3  }
0x3a: {  	_ = 	snop  }
0x3b: {  	_ = 	snop  }
0x3c: {  	p2 =	seq.s32 s10, $0x1;
	s10 =	sld [smem:$0x3F99]  }
0x3d: {  	_ =	shalt  }
0x3e: {  	_ =	shalt  }
0x3f: {  	_ =	shalt  }
0x40: {  	_ =	shalt  }
0x41: {  	_ =	shalt  }
0x42: {  	_ =	shalt  }
0x43: {  	_ =	shalt  }
0x44: {  	_ =	shalt  }
0x45: {  	_ =	shalt  }
0x46: {  	_ =	shalt  }
0x47: {  	_ =	shalt  }
0x48: {  	_ =	shalt  }
0x49: {  	_ =	shalt  }
0x4a: {  	_ =	shalt  }
0x4b: {  	_ =	shalt  }
0x4c: {  	_ =	shalt  }
0x4d: {  	_ =	shalt  }
0x4e: {  	_ =	shalt  }
0x4f: {  	_ =	shalt  }
0x50: {  	_ =	shalt  }
0x51: {  	_ =	shalt  }
0x52: {  	_ =	shalt  }
0x53: {  	_ =	shalt  }
0x54: {  	_ =	shalt  }
0x55: {  	_ =	shalt  }
0x56: {  	_ =	shalt  }
0x57: {  	_ =	shalt  }
0x58: {  	_ =	shalt  }
0x59: {  	_ =	shalt  }
0x5a: {  	_ =	shalt  }
0x5b: {  	_ =	shalt  }
0x5c: {  	_ =	shalt  }
0x5d: {  	_ =	shalt  }
0x5e: {  	_ =	shalt  }
0x5f: {  	_ =	shalt  }
0x60: {  	_ =	shalt  }
0x61: {  	_ =	shalt  }
0x62: {  	_ =	shalt  }
0x63: {  	_ =	shalt  }
0x64: {  	_ =	shalt  }
0x65: {  	_ =	shalt  }
0x66: {  	_ =	shalt  }
0x67: {  	_ =	shalt  }
0x68: {  	_ =	shalt  }
0x69: {  	_ =	shalt  }
0x6a: {  	_ =	shalt  }
0x6b: {  	_ =	shalt  }
0x6c: {  	_ =	shalt  }
0x6d: {  	_ =	shalt  }
0x6e: {  	_ =	shalt  }
0x6f: {  	_ =	shalt  }
0x70: {  	_ =	shalt  }
0x71: {  	_ =	shalt  }
0x72: {  	_ =	shalt  }
0x73: {  	_ =	shalt  }
0x74: {  	_ =	shalt  }
0x75: {  	_ =	shalt  }
0x76: {  	_ =	shalt  }
0x77: {  	_ =	shalt  }
0x78: {  	_ =	shalt  }
0x79: {  	_ =	shalt  }
0x7a: {  	_ =	shalt  }
0x7b: {  	_ =	shalt  }
0x7c: {  	_ =	shalt  }
0x7d: {  	_ =	shalt  }
0x7e: {  	_ =	shalt  }
0x7f: {  	_ =	shalt  }
0x80: {  	_ =	shalt  }
0x81: {  	_ =	shalt  }
0x82: {  	_ =	shalt  }
0x83: {  	_ =	shalt  }
0x84: {  	_ =	shalt  }
0x85: {  	_ =	shalt  }
0x86: {  	_ =	shalt  }
0x87: {  	_ =	shalt  }
.Lfunc_end0:
.L_simem_size_0:
called_computation.2_lowered:
.L_overlay_start_0:
0x88: {  	s2 =	sld [smem:$0x3FD9]  }
0x89: {  	s3 =	sld [smem:$0x3FFE];
	_ =	sdelay $0x1  }
0x8a: {  	s1 =	srdreg.scid  }
0x8b: {  	s0 =	sand.u32 $0x1, s1  }
0x8c: {  	s17 =	sshll.u32 s0, $0xA;
	s2 =	sadd.s32 s3, s2  }
0x8d: {  	s2 =	sadd.s32 s2, s17  }
0x8e: {  	[smem:$0x3FA5] =	sst s2  }
0x8f: {  	_ = 	snop  }
0x90: {  	s2 =	sld [smem:$0x3FD0];
	(tm) =	ssettm $0x1  }
0x91: {  	s18 =	sld [smem:$0x3FFB];
	_ =	sdelay $0x3  }
0x92: {  	_ =	strace s18  }
0x93: {  	s3 =	sld [smem:$0x3FFC];
	_ =	sdelay $0x3  }
0x94: {  	_ =	strace s3  }
0x95: {  	s3 =	sld [smem:$0x3FFD];
	_ =	sdelay $0x3  }
0x96: {  	_ =	strace s3  }
0x97: {  	_ =	strace $0x8FFFFFFF  }
0x98: {  	s19 =	sld [smem:$0x3FDB];
	_ =	sdelay $0x1  }
0x99: {  	s4 =	simm.s32 $_scs_section_size  }
0x9a: {  	s5 =	simm.s32 $_size__tile_overlayer_lowered;
	s6 =	simm.s32 $_tile_overlayer_lowered  }
0x9b: {  	s22 =	simm.s32 $0x1BFF;
	s21 =	sshll.u32 s6, $0x1;
	s3 =	sadd.s32 s4, s19  }
0x9c: {  	s7 =	simm.s32 $0x0;
	s20 =	sshll.u32 s5, $0x1;
	s5 =	sadd.s32 s21, s3  }
0x9d: {  	[timem:s7], [sflag:s22] =	dma.local [hbm:s5], s20  }
0x9e: {  	_ =	swait.ge [sflag:s22], s20  }
0x9f: {  	s4 =	ssub.s32 $0x0, s20;
	[sflag:s22] =	ssyncset.done $0x0  }
0xa0: {  	[sflag:s22] =	ssyncadd.s32 s4;
	_ =	sdelay $0x1  }
0xa1: {  	s23 =	simm.s32 $0x1B8B  }
0xa2: {  	_ =	swait.ge [sflag:s23], $0x1  }
0xa3: {  	[sflag:s23] =	ssyncset.done $0x0  }
0xa4: {  	s25 =	simm.s32 $0x1B8E;
	s24 =	sld [smem:$0x3FFE];
	[sflag:s23] =	ssyncadd.s32 $0xFFFFFFFF  }
0xa5: {  	s26 =	simm.s32 $execute0_lowered;
	[smem:$0x3FD2] =	sst s25  }
0xa6: {  	s5 =	sshll.u32 s26, $0x1;
	_ =	strace $0x8000004C;
	[dreg:$0x1] =	wrdreg $0xFFFFFFFF  }
0xa7: {  	s28 =	simm.s32 $_size_execute0_lowered;
	s3 =	sadd.s32 s3, s5;
	[dreg:$0x0] =	wrdreg $0x0  }
0xa8: {  	s5 =	sshll.u32 s28, $0x1;
	[dreg:$0x2] =	wrdreg s3  }
0xa9: {  	[dreg:$0x3] =	wrdreg s5  }
0xaa: {  	[dreg:$0x4] =	wrdreg $0xC0  }
0xab: {  	_ =	task [dreg:s7], $0x5FFFF  }
0xac: {  	[dreg:$0x1] =	wrdreg $0xFFFFFFFF  }
0xad: {  	[dreg:$0x0] =	wrdreg $0x60  }
0xae: {  	[dreg:$0x2] =	wrdreg s24  }
0xaf: {  	[dreg:$0x3] =	wrdreg s2  }
0xb0: {  	[dreg:$0x4] =	wrdreg $0x9  }
0xb1: {  	_ =	task.clear_ibuf [dreg:s7], $0x5FFFF;
	_ =	strace $0x9000004C  }
0xb2: {  	s29 =	simm.s32 $0x9;
	_ =	strace $0x8000004E  }
0xb3: {  	_ =	swait.ge [sflag:s29], $0x1  }
0xb4: {  	[sflag:s29] =	ssyncadd.s32 $0xFFFFFFFF  }
0xb5: {  	_ =	strace $0x9000004E  }
0xb6: {  	_ =	sfence  }
0xb7: {  	s30 =	sld [smem:$0x0];
	_ =	sdelay $0x2  }
0xb8: {  	s31 =	sshll.u32 s1, $0xD;
	s1 =	sshrl.u32 s1, $0x2  }
0xb9: {  	s3 =	sand.u32 $0x4000, s31;
	s1 =	sadd.s32 s1, s30  }
0xba: {  	s0 =	sor.u32 s3, s0;
	s1 =	sshll.u32 s1, $0x11  }
0xbb: {  	s0 =	sor.u32 s1, s0  }
0xbc: {  	s0 =	sadd.s32 $0x8F2B, s0  }
0xbd: {  	[sflag:s0] =	ssyncadd.remote.s32 $0x1  }
0xbe: {  	_ =	sfence.sel $0xFFFF  }
0xbf: {  	[dreg:$0x0] =	wrdreg $0xFFFFFFFF;
	(pc) =	sbr.abs _section_cstart, $3  }
0xc0: {  	[dreg:$0x1] =	wrdreg $0xFFFFFFFF  }
0xc1: {  	_ =	task.clear_ibuf [dreg:s7], $0x2FFFF;
	_ =	strace $0x9FFFFFFF  }
0xc2: {  	(tm) =	ssettm $0x7FFFFFFF  }
0xc3: {  	_ =	shalt  }
tec
execute0_lowered:
.L_overlay_start_1:
0x0: {  	(tag) =	ssettag $0x1  }
0x1: {  	s0 =	rddreg [dreg:$0x0]  }
0x2: {  	s1 =	rddreg [dreg:$0x1]  }
0x3: {  	s2 =	srdreg.scid;
	s3 =	simm.s32 $0x0;
	s10 =	stileid.u32  }
0x4: {  	s14 =	simm.s32 $0x5;
	s17 =	simm.s32 $0x100;
	s18 =	simm.s32 $0x2900  }
0x5: {  	s19 =	simm.s32 $0x1;
	s20 =	simm.s32 $0x2;
	s21 =	simm.s32 $0x6  }
0x6: {  	s22 =	simm.s32 $0x0;
	s2 =	sand.u32 $0x1, s2;
	s9 =	smul.u32 $0x2710, s10  }
0x7: {  	[smem:$0x7FF] =	sst s3;
	s4 =	sshll.u32 s2, $0x4;
	s6 =	smul.u32 $0x271000, s2  }
0x8: {  	_ =	strace $0x8000004D;
	s8 =	ssub.s32 $0x2, s2;
	s2 =	smul.u32 $0x27100, s2  }
0x9: {  	s5 =	sor.u32 s10, s4;
	s4 =	sadd.s32 $0x37E00, s0;
	s10 =	smul.u32 $0x27100, s10  }
0xa: {  	s28 =	sshrl.u32 s8, $0x1;
	s7 =	smul.u32 $0x2710, s5;
	s5 =	sadd.s32 $0x6E00, s0  }
0xb: {  	s0 =	sadd.s32 s6, s0;
	s6 =	ssub.s32 s8, s28;
	s2 =	sadd.s32 s9, s2  }
0xc: {  	s6 =	smax.u32 s6, $0x1;
	s0 =	sadd.s32 s10, s0;
	s30 =	sadd.s32 $0x50, s2  }
0xd: {  	s9 =	sadd.s32 $0xA0, s2;
	s7 =	sshrl.u32 s7, $0x3;
	[dreg:$0x5] =	wrdreg s6  }
0xe: {  	s10 =	sadd.s32 $0x282600, s0;
	s31 =	sshrl.u32 s30, $0x3;
	s29 =	sadd.s32 s5, s7  }
0xf: {  	s11 =	sadd.s32 $0x764600, s0;
	s7 =	sadd.s32 s1, s7;
	[dreg:$0x3] =	wrdreg s29  }
0x10: {  	s12 =	sadd.s32 s31, s1;
	s13 =	sadd.s32 s31, s5;
	[dreg:$0x4] =	wrdreg s7  }
.LBB2_1:
0x11: {  	s0 =	rddreg [dreg:$0x3]  }
0x12: {  	[tilespmem:s3], [sflag:$0x5] =	stream.linear.gather [hbm4b:s0+s3], $0x50, $0x38;
	[tilespmem:$0xA200] =	vst v63  }
0x13: {  	_ =	swait.ge [sflag:s14], $0x50  }
0x14: {  	[sflag:s14] =	ssyncset.done $0x0  }
0x15: {  	s2 =	simm.s32 $0x80;
	s25 =	rddreg [dreg:$0x4];
	[sflag:s14] =	ssyncadd.s32 $0xFFFFFFB0  }
0x16: {  	[tilespmem:s2], [sflag:$0x5] =	stream.linear.gather [hbm4b:s25+s3], $0x50, $0x38;
	[tilespmem:$0xA200] =	vst v63  }
0x17: {  	_ =	swait.ge [sflag:s14], $0x50  }
0x18: {  	[sflag:s14] =	ssyncset.done $0x0  }
0x19: {  	s26 =	simm.s32 $0x50;
	[sflag:s14] =	ssyncadd.s32 $0xFFFFFFB0  }
0x1a: {  	[tilespmem:s17], [sflag:$0x1] =	stream.indirect.gather [hbm4b:s4+s26], $0x80, s3, s26, $0xb8;
	[tilespmem:$0xA200] =	vst v63  }
0x1b: {  	p0 =	por $0x0, $0x0  }
0x1c: {  	[tilespmem:s18], [sflag:$0x2] =	stream.indirect.gather [hbm4b:s4+s26], $0x80, s2, s26, $0xb8;
	[tilespmem:$0xA200] =	vst v63  }
0x1d: {  	s0 =	simm.s32 @!p0 $0x0;
	s6 =	simm.s32 @!p0 $0x5100;
	s2 =	simm.s32 @!p0 $0x6  }
0x1e: {  	[tilespmem:s6], [sflag:$0x6] =	stream.linear.gather @!p0 [hbm4b:s13+s0], $0x50, $0x38;
	[tilespmem:$0xA200] =	vst v63  }
0x1f: {  	_ =	swait.ge @!p0 [sflag:s2], $0x50;
	p0 =	por p0, p0  }
0x20: {  	[sflag:s2] =	ssyncset.done @!p0 $0x0  }
0x21: {  	s23 =	simm.s32 @!p0 $0x5180;
	[sflag:s2] =	ssyncadd.s32 @!p0 $0xFFFFFFB0  }
0x22: {  	[tilespmem:s23], [sflag:$0x6] =	stream.linear.gather @!p0 [hbm4b:s12+s0], $0x50, $0x38;
	[tilespmem:$0xA200] =	vst v63  }
0x23: {  	_ =	swait.ge @!p0 [sflag:s2], $0x50  }
0x24: {  	[sflag:s2] =	ssyncset.done @!p0 $0x0  }
0x25: {  	s24 =	simm.s32 @!p0 $0x50;
	s25 =	simm.s32 @!p0 $0x5200;
	[sflag:s2] =	ssyncadd.s32 @!p0 $0xFFFFFFB0  }
0x26: {  	[tilespmem:s25], [sflag:$0x3] =	stream.indirect.gather @!p0 [hbm4b:s4+s24], $0x80, s6, s24, $0xb8;
	[tilespmem:$0xA200] =	vst v63  }
0x27: {  	s6 =	simm.s32 @!p0 $0x7A00  }
0x28: {  	[tilespmem:s6], [sflag:$0x4] =	stream.indirect.gather @!p0 [hbm4b:s4+s24], $0x80, s23, s24, $0xb8;
	[tilespmem:$0xA200] =	vst v63  }
0x29: {  	_ =	swait.ge [sflag:s19], $0x2800  }
0x2a: {  	[sflag:s19] =	ssyncset.done $0x0  }
0x2b: {  	[sflag:s19] =	ssyncadd.s32 $0xFFFFD800  }
0x2c: {  	_ =	swait.ge [sflag:s20], $0x2800  }
0x2d: {  	[sflag:s20] =	ssyncset.done $0x0  }
0x2e: {  	s30 =	sadd.s32 $0x0, s10;
	[sflag:s20] =	ssyncadd.s32 $0xFFFFD800  }
0x2f: {  	[hbm4b:s30+s3] =	stream.linear.scatter [tilespmem:s17], [sflag:$0x6], $0x2800, $0x38;
	[tilespmem:$0xA200] =	vst v63  }
0x30: {  	_ =	swait.ge [sflag:s21], $0x2800  }
0x31: {  	[sflag:s21] =	ssyncset.done $0x0  }
0x32: {  	s31 =	sadd.s32 $0x0, s11;
	[sflag:s21] =	ssyncadd.s32 $0xFFFFD800  }
0x33: {  	[hbm4b:s31+s3] =	stream.linear.scatter [tilespmem:s18], [sflag:$0x6], $0x2800, $0x38;
	[tilespmem:$0xA200] =	vst v63  }
0x34: {  	p1 =	por $0x0, $0x0;
	_ =	swait.ge [sflag:s21], $0x2800  }
0x35: {  	s28 =	simm.s32 @!p1 $0x0;
	s23 =	sshrl.u32 @!p1 s9, $0x3;
	[sflag:s21] =	ssyncset.done $0x0  }
0x36: {  	s24 =	simm.s32 @!p1 $0x6;
	s26 =	sadd.s32 @!p1 s5, s23;
	[sflag:s21] =	ssyncadd.s32 $0xFFFFD800  }
0x37: {  	[tilespmem:s28], [sflag:$0x6] =	stream.linear.gather @!p1 [hbm4b:s26+s28], $0x50, $0x38;
	[tilespmem:$0xA200] =	vst v63  }
0x38: {  	_ =	swait.ge @!p1 [sflag:s24], $0x50  }
0x39: {  	[sflag:s24] =	ssyncset.done @!p1 $0x0  }
0x3a: {  	s23 =	sadd.s32 @!p1 s1, s23;
	s26 =	simm.s32 @!p1 $0x80;
	[sflag:s24] =	ssyncadd.s32 @!p1 $0xFFFFFFB0  }
0x3b: {  	[tilespmem:s26], [sflag:$0x6] =	stream.linear.gather @!p1 [hbm4b:s23+s28], $0x50, $0x38;
	[tilespmem:$0xA200] =	vst v63  }
0x3c: {  	_ =	swait.ge @!p1 [sflag:s24], $0x50  }
0x3d: {  	[sflag:s24] =	ssyncset.done @!p1 $0x0  }
0x3e: {  	s23 =	simm.s32 @!p1 $0x50;
	[sflag:s24] =	ssyncadd.s32 @!p1 $0xFFFFFFB0;
	s24 =	simm.s32 @!p1 $0x100  }
0x3f: {  	[tilespmem:s24], [sflag:$0x1] =	stream.indirect.gather @!p1 [hbm4b:s4+s23], $0x80, s28, s23, $0xb8;
	[tilespmem:$0xA200] =	vst v63  }
0x40: {  	s24 =	simm.s32 @!p1 $0x2900  }
0x41: {  	[tilespmem:s24], [sflag:$0x2] =	stream.indirect.gather @!p1 [hbm4b:s4+s23], $0x80, s26, s23, $0xb8;
	[tilespmem:$0xA200] =	vst v63  }
0x42: {  	s23 =	simm.s32 @!p0 $0x3  }
0x43: {  	_ =	swait.ge @!p0 [sflag:s23], $0x2800  }
0x44: {  	[sflag:s23] =	ssyncset.done @!p0 $0x0  }
0x45: {  	[sflag:s23] =	ssyncadd.s32 @!p0 $0xFFFFD800;
	s23 =	simm.s32 @!p0 $0x4  }
0x46: {  	_ =	swait.ge @!p0 [sflag:s23], $0x2800  }
0x47: {  	s24 =	sadd.s32 @!p0 $0x0, s10;
	[sflag:s23] =	ssyncset.done @!p0 $0x0  }
0x48: {  	[sflag:s23] =	ssyncadd.s32 @!p0 $0xFFFFD800;
	s23 =	sadd.s32 @!p0 $0x500, s24  }
0x49: {  	[hbm4b:s23+s0] =	stream.linear.scatter @!p0 [tilespmem:s25], [sflag:$0x6], $0x2800, $0x38;
	[tilespmem:$0xA200] =	vst v63  }
0x4a: {  	s29 =	simm.s32 $0x3;
	_ =	swait.ge @!p0 [sflag:s2], $0x2800  }
0x4b: {  	p2 =	por $0x0, $0x0;
	s24 =	sadd.s32 @!p0 $0x0, s11;
	[sflag:s2] =	ssyncset.done @!p0 $0x0  }
0x4c: {  	s28 =	simm.s32 $0x1400;
	[sflag:s2] =	ssyncadd.s32 @!p0 $0xFFFFD800;
	s2 =	sadd.s32 @!p0 $0x500, s24  }
0x4d: {  	[hbm4b:s2+s0] =	stream.linear.scatter @!p0 [tilespmem:s6], [sflag:$0x5], $0x2800, $0x38;
	[tilespmem:$0xA200] =	vst v63  }
0x4e: {  	s26 =	sadd.s32 $0x14, s13;
	s23 =	simm.s32 $0xA00;
	s6 =	simm.s32 @!p0 $0x5  }
0x4f: {  	s25 =	sadd.s32 $0x14, s12;
	s24 =	sadd.s32 $0xA0, s9;
	_ =	swait.ge @!p0 [sflag:s6], $0x2800  }
.LBB2_2:
0x50: {  	s30 =	simm.s32 @!p2 $0x0;
	s2 =	simm.s32 @!p2 $0x5100  }
0x51: {  	[sflag:s6] =	ssyncset.done @!p0 $0x0;
	s31 =	smov.u32 s23;
	s23 =	smov.u32 s28  }
0x52: {  	s28 =	sadd.s32 $0xA00, s28;
	s0 =	simm.s32 @!p2 $0x6;
	[sflag:s6] =	ssyncadd.s32 @!p0 $0xFFFFD800  }
0x53: {  	[tilespmem:s2], [sflag:$0x6] =	stream.linear.gather @!p2 [hbm4b:s26+s30], $0x50, $0x38;
	[tilespmem:$0xA200] =	vst v63  }
0x54: {  	p1 =	sne.s32 s28, $0x27600;
	p0 =	por p2, p2;
	_ =	swait.ge @!p2 [sflag:s0], $0x50  }
0x55: {  	[sflag:s0] =	ssyncset.done @!p0 $0x0  }
0x56: {  	s7 =	simm.s32 @!p0 $0x5180;
	[sflag:s0] =	ssyncadd.s32 @!p0 $0xFFFFFFB0  }
0x57: {  	[tilespmem:s7], [sflag:$0x6] =	stream.linear.gather @!p0 [hbm4b:s25+s30], $0x50, $0x38;
	[tilespmem:$0xA200] =	vst v63  }
0x58: {  	_ =	swait.ge @!p0 [sflag:s0], $0x50  }
0x59: {  	[sflag:s0] =	ssyncset.done @!p0 $0x0  }
0x5a: {  	s8 =	simm.s32 @!p0 $0x50;
	s6 =	simm.s32 @!p0 $0x5200;
	[sflag:s0] =	ssyncadd.s32 @!p0 $0xFFFFFFB0  }
0x5b: {  	[tilespmem:s6], [sflag:$0x3] =	stream.indirect.gather @!p0 [hbm4b:s4+s8], $0x80, s2, s8, $0xb8;
	[tilespmem:$0xA200] =	vst v63  }
0x5c: {  	s2 =	simm.s32 @!p0 $0x7A00  }
0x5d: {  	[tilespmem:s2], [sflag:$0x4] =	stream.indirect.gather @!p0 [hbm4b:s4+s8], $0x80, s7, s8, $0xb8;
	[tilespmem:$0xA200] =	vst v63  }
0x5e: {  	_ =	swait.ge [sflag:s19], $0x2800  }
0x5f: {  	[sflag:s19] =	ssyncset.done $0x0  }
0x60: {  	[sflag:s19] =	ssyncadd.s32 $0xFFFFD800  }
0x61: {  	_ =	swait.ge [sflag:s20], $0x2800  }
0x62: {  	[sflag:s20] =	ssyncset.done $0x0  }
0x63: {  	s7 =	sadd.s32 s31, s10;
	[sflag:s20] =	ssyncadd.s32 $0xFFFFD800  }
0x64: {  	[hbm4b:s7+s3] =	stream.linear.scatter [tilespmem:s17], [sflag:$0x6], $0x2800, $0x38;
	[tilespmem:$0xA200] =	vst v63  }
0x65: {  	_ =	swait.ge [sflag:s21], $0x2800  }
0x66: {  	[sflag:s21] =	ssyncset.done $0x0  }
0x67: {  	s7 =	sadd.s32 s31, s11;
	[sflag:s21] =	ssyncadd.s32 $0xFFFFD800  }
0x68: {  	[hbm4b:s7+s3] =	stream.linear.scatter [tilespmem:s18], [sflag:$0x6], $0x2800, $0x38;
	[tilespmem:$0xA200] =	vst v63  }
0x69: {  	p2 =	seq.s32 s31, $0x26C00;
	_ =	swait.ge [sflag:s21], $0x2800  }
0x6a: {  	s8 =	simm.s32 @!p2 $0x6;
	s7 =	sshrl.u32 @!p2 s24, $0x3;
	[sflag:s21] =	ssyncset.done $0x0  }
0x6b: {  	s16 =	simm.s32 @!p2 $0x0;
	s15 =	sadd.s32 @!p2 s5, s7;
	[sflag:s21] =	ssyncadd.s32 $0xFFFFD800  }
0x6c: {  	[tilespmem:s16], [sflag:$0x6] =	stream.linear.gather @!p2 [hbm4b:s15+s16], $0x50, $0x38;
	[tilespmem:$0xA200] =	vst v63  }
0x6d: {  	s7 =	sadd.s32 @!p2 s1, s7;
	_ =	swait.ge @!p2 [sflag:s8], $0x50  }
0x6e: {  	[sflag:s8] =	ssyncset.done @!p2 $0x0  }
0x6f: {  	s15 =	simm.s32 @!p2 $0x80;
	[sflag:s8] =	ssyncadd.s32 @!p2 $0xFFFFFFB0  }
0x70: {  	[tilespmem:s15], [sflag:$0x6] =	stream.linear.gather @!p2 [hbm4b:s7+s16], $0x50, $0x38;
	[tilespmem:$0xA200] =	vst v63  }
0x71: {  	_ =	swait.ge @!p2 [sflag:s8], $0x50  }
0x72: {  	[sflag:s8] =	ssyncset.done @!p2 $0x0  }
0x73: {  	s7 =	simm.s32 @!p2 $0x50;
	[sflag:s8] =	ssyncadd.s32 @!p2 $0xFFFFFFB0;
	s8 =	simm.s32 @!p2 $0x100  }
0x74: {  	[tilespmem:s8], [sflag:$0x1] =	stream.indirect.gather @!p2 [hbm4b:s4+s7], $0x80, s16, s7, $0xb8;
	[tilespmem:$0xA200] =	vst v63  }
0x75: {  	s8 =	simm.s32 @!p2 $0x2900;
	s16 =	simm.s32 @!p0 $0x3  }
0x76: {  	[tilespmem:s8], [sflag:$0x2] =	stream.indirect.gather @!p2 [hbm4b:s4+s7], $0x80, s15, s7, $0xb8;
	[tilespmem:$0xA200] =	vst v63  }
0x77: {  	_ =	swait.ge @!p0 [sflag:s16], $0x2800  }
0x78: {  	[sflag:s16] =	ssyncset.done @!p0 $0x0  }
0x79: {  	s7 =	simm.s32 @!p0 $0x4;
	[sflag:s16] =	ssyncadd.s32 @!p0 $0xFFFFD800  }
0x7a: {  	_ =	swait.ge @!p0 [sflag:s7], $0x2800  }
0x7b: {  	s8 =	sadd.s32 @!p0 s31, s10;
	[sflag:s7] =	ssyncset.done @!p0 $0x0  }
0x7c: {  	s26 =	sadd.s32 $0x14, s26;
	[sflag:s7] =	ssyncadd.s32 @!p0 $0xFFFFD800;
	s7 =	sadd.s32 @!p0 $0x500, s8  }
0x7d: {  	[hbm4b:s7+s30] =	stream.linear.scatter @!p0 [tilespmem:s6], [sflag:$0x6], $0x2800, $0x38;
	[tilespmem:$0xA200] =	vst v63  }
.Ltmp0:
0x7e: {  	s25 =	sadd.s32 $0x14, s25;
	_ =	swait.ge @!p0 [sflag:s0], $0x2800;
	(pc) =	sbr.rel @p1 .LBB2_2-.Ltmp0, $4  }
0x7f: {  	s29 =	sadd.s32 $0x2, s29;
	s6 =	sadd.s32 @!p0 s31, s11;
	[sflag:s0] =	ssyncset.done @!p0 $0x0  }
0x80: {  	[sflag:s0] =	ssyncadd.s32 @!p0 $0xFFFFD800;
	s0 =	sadd.s32 @!p0 $0x500, s6;
	s6 =	simm.s32 @!p0 $0x5  }
0x81: {  	[hbm4b:s0+s30] =	stream.linear.scatter @!p0 [tilespmem:s2], [sflag:$0x5], $0x2800, $0x38;
	[tilespmem:$0xA200] =	vst v63  }
0x82: {  	s24 =	sadd.s32 $0xA0, s24;
	p2 =	sgt.u32 s29, $0x7C;
	_ =	swait.ge @!p0 [sflag:s6], $0x2800  }
0x83: {  	s0 =	simm.s32 @!p2 $0x0;
	[sflag:s6] =	ssyncset.done @!p0 $0x0  }
0x84: {  	s7 =	simm.s32 @!p2 $0x5100;
	s2 =	simm.s32 @!p2 $0x6;
	[sflag:s6] =	ssyncadd.s32 @!p0 $0xFFFFD800  }
0x85: {  	[tilespmem:s7], [sflag:$0x6] =	stream.linear.gather @!p2 [hbm4b:s26+s0], $0x50, $0x38;
	[tilespmem:$0xA200] =	vst v63  }
0x86: {  	p0 =	por p2, p2;
	_ =	swait.ge @!p2 [sflag:s2], $0x50  }
0x87: {  	[sflag:s2] =	ssyncset.done @!p0 $0x0  }
0x88: {  	s6 =	simm.s32 @!p0 $0x5180;
	[sflag:s2] =	ssyncadd.s32 @!p0 $0xFFFFFFB0  }
0x89: {  	[tilespmem:s6], [sflag:$0x6] =	stream.linear.gather @!p0 [hbm4b:s25+s0], $0x50, $0x38;
	[tilespmem:$0xA200] =	vst v63  }
0x8a: {  	_ =	swait.ge @!p0 [sflag:s2], $0x50  }
0x8b: {  	[sflag:s2] =	ssyncset.done @!p0 $0x0  }
0x8c: {  	s8 =	simm.s32 @!p0 $0x50;
	s15 =	simm.s32 @!p0 $0x5200;
	[sflag:s2] =	ssyncadd.s32 @!p0 $0xFFFFFFB0  }
0x8d: {  	[tilespmem:s15], [sflag:$0x3] =	stream.indirect.gather @!p0 [hbm4b:s4+s8], $0x80, s7, s8, $0xb8;
	[tilespmem:$0xA200] =	vst v63  }
0x8e: {  	s7 =	simm.s32 @!p0 $0x7A00  }
0x8f: {  	[tilespmem:s7], [sflag:$0x4] =	stream.indirect.gather @!p0 [hbm4b:s4+s8], $0x80, s6, s8, $0xb8;
	[tilespmem:$0xA200] =	vst v63  }
0x90: {  	_ =	swait.ge [sflag:s19], $0x2800  }
0x91: {  	[sflag:s19] =	ssyncset.done $0x0  }
0x92: {  	[sflag:s19] =	ssyncadd.s32 $0xFFFFD800  }
0x93: {  	_ =	swait.ge [sflag:s20], $0x2800  }
0x94: {  	[sflag:s20] =	ssyncset.done $0x0  }
0x95: {  	s29 =	sadd.s32 s23, s10;
	[sflag:s20] =	ssyncadd.s32 $0xFFFFD800  }
0x96: {  	[hbm4b:s29+s3] =	stream.linear.scatter [tilespmem:s17], [sflag:$0x6], $0x2800, $0x38;
	[tilespmem:$0xA200] =	vst v63  }
0x97: {  	_ =	swait.ge [sflag:s21], $0x2800  }
0x98: {  	[sflag:s21] =	ssyncset.done $0x0  }
0x99: {  	s30 =	sadd.s32 s23, s11;
	[sflag:s21] =	ssyncadd.s32 $0xFFFFD800  }
0x9a: {  	[hbm4b:s30+s3] =	stream.linear.scatter [tilespmem:s18], [sflag:$0x6], $0x2800, $0x38;
	[tilespmem:$0xA200] =	vst v63  }
0x9b: {  	p1 =	seq.s32 s23, $0x26C00;
	_ =	swait.ge [sflag:s21], $0x2800  }
0x9c: {  	s6 =	sshrl.u32 @!p1 s24, $0x3;
	s8 =	simm.s32 @!p1 $0x6;
	[sflag:s21] =	ssyncset.done $0x0  }
0x9d: {  	s24 =	simm.s32 @!p1 $0x0;
	s16 =	sadd.s32 @!p1 s5, s6;
	[sflag:s21] =	ssyncadd.s32 $0xFFFFD800  }
0x9e: {  	[tilespmem:s24], [sflag:$0x6] =	stream.linear.gather @!p1 [hbm4b:s16+s24], $0x50, $0x38;
	[tilespmem:$0xA200] =	vst v63  }
0x9f: {  	_ =	swait.ge @!p1 [sflag:s8], $0x50  }
0xa0: {  	[sflag:s8] =	ssyncset.done @!p1 $0x0  }
0xa1: {  	s6 =	sadd.s32 @!p1 s1, s6;
	s16 =	simm.s32 @!p1 $0x80;
	[sflag:s8] =	ssyncadd.s32 @!p1 $0xFFFFFFB0  }
0xa2: {  	[tilespmem:s16], [sflag:$0x6] =	stream.linear.gather @!p1 [hbm4b:s6+s24], $0x50, $0x38;
	[tilespmem:$0xA200] =	vst v63  }
0xa3: {  	_ =	swait.ge @!p1 [sflag:s8], $0x50  }
0xa4: {  	[sflag:s8] =	ssyncset.done @!p1 $0x0  }
0xa5: {  	s6 =	simm.s32 @!p1 $0x50;
	[sflag:s8] =	ssyncadd.s32 @!p1 $0xFFFFFFB0;
	s8 =	simm.s32 @!p1 $0x100  }
0xa6: {  	[tilespmem:s8], [sflag:$0x1] =	stream.indirect.gather @!p1 [hbm4b:s4+s6], $0x80, s24, s6, $0xb8;
	[tilespmem:$0xA200] =	vst v63  }
0xa7: {  	s8 =	simm.s32 @!p1 $0x2900;
	s24 =	simm.s32 @!p0 $0x3  }
0xa8: {  	[tilespmem:s8], [sflag:$0x2] =	stream.indirect.gather @!p1 [hbm4b:s4+s6], $0x80, s16, s6, $0xb8;
	[tilespmem:$0xA200] =	vst v63  }
0xa9: {  	_ =	swait.ge @!p0 [sflag:s24], $0x2800  }
0xaa: {  	[sflag:s24] =	ssyncset.done @!p0 $0x0  }
0xab: {  	s6 =	simm.s32 @!p0 $0x4;
	[sflag:s24] =	ssyncadd.s32 @!p0 $0xFFFFD800  }
0xac: {  	_ =	swait.ge @!p0 [sflag:s6], $0x2800  }
0xad: {  	s8 =	sadd.s32 @!p0 s23, s10;
	[sflag:s6] =	ssyncset.done @!p0 $0x0  }
0xae: {  	[sflag:s6] =	ssyncadd.s32 @!p0 $0xFFFFD800;
	s6 =	sadd.s32 @!p0 $0x500, s8  }
0xaf: {  	[hbm4b:s6+s0] =	stream.linear.scatter @!p0 [tilespmem:s15], [sflag:$0x6], $0x2800, $0x38;
	[tilespmem:$0xA200] =	vst v63  }
0xb0: {  	_ =	swait.ge @!p0 [sflag:s2], $0x2800  }
0xb1: {  	s6 =	sadd.s32 @!p0 s23, s11;
	[sflag:s2] =	ssyncset.done @!p0 $0x0  }
0xb2: {  	[sflag:s2] =	ssyncadd.s32 @!p0 $0xFFFFD800;
	s2 =	sadd.s32 @!p0 $0x500, s6;
	s6 =	simm.s32 @!p0 $0x5  }
0xb3: {  	[hbm4b:s2+s0] =	stream.linear.scatter @!p0 [tilespmem:s7], [sflag:$0x5], $0x2800, $0x38;
	[tilespmem:$0xA200] =	vst v63  }
0xb4: {  	_ =	swait.ge @!p0 [sflag:s6], $0x2800  }
0xb5: {  	s22 =	sadd.s32 $0x1, s22;
	s31 =	rddreg [dreg:$0x5]  }
0xb6: {  	p1 =	sne.s32 s22, s31  }
.Ltmp1:
0xb7: {  	_ = 	snop;
	(pc) =	sbr.rel @p1 .LBB2_1-.Ltmp1, $3  }
0xb8: {  	_ =	sdelay $0x1  }
0xb9: {  	[sflag:s6] =	ssyncset.done @!p0 $0x0  }
0xba: {  	[sflag:s6] =	ssyncadd.s32 @!p0 $0xFFFFD800  }
0xbb: {  	_ =	sfence.sel $0x180000  }
0xbc: {  	[bflag:$0x0] =	sbarrier.arrive $0xFFFF  }
0xbd: {  	_ =	strace $0x9000004D  }
0xbe: {  	s0 =	stileid.u32;
	[bflag:$0x2] =	sbarrier.arrive $0xFFFF  }
0xbf: {  	p0 =	sne.s32 s0, $0x0;
	s0 =	rddreg [dreg:$0x2]  }
0xc0: {  	s0 =	sadd.s32 @!p0 $0x100000, s0  }
0xc1: {  	[sflag:s0] =	ssyncadd.tile.s32 @!p0 $0x1;
	_ =	shalt  }
.Lfunc_end2:
_tile_overlayer_lowered:
.L_overlay_start_2:
0xc2: {  	(tag) =	ssettag $0x2  }
0xc3: {  	s0 =	rddreg [dreg:$0x0];
	s2 =	stileid.u32  }
0xc4: {  	s1 =	rddreg [dreg:$0x1];
	p0 =	sne.s32 s2, $0x0  }
0xc5: {  	s3 =	rddreg [dreg:$0x2];
	[bflag:$0x3] =	sbarrier.arrive $0xFFFF;
	s2 =	simm.s32 @!p0 $0x1C05  }
0xc6: {  	[timem:s3], [sflag:s2] =	dma.local @!p0 [hbm:s0], s1  }
0xc7: {  	s0 =	simm.s32 @!p0 $0x5  }
0xc8: {  	_ =	swait.ge @!p0 [sflag:s0], s1  }
0xc9: {  	s1 =	ssub.s32 @!p0 $0x0, s1;
	[sflag:s0] =	ssyncset.done @!p0 $0x0  }
0xca: {  	[sflag:s0] =	ssyncadd.s32 @!p0 s1  }
0xcb: {  	[bflag:$0x3] =	sbarrier.arrive $0xFFFF  }
0xcc: {  	_ =	shalt  }

// kernel: kernel.19.cloned.1.call-start
scs
__scs_entry_jumppad:
0x0: {  	(pc) =	sbr.rel $0x88, $3  }
0x1: {  	(tag) =	ssettag $0x0;
	lr =	simm.s32 $0x1  }
0x2: {  	[smem:$0x3F7E] =	sst lr;
	_ =	strace $0xD0000000  }
0x3: {  	_ = 	snop  }
0x4: {  	_ = 	snop  }
0x5: {  	_ = 	snop  }
0x6: {  	_ = 	snop  }
0x7: {  	_ = 	snop  }
__scs_overlays_trampoline_lowered:
0x8: {  	[smem:$0x3F8D] =	sst s0  }
0x9: {  	[smem:$0x3F8E] =	sst s1  }
0xa: {  	[smem:$0x3F8F] =	sst s2  }
0xb: {  	[smem:$0x3F90] =	sst s3  }
0xc: {  	[smem:$0x3F91] =	sst s4  }
0xd: {  	[smem:$0x3F92] =	sst s5  }
0xe: {  	[smem:$0x3F93] =	sst s6  }
0xf: {  	[smem:$0x3F94] =	sst s7  }
0x10: {  	[smem:$0x3F95] =	sst s8  }
0x11: {  	[smem:$0x3F96] =	sst s9;
	s0 =	simm.s32 @!p0 $0x0  }
0x12: {  	s1 =	sld [smem:$0x3F7C];
	s0 =	simm.s32 @p0 $0x1  }
0x13: {  	[smem:$0x3F97] =	sst s0;
	s0 =	simm.s32 @!p1 $0x0  }
0x14: {  	s2 =	sld [smem:$0x3F7B];
	s0 =	simm.s32 @p1 $0x1  }
0x15: {  	[smem:$0x3F98] =	sst s0;
	s0 =	simm.s32 @!p2 $0x0  }
0x16: {  	s3 =	sld [smem:$0x3FDB];
	s0 =	simm.s32 @p2 $0x1  }
0x17: {  	s4 =	simm.s32 $0x1BF5;
	[smem:$0x3F9A] =	sst s0  }
0x18: {  	s0 =	sld [smem:$0x3F7D];
	_ =	swait.ge [sflag:s4], $0x0  }
0x19: {  	s7 =	sld [smem:$0x3F7E]  }
0x1a: {  	s8 =	sadd.s32 $0xFFFFE003, lr  }
0x1b: {  	s9 =	sadd.s32 $0xFFFFFEF7, lr;
	s5 =	simm.s32 $0xFFFFFFFF;
	p2 =	slt.u32 s8, $0xFFFFF086  }
0x1c: {  	p1 =	slt.u32 s9, $0xF7A;
	s5 =	simm.s32 @!p2 $0x0  }
0x1d: {  	s5 =	simm.s32 @p1 $0x1;
	p0 =	seq.s32 s7, s2  }
0x1e: {  	s7 =	smul.u32 @!p0 $0xF7A, s2;
	p2 =	seq.s32 @!p0 s5, $0x0  }
0x1f: {  	s9 =	smul.u32 $0xF7A, s1;
	s8 =	simm.s32 @!p0 $0x1BF5;
	p2 =	por !p2, p0  }
0x20: {  	[sflag:s8] =	ssyncset.s32 @!p0 $0xFFFFF086;
	s6 =	sadd.s32 @!p0 s3, s7;
	s7 =	simm.s32 @!p0 $0x108  }
0x21: {  	s3 =	sadd.s32 s3, s9;
	s6 =	sadd.s32 @!p0 $0x88, s6;
	s7 =	simm.s32 @p2 $0x1082  }
0x22: {  	[simem:s7], [sflag:s8] =	dma.local @!p0 [hbm:s6], $0xF7A  }
0x23: {  	s9 =	sor.u32 $0xD0000000, s2;
	s6 =	simm.s32 $0x108;
	_ =	swait.ge @!p0 [sflag:s8], $0x0  }
0x24: {  	s3 =	sadd.s32 $0x88, s3;
	s6 =	simm.s32 @!p1 $0x1082;
	[sflag:s4] =	ssyncset.s32 $0xFFFFF086  }
0x25: {  	[simem:s6], [sflag:s4] =	dma.local [hbm:s3], $0xF7A  }
0x26: {  	[smem:$0x3F7E] =	sst s1;
	(tag) =	ssettag s2;
	_ =	strace s9  }
0x27: {  	s1 =	sld [smem:$0x3F8E]  }
0x28: {  	s2 =	sld [smem:$0x3F8F]  }
0x29: {  	s4 =	sld [smem:$0x3F91]  }
0x2a: {  	p0 =	seq.s32 s5, $0x0;
	s5 =	sld [smem:$0x3F92]  }
0x2b: {  	s6 =	sld [smem:$0x3F93]  }
0x2c: {  	s7 =	sld [smem:$0x3F94]  }
0x2d: {  	s3 =	simm.s32 $0x108;
	s8 =	sld [smem:$0x3F95]  }
0x2e: {  	s3 =	simm.s32 @!p0 $0x1082;
	s9 =	sld [smem:$0x3F96]  }
0x2f: {  	lr =	sadd.s32 s0, s3;
	s0 =	sld [smem:$0x3F8D]  }
0x30: {  	s3 =	sld [smem:$0x3F90]  }
0x31: {  	[smem:$0x3F99] =	sst s10  }
0x32: {  	s10 =	sld [smem:$0x3F97];
	_ =	sdelay $0x3  }
0x33: {  	p0 =	seq.s32 s10, $0x1;
	s10 =	sld [smem:$0x3F99];
	_ =	sdelay $0x3  }
0x34: {  	[smem:$0x3F99] =	sst s10  }
0x35: {  	s10 =	sld [smem:$0x3F98];
	_ =	sdelay $0x3  }
0x36: {  	p1 =	seq.s32 s10, $0x1;
	s10 =	sld [smem:$0x3F99];
	_ =	sdelay $0x3  }
0x37: {  	[smem:$0x3F99] =	sst s10  }
0x38: {  	s10 =	sld [smem:$0x3F9A]  }
0x39: {  	_ = 	snop;
	(pc) =	sbr.ind lr, $3  }
0x3a: {  	_ = 	snop  }
0x3b: {  	_ = 	snop  }
0x3c: {  	p2 =	seq.s32 s10, $0x1;
	s10 =	sld [smem:$0x3F99]  }
0x3d: {  	_ =	shalt  }
0x3e: {  	_ =	shalt  }
0x3f: {  	_ =	shalt  }
0x40: {  	_ =	shalt  }
0x41: {  	_ =	shalt  }
0x42: {  	_ =	shalt  }
0x43: {  	_ =	shalt  }
0x44: {  	_ =	shalt  }
0x45: {  	_ =	shalt  }
0x46: {  	_ =	shalt  }
0x47: {  	_ =	shalt  }
0x48: {  	_ =	shalt  }
0x49: {  	_ =	shalt  }
0x4a: {  	_ =	shalt  }
0x4b: {  	_ =	shalt  }
0x4c: {  	_ =	shalt  }
0x4d: {  	_ =	shalt  }
0x4e: {  	_ =	shalt  }
0x4f: {  	_ =	shalt  }
0x50: {  	_ =	shalt  }
0x51: {  	_ =	shalt  }
0x52: {  	_ =	shalt  }
0x53: {  	_ =	shalt  }
0x54: {  	_ =	shalt  }
0x55: {  	_ =	shalt  }
0x56: {  	_ =	shalt  }
0x57: {  	_ =	shalt  }
0x58: {  	_ =	shalt  }
0x59: {  	_ =	shalt  }
0x5a: {  	_ =	shalt  }
0x5b: {  	_ =	shalt  }
0x5c: {  	_ =	shalt  }
0x5d: {  	_ =	shalt  }
0x5e: {  	_ =	shalt  }
0x5f: {  	_ =	shalt  }
0x60: {  	_ =	shalt  }
0x61: {  	_ =	shalt  }
0x62: {  	_ =	shalt  }
0x63: {  	_ =	shalt  }
0x64: {  	_ =	shalt  }
0x65: {  	_ =	shalt  }
0x66: {  	_ =	shalt  }
0x67: {  	_ =	shalt  }
0x68: {  	_ =	shalt  }
0x69: {  	_ =	shalt  }
0x6a: {  	_ =	shalt  }
0x6b: {  	_ =	shalt  }
0x6c: {  	_ =	shalt  }
0x6d: {  	_ =	shalt  }
0x6e: {  	_ =	shalt  }
0x6f: {  	_ =	shalt  }
0x70: {  	_ =	shalt  }
0x71: {  	_ =	shalt  }
0x72: {  	_ =	shalt  }
0x73: {  	_ =	shalt  }
0x74: {  	_ =	shalt  }
0x75: {  	_ =	shalt  }
0x76: {  	_ =	shalt  }
0x77: {  	_ =	shalt  }
0x78: {  	_ =	shalt  }
0x79: {  	_ =	shalt  }
0x7a: {  	_ =	shalt  }
0x7b: {  	_ =	shalt  }
0x7c: {  	_ =	shalt  }
0x7d: {  	_ =	shalt  }
0x7e: {  	_ =	shalt  }
0x7f: {  	_ =	shalt  }
0x80: {  	_ =	shalt  }
0x81: {  	_ =	shalt  }
0x82: {  	_ =	shalt  }
0x83: {  	_ =	shalt  }
0x84: {  	_ =	shalt  }
0x85: {  	_ =	shalt  }
0x86: {  	_ =	shalt  }
0x87: {  	_ =	shalt  }
.Lfunc_end0:
.L_simem_size_0:
called_computation.3_lowered:
.L_overlay_start_0:
0x88: {  	s2 =	sld [smem:$0x3FD9]  }
0x89: {  	s3 =	sld [smem:$0x3FFE];
	_ =	sdelay $0x1  }
0x8a: {  	s1 =	srdreg.scid  }
0x8b: {  	s0 =	sand.u32 $0x1, s1  }
0x8c: {  	s17 =	sshll.u32 s0, $0xA;
	s2 =	sadd.s32 s3, s2  }
0x8d: {  	s2 =	sadd.s32 s2, s17  }
0x8e: {  	[smem:$0x3FA5] =	sst s2  }
0x8f: {  	_ = 	snop  }
0x90: {  	s2 =	sld [smem:$0x3FD0];
	(tm) =	ssettm $0x1  }
0x91: {  	s18 =	sld [smem:$0x3FFB];
	_ =	sdelay $0x3  }
0x92: {  	_ =	strace s18  }
0x93: {  	s3 =	sld [smem:$0x3FFC];
	_ =	sdelay $0x3  }
0x94: {  	_ =	strace s3  }
0x95: {  	s3 =	sld [smem:$0x3FFD];
	_ =	sdelay $0x3  }
0x96: {  	_ =	strace s3  }
0x97: {  	_ =	strace $0x8FFFFFFF  }
0x98: {  	s19 =	sld [smem:$0x3FDB];
	_ =	sdelay $0x1  }
0x99: {  	s4 =	simm.s32 $_scs_section_size  }
0x9a: {  	s5 =	simm.s32 $_size__tile_overlayer_lowered;
	s6 =	simm.s32 $_tile_overlayer_lowered  }
0x9b: {  	s22 =	simm.s32 $0x1BFF;
	s21 =	sshll.u32 s6, $0x1;
	s3 =	sadd.s32 s4, s19  }
0x9c: {  	s7 =	simm.s32 $0x0;
	s20 =	sshll.u32 s5, $0x1;
	s5 =	sadd.s32 s21, s3  }
0x9d: {  	[timem:s7], [sflag:s22] =	dma.local [hbm:s5], s20  }
0x9e: {  	_ =	swait.ge [sflag:s22], s20  }
0x9f: {  	s4 =	ssub.s32 $0x0, s20;
	[sflag:s22] =	ssyncset.done $0x0  }
0xa0: {  	[sflag:s22] =	ssyncadd.s32 s4;
	_ =	sdelay $0x1  }
0xa1: {  	s23 =	simm.s32 $0x1B8B  }
0xa2: {  	_ =	swait.ge [sflag:s23], $0x1  }
0xa3: {  	[sflag:s23] =	ssyncset.done $0x0  }
0xa4: {  	s25 =	simm.s32 $0x1B8E;
	s24 =	sld [smem:$0x3FFE];
	[sflag:s23] =	ssyncadd.s32 $0xFFFFFFFF  }
0xa5: {  	s26 =	simm.s32 $execute0_lowered;
	[smem:$0x3FD2] =	sst s25  }
0xa6: {  	s5 =	sshll.u32 s26, $0x1;
	_ =	strace $0x8000004F;
	[dreg:$0x1] =	wrdreg $0xFFFFFFFF  }
0xa7: {  	s28 =	simm.s32 $_size_execute0_lowered;
	s3 =	sadd.s32 s3, s5;
	[dreg:$0x0] =	wrdreg $0x0  }
0xa8: {  	s5 =	sshll.u32 s28, $0x1;
	[dreg:$0x2] =	wrdreg s3  }
0xa9: {  	[dreg:$0x3] =	wrdreg s5  }
0xaa: {  	[dreg:$0x4] =	wrdreg $0xC0  }
0xab: {  	_ =	task [dreg:s7], $0x5FFFF  }
0xac: {  	[dreg:$0x1] =	wrdreg $0xFFFFFFFF  }
0xad: {  	[dreg:$0x0] =	wrdreg $0x60  }
0xae: {  	[dreg:$0x2] =	wrdreg s24  }
0xaf: {  	[dreg:$0x3] =	wrdreg s2  }
0xb0: {  	[dreg:$0x4] =	wrdreg $0x3CA00  }
0xb1: {  	[dreg:$0x5] =	wrdreg $0x9  }
0xb2: {  	_ =	task.clear_ibuf [dreg:s7], $0x6FFFF;
	_ =	strace $0x9000004F  }
0xb3: {  	s29 =	simm.s32 $0x9;
	_ =	strace $0x80000051  }
0xb4: {  	_ =	swait.ge [sflag:s29], $0x1  }
0xb5: {  	[sflag:s29] =	ssyncadd.s32 $0xFFFFFFFF  }
0xb6: {  	_ =	strace $0x90000051  }
0xb7: {  	_ =	sfence  }
0xb8: {  	s30 =	sld [smem:$0x0];
	_ =	sdelay $0x2  }
0xb9: {  	s31 =	sshll.u32 s1, $0xD;
	s1 =	sshrl.u32 s1, $0x2  }
0xba: {  	s3 =	sand.u32 $0x4000, s31;
	s1 =	sadd.s32 s1, s30  }
0xbb: {  	s0 =	sor.u32 s3, s0;
	s1 =	sshll.u32 s1, $0x11  }
0xbc: {  	s0 =	sor.u32 s1, s0  }
0xbd: {  	s0 =	sadd.s32 $0x8F2B, s0  }
0xbe: {  	[sflag:s0] =	ssyncadd.remote.s32 $0x1  }
0xbf: {  	_ =	sfence.sel $0xFFFF  }
0xc0: {  	[dreg:$0x0] =	wrdreg $0xFFFFFFFF;
	(pc) =	sbr.abs _section_cstart, $3  }
0xc1: {  	[dreg:$0x1] =	wrdreg $0xFFFFFFFF  }
0xc2: {  	_ =	task.clear_ibuf [dreg:s7], $0x2FFFF;
	_ =	strace $0x9FFFFFFF  }
0xc3: {  	(tm) =	ssettm $0x7FFFFFFF  }
tec
execute0_lowered:
.L_overlay_start_1:
0x0: {  	(tag) =	ssettag $0x1  }
0x1: {  	s0 =	rddreg [dreg:$0x0]  }
0x2: {  	s2 =	rddreg [dreg:$0x1]  }
0x3: {  	s3 =	rddreg [dreg:$0x2];
	s10 =	stileid.u32  }
0x4: {  	s1 =	srdreg.scid;
	s4 =	simm.s32 $0x0;
	s5 =	smul.u32 $0x280, s10  }
0x5: {  	s28 =	simm.s32 $0x14A0;
	s29 =	simm.s32 $0x1;
	s7 =	smul.u32 $0x1400, s10  }
0x6: {  	s30 =	simm.s32 $0x2;
	s31 =	simm.s32 $0x6;
	s20 =	smul.u32 $0x28000, s10  }
0x7: {  	s1 =	sand.u32 $0x1, s1;
	s18 =	sadd.s32 $0x282600, s0;
	s24 =	smul.u32 $0x2710, s10  }
0x8: {  	[smem:$0x7FF] =	sst s4;
	s9 =	sadd.s32 $0x282200, s0;
	s6 =	smul.u32 $0x14000, s1  }
0x9: {  	_ =	strace $0x80000050;
	s8 =	sshll.u32 s1, $0x4;
	[dreg:$0x4] =	wrdreg s9  }
0xa: {  	s17 =	ssub.s32 $0x2, s1;
	s1 =	smul.u32 $0x27100, s1;
	s8 =	sor.u32 s10, s8  }
0xb: {  	s5 =	sshrl.u32 s5, $0x3;
	s19 =	sshrl.u32 s17, $0x1;
	s16 =	smul.u32 $0x2710, s8  }
0xc: {  	s22 =	sshrl.u32 s20, $0x2;
	s5 =	sadd.s32 s5, s0;
	s8 =	smul.u32 $0x13880, s8  }
0xd: {  	s1 =	sadd.s32 s24, s1;
	s24 =	simm.s32 $0x50;
	s21 =	sadd.s32 $0x281C00, s5  }
0xe: {  	s6 =	sadd.s32 s7, s6;
	s23 =	sadd.s32 $0x281C0A, s5;
	s11 =	sadd.s32 $0x281C14, s5  }
0xf: {  	s0 =	sadd.s32 s6, s0;
	s13 =	sadd.s32 $0x281C1E, s5;
	s14 =	sadd.s32 $0x281C28, s5  }
0x10: {  	s6 =	ssub.s32 s17, s19;
	s15 =	sadd.s32 $0x281C32, s5;
	s17 =	sadd.s32 $0x281C46, s5  }
0x11: {  	s7 =	sshrl.u32 s16, $0x3;
	s8 =	sadd.s32 s18, s8;
	[dreg:$0x8] =	wrdreg s21  }
0x12: {  	s0 =	sadd.s32 $0x37E00, s0;
	[dreg:$0x9] =	wrdreg s23;
	s12 =	smax.u32 s6, $0x1  }
0x13: {  	s16 =	sadd.s32 $0x281C3C, s5;
	s23 =	simm.s32 $0x5;
	[dreg:$0x6] =	wrdreg s8  }
0x14: {  	s5 =	simm.s32 $0x0;
	s7 =	sadd.s32 s2, s7;
	[dreg:$0x7] =	wrdreg s0  }
0x15: {  	s0 =	sadd.s32 s22, s3;
	[dreg:$0x5] =	wrdreg s7;
	s7 =	sadd.s32 $0xA0, s1  }
0x16: {  	s22 =	simm.s32 $0x28A0;
	s1 =	sadd.s32 $0x50, s1;
	s25 =	sshll.u32 s7, $0x3  }
0x17: {  	s26 =	sshrl.u32 s1, $0x3;
	s1 =	sshll.u32 s1, $0x3;
	s19 =	sadd.s32 s25, s18  }
0x18: {  	s8 =	sadd.s32 s26, s2;
	s21 =	sadd.s32 s1, s18;
	s25 =	sshrl.u32 s0, $0x3  }
0x19: {  	s26 =	simm.s32 $0x1450;
	s0 =	simm.s32 $0x3;
	s1 =	simm.s32 $0x4  }
.LBB2_1:
0x1a: {  	s6 =	rddreg [dreg:$0x4]  }
0x1b: {  	[tilespmem:s22], [sflag:$0x5] =	stream.linear.gather [hbm4b:s6+s4], $0x1400, $0x38;
	[tilespmem:$0xDCA0] =	vst v63  }
0x1c: {  	_ =	swait.ge [sflag:s23], $0x1400  }
0x1d: {  	[sflag:s23] =	ssyncset.done $0x0  }
0x1e: {  	s10 =	rddreg [dreg:$0x8];
	[sflag:s23] =	ssyncadd.s32 $0xFFFFEC00  }
0x1f: {  	[tilespmem:s4], [sflag:$0x5] =	stream.linear.gather [hbm4b:s10+s4], $0x50, $0x38;
	[tilespmem:$0xDCA0] =	vst v63  }
0x20: {  	_ =	swait.ge [sflag:s23], $0x50  }
0x21: {  	[sflag:s23] =	ssyncset.done $0x0  }
0x22: {  	[sflag:s23] =	ssyncadd.s32 $0xFFFFFFB0  }
0x23: {  	[spmem:s3] =	stream.indirect.scatter [tilespmem:s22], [sflag:$0x5], $0x40, s4, s24, $0xb8;
	[tilespmem:$0xDCA0] =	vst v63  }
0x24: {  	_ =	swait.ge [sflag:s23], $0x1400  }
0x25: {  	[sflag:s23] =	ssyncset.done $0x0  }
0x26: {  	s18 =	rddreg [dreg:$0x9];
	[sflag:s23] =	ssyncadd.s32 $0xFFFFEC00  }
0x27: {  	[tilespmem:s4], [sflag:$0x5] =	stream.linear.gather [hbm4b:s18+s4], $0x50, $0x38;
	[tilespmem:$0xDCA0] =	vst v63  }
0x28: {  	_ =	swait.ge [sflag:s23], $0x50  }
0x29: {  	[sflag:s23] =	ssyncset.done $0x0  }
0x2a: {  	[sflag:s23] =	ssyncadd.s32 $0xFFFFFFB0  }
0x2b: {  	[spmem:s3] =	stream.indirect.scatter [tilespmem:s22], [sflag:$0x5], $0x40, s4, s24, $0xb8;
	[tilespmem:$0xDCA0] =	vst v63  }
0x2c: {  	_ =	swait.ge [sflag:s23], $0x1400  }
0x2d: {  	[sflag:s23] =	ssyncset.done $0x0  }
0x2e: {  	[sflag:s23] =	ssyncadd.s32 $0xFFFFEC00  }
0x2f: {  	[tilespmem:s4], [sflag:$0x5] =	stream.linear.gather [hbm4b:s11+s4], $0x50, $0x38;
	[tilespmem:$0xDCA0] =	vst v63  }
0x30: {  	_ =	swait.ge [sflag:s23], $0x50  }
0x31: {  	[sflag:s23] =	ssyncset.done $0x0  }
0x32: {  	[sflag:s23] =	ssyncadd.s32 $0xFFFFFFB0  }
0x33: {  	[spmem:s3] =	stream.indirect.scatter [tilespmem:s22], [sflag:$0x5], $0x40, s4, s24, $0xb8;
	[tilespmem:$0xDCA0] =	vst v63  }
0x34: {  	_ =	swait.ge [sflag:s23], $0x1400  }
0x35: {  	[sflag:s23] =	ssyncset.done $0x0  }
0x36: {  	[sflag:s23] =	ssyncadd.s32 $0xFFFFEC00  }
0x37: {  	[tilespmem:s4], [sflag:$0x5] =	stream.linear.gather [hbm4b:s13+s4], $0x50, $0x38;
	[tilespmem:$0xDCA0] =	vst v63  }
0x38: {  	_ =	swait.ge [sflag:s23], $0x50  }
0x39: {  	[sflag:s23] =	ssyncset.done $0x0  }
0x3a: {  	[sflag:s23] =	ssyncadd.s32 $0xFFFFFFB0  }
0x3b: {  	[spmem:s3] =	stream.indirect.scatter [tilespmem:s22], [sflag:$0x5], $0x40, s4, s24, $0xb8;
	[tilespmem:$0xDCA0] =	vst v63  }
0x3c: {  	_ =	swait.ge [sflag:s23], $0x1400  }
0x3d: {  	[sflag:s23] =	ssyncset.done $0x0  }
0x3e: {  	[sflag:s23] =	ssyncadd.s32 $0xFFFFEC00  }
0x3f: {  	[tilespmem:s4], [sflag:$0x5] =	stream.linear.gather [hbm4b:s14+s4], $0x50, $0x38;
	[tilespmem:$0xDCA0] =	vst v63  }
0x40: {  	_ =	swait.ge [sflag:s23], $0x50  }
0x41: {  	[sflag:s23] =	ssyncset.done $0x0  }
0x42: {  	[sflag:s23] =	ssyncadd.s32 $0xFFFFFFB0  }
0x43: {  	[spmem:s3] =	stream.indirect.scatter [tilespmem:s22], [sflag:$0x5], $0x40, s4, s24, $0xb8;
	[tilespmem:$0xDCA0] =	vst v63  }
0x44: {  	_ =	swait.ge [sflag:s23], $0x1400  }
0x45: {  	[sflag:s23] =	ssyncset.done $0x0  }
0x46: {  	[sflag:s23] =	ssyncadd.s32 $0xFFFFEC00  }
0x47: {  	[tilespmem:s4], [sflag:$0x5] =	stream.linear.gather [hbm4b:s15+s4], $0x50, $0x38;
	[tilespmem:$0xDCA0] =	vst v63  }
0x48: {  	_ =	swait.ge [sflag:s23], $0x50  }
0x49: {  	[sflag:s23] =	ssyncset.done $0x0  }
0x4a: {  	[sflag:s23] =	ssyncadd.s32 $0xFFFFFFB0  }
0x4b: {  	[spmem:s3] =	stream.indirect.scatter [tilespmem:s22], [sflag:$0x5], $0x40, s4, s24, $0xb8;
	[tilespmem:$0xDCA0] =	vst v63  }
0x4c: {  	_ =	swait.ge [sflag:s23], $0x1400  }
0x4d: {  	[sflag:s23] =	ssyncset.done $0x0  }
0x4e: {  	[sflag:s23] =	ssyncadd.s32 $0xFFFFEC00  }
0x4f: {  	[tilespmem:s4], [sflag:$0x5] =	stream.linear.gather [hbm4b:s16+s4], $0x50, $0x38;
	[tilespmem:$0xDCA0] =	vst v63  }
0x50: {  	_ =	swait.ge [sflag:s23], $0x50  }
0x51: {  	[sflag:s23] =	ssyncset.done $0x0  }
0x52: {  	[sflag:s23] =	ssyncadd.s32 $0xFFFFFFB0  }
0x53: {  	[spmem:s3] =	stream.indirect.scatter [tilespmem:s22], [sflag:$0x5], $0x40, s4, s24, $0xb8;
	[tilespmem:$0xDCA0] =	vst v63  }
0x54: {  	_ =	swait.ge [sflag:s23], $0x1400  }
0x55: {  	[sflag:s23] =	ssyncset.done $0x0  }
0x56: {  	[sflag:s23] =	ssyncadd.s32 $0xFFFFEC00  }
0x57: {  	[tilespmem:s4], [sflag:$0x5] =	stream.linear.gather [hbm4b:s17+s4], $0x50, $0x38;
	[tilespmem:$0xDCA0] =	vst v63  }
0x58: {  	_ =	swait.ge [sflag:s23], $0x50  }
0x59: {  	[sflag:s23] =	ssyncset.done $0x0  }
0x5a: {  	[sflag:s23] =	ssyncadd.s32 $0xFFFFFFB0  }
0x5b: {  	[spmem:s3] =	stream.indirect.scatter [tilespmem:s22], [sflag:$0x5], $0x40, s4, s24, $0xb8;
	[tilespmem:$0xDCA0] =	vst v63  }
0x5c: {  	_ =	swait.ge [sflag:s23], $0x1400  }
0x5d: {  	[sflag:s23] =	ssyncset.done $0x0  }
0x5e: {  	[sflag:s23] =	ssyncadd.s32 $0xFFFFEC00  }
0x5f: {  	[bflag:$0x0] =	sbarrier.arrive $0xFFFF  }
0x60: {  	s20 =	rddreg [dreg:$0x5]  }
0x61: {  	[tilespmem:s4], [sflag:$0x1] =	stream.linear.gather [hbm4b:s20+s4], $0x50, $0x38;
	[tilespmem:$0xDCA0] =	vst v63  }
0x62: {  	s9 =	rddreg [dreg:$0x6]  }
0x63: {  	[tilespmem:s24], [sflag:$0x2] =	stream.linear.gather [hbm4b:s9+s4], $0x1400, $0x38;
	[tilespmem:$0xDCA0] =	vst v63  }
0x64: {  	_ = 	snop  }
0x65: {  	[tilespmem:s26], [sflag:$0x3] =	stream.linear.gather [hbm4b:s8+s4], $0x50, $0x38;
	[tilespmem:$0xDCA0] =	vst v63  }
0x66: {  	s10 =	sadd.s32 $0x0, s21  }
0x67: {  	[tilespmem:s28], [sflag:$0x4] =	stream.linear.gather [hbm4b:s10+s4], $0x1400, $0x38;
	[tilespmem:$0xDCA0] =	vst v63  }
0x68: {  	_ =	swait.ge [sflag:s29], $0x50  }
0x69: {  	[sflag:s29] =	ssyncset.done $0x0  }
0x6a: {  	[sflag:s29] =	ssyncadd.s32 $0xFFFFFFB0  }
0x6b: {  	_ =	swait.ge [sflag:s30], $0x1400  }
0x6c: {  	[sflag:s30] =	ssyncset.done $0x0  }
0x6d: {  	[sflag:s30] =	ssyncadd.s32 $0xFFFFEC00  }
0x6e: {  	[spmem:s3] =	stream.indirect.scatter.add.f32 [tilespmem:s24], [sflag:$0x6], $0x40, s4, s24, $0xb8;
	[tilespmem:$0xDCA0] =	vst v63  }
0x6f: {  	_ =	swait.ge [sflag:s31], $0x1400  }
0x70: {  	s18 =	sshrl.u32 s7, $0x3;
	[sflag:s31] =	ssyncset.done $0x0  }
0x71: {  	s6 =	sadd.s32 s2, s18;
	[sflag:s31] =	ssyncadd.s32 $0xFFFFEC00  }
0x72: {  	[tilespmem:s4], [sflag:$0x1] =	stream.linear.gather [hbm4b:s6+s4], $0x50, $0x38;
	[tilespmem:$0xDCA0] =	vst v63  }
0x73: {  	s20 =	sadd.s32 $0x0, s19  }
0x74: {  	[tilespmem:s24], [sflag:$0x2] =	stream.linear.gather [hbm4b:s20+s4], $0x1400, $0x38;
	[tilespmem:$0xDCA0] =	vst v63  }
0x75: {  	_ =	swait.ge [sflag:s0], $0x50  }
0x76: {  	[sflag:s0] =	ssyncset.done $0x0  }
0x77: {  	[sflag:s0] =	ssyncadd.s32 $0xFFFFFFB0  }
0x78: {  	_ =	swait.ge [sflag:s1], $0x1400  }
0x79: {  	[sflag:s1] =	ssyncset.done $0x0  }
0x7a: {  	[sflag:s1] =	ssyncadd.s32 $0xFFFFEC00  }
0x7b: {  	[spmem:s3] =	stream.indirect.scatter.add.f32 [tilespmem:s28], [sflag:$0x5], $0x40, s26, s24, $0xb8;
	[tilespmem:$0xDCA0] =	vst v63  }
0x7c: {  	s18 =	smov.u32 s7;
	_ =	swait.ge [sflag:s23], $0x1400  }
0x7d: {  	s6 =	simm.s32 $0x500;
	s20 =	smov.u32 s8;
	[sflag:s23] =	ssyncset.done $0x0  }
.LBB2_2:
0x7e: {  	[sflag:s23] =	ssyncadd.s32 $0xFFFFEC00  }
0x7f: {  	s18 =	sadd.s32 $0xA0, s18;
	s20 =	sadd.s32 $0x14, s20;
	s9 =	smov.u32 s6  }
0x80: {  	[tilespmem:s26], [sflag:$0x3] =	stream.linear.gather [hbm4b:s20+s4], $0x50, $0x38;
	[tilespmem:$0xDCA0] =	vst v63  }
0x81: {  	p0 =	sne.s32 s6, $0x13100;
	s6 =	sadd.s32 $0x500, s6;
	s10 =	sadd.s32 s9, s21  }
0x82: {  	[tilespmem:s28], [sflag:$0x4] =	stream.linear.gather [hbm4b:s10+s4], $0x1400, $0x38;
	[tilespmem:$0xDCA0] =	vst v63  }
0x83: {  	_ =	swait.ge [sflag:s29], $0x50  }
0x84: {  	[sflag:s29] =	ssyncset.done $0x0  }
0x85: {  	[sflag:s29] =	ssyncadd.s32 $0xFFFFFFB0  }
0x86: {  	_ =	swait.ge [sflag:s30], $0x1400  }
0x87: {  	[sflag:s30] =	ssyncset.done $0x0  }
0x88: {  	[sflag:s30] =	ssyncadd.s32 $0xFFFFEC00  }
0x89: {  	[spmem:s3] =	stream.indirect.scatter.add.f32 [tilespmem:s24], [sflag:$0x6], $0x40, s4, s24, $0xb8;
	[tilespmem:$0xDCA0] =	vst v63  }
0x8a: {  	_ =	swait.ge [sflag:s31], $0x1400  }
0x8b: {  	s10 =	sshrl.u32 s18, $0x3;
	[sflag:s31] =	ssyncset.done $0x0  }
0x8c: {  	s10 =	sadd.s32 s2, s10;
	[sflag:s31] =	ssyncadd.s32 $0xFFFFEC00  }
0x8d: {  	[tilespmem:s4], [sflag:$0x1] =	stream.linear.gather [hbm4b:s10+s4], $0x50, $0x38;
	[tilespmem:$0xDCA0] =	vst v63  }
0x8e: {  	s9 =	sadd.s32 s9, s19  }
0x8f: {  	[tilespmem:s24], [sflag:$0x2] =	stream.linear.gather [hbm4b:s9+s4], $0x1400, $0x38;
	[tilespmem:$0xDCA0] =	vst v63  }
0x90: {  	_ =	swait.ge [sflag:s0], $0x50  }
0x91: {  	[sflag:s0] =	ssyncset.done $0x0  }
0x92: {  	[sflag:s0] =	ssyncadd.s32 $0xFFFFFFB0  }
0x93: {  	_ =	swait.ge [sflag:s1], $0x1400  }
.Ltmp0:
0x94: {  	[sflag:s1] =	ssyncset.done $0x0;
	(pc) =	sbr.rel @p0 .LBB2_2-.Ltmp0, $4  }
0x95: {  	[sflag:s1] =	ssyncadd.s32 $0xFFFFEC00  }
0x96: {  	[spmem:s3] =	stream.indirect.scatter.add.f32 [tilespmem:s28], [sflag:$0x5], $0x40, s26, s24, $0xb8;
	[tilespmem:$0xDCA0] =	vst v63  }
0x97: {  	_ =	swait.ge [sflag:s23], $0x1400  }
0x98: {  	[sflag:s23] =	ssyncset.done $0x0  }
0x99: {  	[sflag:s23] =	ssyncadd.s32 $0xFFFFEC00  }
0x9a: {  	_ =	swait.ge [sflag:s29], $0x50  }
0x9b: {  	[sflag:s29] =	ssyncset.done $0x0  }
0x9c: {  	[sflag:s29] =	ssyncadd.s32 $0xFFFFFFB0  }
0x9d: {  	_ =	swait.ge [sflag:s30], $0x1400  }
0x9e: {  	[sflag:s30] =	ssyncset.done $0x0  }
0x9f: {  	[sflag:s30] =	ssyncadd.s32 $0xFFFFEC00  }
0xa0: {  	[spmem:s3] =	stream.indirect.scatter.add.f32 [tilespmem:s24], [sflag:$0x6], $0x40, s4, s24, $0xb8;
	[tilespmem:$0xDCA0] =	vst v63  }
0xa1: {  	_ =	swait.ge [sflag:s31], $0x1400  }
0xa2: {  	[sflag:s31] =	ssyncset.done $0x0  }
0xa3: {  	s6 =	stileid.u32;
	s5 =	sadd.s32 $0x1, s5;
	[sflag:s31] =	ssyncadd.s32 $0xFFFFEC00  }
0xa4: {  	s6 =	sshll.u32 s6, $0x6;
	p0 =	sne.s32 s5, s12;
	[bflag:$0x0] =	sbarrier.arrive $0xFFFF  }
.Ltmp1:
0xa5: {  	s6 =	sor.u32 $0x1C05, s6;
	s9 =	rddreg [dreg:$0x7];
	(pc) =	sbr.rel @p0 .LBB2_1-.Ltmp1, $4  }
0xa6: {  	[hbm:s9], [sflag:s6] =	dma.local [spmem:s25], $0x1400  }
0xa7: {  	_ =	swait.ge [sflag:s23], $0x1400  }
0xa8: {  	[sflag:s23] =	ssyncset.done $0x0  }
0xa9: {  	[sflag:s23] =	ssyncadd.s32 $0xFFFFEC00  }
0xaa: {  	_ =	sfence.sel $0x180000  }
0xab: {  	[bflag:$0x0] =	sbarrier.arrive $0xFFFF  }
0xac: {  	_ =	strace $0x90000050  }
0xad: {  	s0 =	stileid.u32;
	[bflag:$0x2] =	sbarrier.arrive $0xFFFF  }
0xae: {  	p0 =	sne.s32 s0, $0x0;
	s0 =	rddreg [dreg:$0x3]  }
0xaf: {  	s0 =	sadd.s32 @!p0 $0x100000, s0  }
0xb0: {  	[sflag:s0] =	ssyncadd.tile.s32 @!p0 $0x1;
	_ =	shalt  }
.Lfunc_end2:
_tile_overlayer_lowered:
.L_overlay_start_2:
0xb1: {  	(tag) =	ssettag $0x2  }
0xb2: {  	s0 =	rddreg [dreg:$0x0];
	s2 =	stileid.u32  }
0xb3: {  	s1 =	rddreg [dreg:$0x1];
	p0 =	sne.s32 s2, $0x0  }
0xb4: {  	s3 =	rddreg [dreg:$0x2];
	[bflag:$0x3] =	sbarrier.arrive $0xFFFF;
	s2 =	simm.s32 @!p0 $0x1C05  }
0xb5: {  	[timem:s3], [sflag:s2] =	dma.local @!p0 [hbm:s0], s1  }
0xb6: {  	s0 =	simm.s32 @!p0 $0x5  }
0xb7: {  	_ =	swait.ge @!p0 [sflag:s0], s1  }
0xb8: {  	s1 =	ssub.s32 @!p0 $0x0, s1;
	[sflag:s0] =	ssyncset.done @!p0 $0x0  }
0xb9: {  	[sflag:s0] =	ssyncadd.s32 @!p0 s1  }
0xba: {  	[bflag:$0x3] =	sbarrier.arrive $0xFFFF  }
0xbb: {  	_ =	shalt  }

</sc_bundles>
